<compile_context>
chip_gen: v7x
topology: tpu7x:2x2x1
jax: 0.10.2.dev20260603
libtpu: 0.0.44.dev20260713+nightly
codegen_flags: <defaults>
</compile_context>

<pallas_src>
import functools

import jax
import jax.numpy as jnp
from jax import lax
from jax.experimental import pallas as pl
from jax.experimental.pallas import tpu as pltpu
from jax.experimental.pallas import tpu_sc as plsc

DIM = 768
ROWS = 4096
NC, NS = 2, 16
NW = NC * NS
PER_W = ROWS // NW
CHUNK = 32
NCH = PER_W // CHUNK
NTAB = 6
NBUF = 4


def _build(seq):
    mesh = plsc.VectorSubcoreMesh(core_axis_name="c", subcore_axis_name="s")
    out_type = [jax.ShapeDtypeStruct((ROWS, DIM), jnp.float32)] * (2 * NTAB)
    scratch = (
        [pltpu.VMEM((NCH, CHUNK), jnp.int32)]
        + [pltpu.VMEM((CHUNK, DIM), jnp.float32)] * NBUF
        + [pltpu.SemaphoreType.DMA] * (2 * NBUF)
    )

    @functools.partial(pl.kernel, mesh=mesh, out_type=out_type,
                       scratch_types=scratch)
    def gather12(idx_hbm, t0, t1, t2, t3, t4, t5, *rest):
        tabs = [t0, t1, t2, t3, t4, t5]
        outs = list(rest[:2 * NTAB])
        idx_v = rest[2 * NTAB]
        bufs = list(rest[2 * NTAB + 1:2 * NTAB + 1 + NBUF])
        gsems = list(rest[2 * NTAB + 1 + NBUF:2 * NTAB + 1 + 2 * NBUF])
        ssems = list(rest[2 * NTAB + 1 + 2 * NBUF:])
        wid = lax.axis_index("s") * NC + lax.axis_index("c")
        base = wid * PER_W
        row = wid // (seq // PER_W)
        col = (wid % (seq // PER_W)) * PER_W
        for h in range(NCH):
            pltpu.sync_copy(
                idx_hbm.at[row, pl.ds(col + h * CHUNK, CHUNK)], idx_v.at[h])

        total = NTAB * NCH
        ghandles = {}
        shandles = {}

        def start_gather(c):
            t, h = divmod(c, NCH)
            b = c % NBUF
            ghandles[c] = pltpu.async_copy(
                tabs[t].at[idx_v.at[h]], bufs[b], gsems[b])

        def start_scatter(c):
            t, h = divmod(c, NCH)
            b = c % NBUF
            dst = pl.ds(base + h * CHUNK, CHUNK)
            shandles[c] = (
                pltpu.async_copy(bufs[b], outs[t].at[dst], ssems[b]),
                pltpu.async_copy(bufs[b], outs[11 - t].at[dst], ssems[b]),
            )

        def wait_scatter(c):
            shandles[c][0].wait()
            shandles[c][1].wait()

        for c in range(NBUF - 1):
            start_gather(c)
        for c in range(total):
            ghandles[c].wait()
            start_scatter(c)
            n = c + NBUF - 1
            if n < total:
                if n >= NBUF:
                    wait_scatter(n - NBUF)
                start_gather(n)
        for c in range(total - NBUF, total):
            wait_scatter(c)

    return gather12


@functools.cache
def _gather12(seq):
    return _build(seq)


def kernel(inputs, W0, W1, W2, W3, W4, W5):
    b, s = inputs.shape
    outs = _gather12(s)(inputs.astype(jnp.int32), W0, W1, W2, W3, W4, W5)
    return tuple(o.reshape(b, s, DIM) for o in outs)

# --- scband reference (transcript-rebuilt; emitter-appended) ---
"""Pipeline reference for scband-value-embedding-18270790877745 (READ-ONLY COPY).

The authoritative reference and input builder live on the scoring server;
editing this copy changes nothing except your own understanding.
"""

import jax, jax.numpy as jnp
import numpy as np

VOCAB = 100000
DIM = 768
BATCH = 2
SEQ = 2048

def setup_inputs(seed: int = 0) -> dict:
    key = jax.random.key(seed)
    ks = jax.random.split(key, 7)
    inputs = jax.random.randint(ks[0], (BATCH, SEQ), 0, VOCAB, dtype=jnp.int64 if jax.config.jax_enable_x64 else jnp.int32)
    d = {"inputs": inputs}
    for i in range(6):
        d[f"W{i}"] = jax.random.normal(ks[i + 1], (VOCAB, DIM), dtype=jnp.float32) * 0.02
    return d

def reference(inputs, W0, W1, W2, W3, W4, W5):
    # ValueEmbedding.forward: ve = [emb(inputs) for emb in self.embed]; ve += reversed(ve)
    tables = [W0, W1, W2, W3, W4, W5]
    ve = [jnp.take(t, inputs, axis=0) for t in tables]
    ve = ve + ve[::-1]
    return tuple(ve)

if __name__ == "__main__":
    import jax
    _d = setup_inputs()
    print(jax.jit(kernel)(*tuple(_d.values())))

</pallas_src>

<mosaic_0001>
#map = affine_map<(d0, d1) -> (0, 0)>
module attributes {stable_mosaic.version = 14 : i64} {
  func.func @gather12(%arg0: i32, %arg1: i32, %arg2: memref<2x2048xi32, #tpu.memory_space<hbm>>, %arg3: memref<100000x768xf32, #tpu.memory_space<hbm>>, %arg4: memref<100000x768xf32, #tpu.memory_space<hbm>>, %arg5: memref<100000x768xf32, #tpu.memory_space<hbm>>, %arg6: memref<100000x768xf32, #tpu.memory_space<hbm>>, %arg7: memref<100000x768xf32, #tpu.memory_space<hbm>>, %arg8: memref<100000x768xf32, #tpu.memory_space<hbm>>, %arg9: memref<4096x768xf32, #tpu.memory_space<hbm>>, %arg10: memref<4096x768xf32, #tpu.memory_space<hbm>>, %arg11: memref<4096x768xf32, #tpu.memory_space<hbm>>, %arg12: memref<4096x768xf32, #tpu.memory_space<hbm>>, %arg13: memref<4096x768xf32, #tpu.memory_space<hbm>>, %arg14: memref<4096x768xf32, #tpu.memory_space<hbm>>, %arg15: memref<4096x768xf32, #tpu.memory_space<hbm>>, %arg16: memref<4096x768xf32, #tpu.memory_space<hbm>>, %arg17: memref<4096x768xf32, #tpu.memory_space<hbm>>, %arg18: memref<4096x768xf32, #tpu.memory_space<hbm>>, %arg19: memref<4096x768xf32, #tpu.memory_space<hbm>>, %arg20: memref<4096x768xf32, #tpu.memory_space<hbm>>, %arg21: memref<4x32xi32, #tpu.memory_space<vmem>>, %arg22: memref<32x768xf32, #tpu.memory_space<vmem>>, %arg23: memref<32x768xf32, #tpu.memory_space<vmem>>, %arg24: memref<32x768xf32, #tpu.memory_space<vmem>>, %arg25: memref<32x768xf32, #tpu.memory_space<vmem>>, %arg26: memref<!tpu.dma_semaphore, #tpu.memory_space<semaphore_mem>>, %arg27: memref<!tpu.dma_semaphore, #tpu.memory_space<semaphore_mem>>, %arg28: memref<!tpu.dma_semaphore, #tpu.memory_space<semaphore_mem>>, %arg29: memref<!tpu.dma_semaphore, #tpu.memory_space<semaphore_mem>>, %arg30: memref<!tpu.dma_semaphore, #tpu.memory_space<semaphore_mem>>, %arg31: memref<!tpu.dma_semaphore, #tpu.memory_space<semaphore_mem>>, %arg32: memref<!tpu.dma_semaphore, #tpu.memory_space<semaphore_mem>>, %arg33: memref<!tpu.dma_semaphore, #tpu.memory_space<semaphore_mem>>) attributes {dimension_semantics = [#tpu.dimension_semantics<core_parallel>, #tpu.dimension_semantics<subcore_parallel>], iteration_bounds = array<i64: 2, 16>, scalar_prefetch = 0 : i64, scratch_operands = 13 : i64, tpu.core_type = #tpu.core_type<sc_vector_subcore>, window_params = [{transform_indices = #map}, {transform_indices = #map}, {transform_indices = #map}, {transform_indices = #map}, {transform_indices = #map}, {transform_indices = #map}, {transform_indices = #map}, {transform_indices = #map}, {transform_indices = #map}, {transform_indices = #map}, {transform_indices = #map}, {transform_indices = #map}, {transform_indices = #map}, {transform_indices = #map}, {transform_indices = #map}, {transform_indices = #map}, {transform_indices = #map}, {transform_indices = #map}, {transform_indices = #map}]} {
    %mul3A = arith.constant 2 : i32
    %mul3A_0 = arith.muli %arg1, %mul3A : i32
    %add3A = arith.addi %mul3A_0, %arg0 : i32
    %mul3A_1 = arith.constant 128 : i32
    %mul3A_2 = arith.muli %add3A, %mul3A_1 : i32
    %jit3A = arith.constant 16 : i32
    %div3A = arith.divsi %add3A, %jit3A : i32
    %sign3A = arith.constant 0 : i32
    %sign3A_3 = arith.cmpi sgt, %add3A, %sign3A : i32
    %sign3A_4 = arith.extui %sign3A_3 : i1 to i32
    %sign3A_5 = arith.constant 0 : i32
    %sign3A_6 = arith.cmpi slt, %add3A, %sign3A_5 : i32
    %sign3A_7 = arith.extui %sign3A_6 : i1 to i32
    %sign3A_8 = arith.subi %sign3A_4, %sign3A_7 : i32
    %sign3A_9 = arith.constant 0 : i32
    %sign3A_10 = arith.cmpi sgt, %jit3A, %sign3A_9 : i32
    %sign3A_11 = arith.extui %sign3A_10 : i1 to i32
    %sign3A_12 = arith.constant 0 : i32
    %sign3A_13 = arith.cmpi slt, %jit3A, %sign3A_12 : i32
    %sign3A_14 = arith.extui %sign3A_13 : i1 to i32
    %sign3A_15 = arith.subi %sign3A_11, %sign3A_14 : i32
    %ne3A = arith.cmpi ne, %sign3A_8, %sign3A_15 : i32
    %rem3A = arith.remsi %add3A, %jit3A : i32
    %ne3A_16 = arith.constant 0 : i32
    %ne3A_17 = arith.cmpi ne, %rem3A, %ne3A_16 : i32
    %and3A = arith.andi %ne3A, %ne3A_17 : i1
    %sub3A = arith.constant 1 : i32
    %sub3A_18 = arith.subi %div3A, %sub3A : i32
    %select_n3A = arith.select %and3A, %sub3A_18, %div3A : i32
    %jit3A_19 = arith.constant 16 : i32
    %eq3A = arith.constant 0 : i32
    %eq3A_20 = arith.cmpi eq, %jit3A_19, %eq3A : i32
    %jit3A_21 = arith.constant 1 : i32
    %select_n3A_22 = arith.select %eq3A_20, %jit3A_21, %jit3A_19 : i32
    %rem3A_23 = arith.remsi %add3A, %select_n3A_22 : i32
    %ne3A_24 = arith.constant 0 : i32
    %ne3A_25 = arith.cmpi ne, %rem3A_23, %ne3A_24 : i32
    %lt3A = arith.constant 0 : i32
    %lt3A_26 = arith.cmpi slt, %rem3A_23, %lt3A : i32
    %lt3A_27 = arith.constant 0 : i32
    %lt3A_28 = arith.cmpi slt, %select_n3A_22, %lt3A_27 : i32
    %ne3A_29 = arith.xori %lt3A_26, %lt3A_28 : i1
    %and3A_30 = arith.andi %ne3A_29, %ne3A_25 : i1
    %add3A_31 = arith.addi %rem3A_23, %select_n3A_22 : i32
    %select_n3A_32 = arith.select %and3A_30, %add3A_31, %rem3A_23 : i32
    %mul3A_33 = arith.constant 128 : i32
    %mul3A_34 = arith.muli %select_n3A_32, %mul3A_33 : i32
    %add3A_35 = arith.constant 0 : i32
    %add3A_36 = arith.addi %mul3A_34, %add3A_35 : i32
    %run_scoped3A = arith.constant 0 : i32
    "tpu.region"() ({
      %run_scoped3A_812 = tpu.sem_alloc : memref<!tpu.dma_semaphore, #tpu.memory_space<semaphore_mem>>
      %dma_start3A_813 = arith.constant 0 : i32
      %dma_start3A_814 = tpu.memref_slice %arg21[%run_scoped3A, %dma_start3A_813] : memref<4x32xi32, #tpu.memory_space<vmem>> -> memref<1x32xi32, #tpu.memory_space<vmem>>
      %dma_start3A_815 = tpu.memref_squeeze %dma_start3A_814 : memref<1x32xi32, #tpu.memory_space<vmem>> -> memref<32xi32, #tpu.memory_space<vmem>>
      %dma_start3A_816 = tpu.memref_slice %arg2[%select_n3A, %add3A_36] : memref<2x2048xi32, #tpu.memory_space<hbm>> -> memref<1x32xi32, #tpu.memory_space<hbm>>
      %dma_start3A_817 = tpu.memref_squeeze %dma_start3A_816 : memref<1x32xi32, #tpu.memory_space<hbm>> -> memref<32xi32, #tpu.memory_space<hbm>>
      %dma_start3A_818 = arith.constant 0 : i32
      %dma_start3A_819 = tpu.memref_slice %arg21[%run_scoped3A, %dma_start3A_818] : memref<4x32xi32, #tpu.memory_space<vmem>> -> memref<1x32xi32, #tpu.memory_space<vmem>>
      %dma_start3A_820 = tpu.memref_squeeze %dma_start3A_819 : memref<1x32xi32, #tpu.memory_space<vmem>> -> memref<32xi32, #tpu.memory_space<vmem>>
      %dma_start3A_821 = tpu.memref_slice %arg2[%select_n3A, %add3A_36] : memref<2x2048xi32, #tpu.memory_space<hbm>> -> memref<1x32xi32, #tpu.memory_space<hbm>>
      %dma_start3A_822 = tpu.memref_squeeze %dma_start3A_821 : memref<1x32xi32, #tpu.memory_space<hbm>> -> memref<32xi32, #tpu.memory_space<hbm>>
      tpu.enqueue_dma source(%dma_start3A_822 : memref<32xi32, #tpu.memory_space<hbm>>) target(%dma_start3A_820 : memref<32xi32, #tpu.memory_space<vmem>>) target_semaphore(%run_scoped3A_812 : memref<!tpu.dma_semaphore, #tpu.memory_space<semaphore_mem>>)
      %dma_wait3A_823 = arith.constant 0 : i32
      %dma_wait3A_824 = tpu.memref_slice %arg21[%run_scoped3A, %dma_wait3A_823] : memref<4x32xi32, #tpu.memory_space<vmem>> -> memref<1x32xi32, #tpu.memory_space<vmem>>
      %dma_wait3A_825 = tpu.memref_squeeze %dma_wait3A_824 : memref<1x32xi32, #tpu.memory_space<vmem>> -> memref<32xi32, #tpu.memory_space<vmem>>
      %dma_wait3A_826 = tpu.memref_slice %arg2[%select_n3A, %add3A_36] : memref<2x2048xi32, #tpu.memory_space<hbm>> -> memref<1x32xi32, #tpu.memory_space<hbm>>
      %dma_wait3A_827 = tpu.memref_squeeze %dma_wait3A_826 : memref<1x32xi32, #tpu.memory_space<hbm>> -> memref<32xi32, #tpu.memory_space<hbm>>
      %dma_wait3A_828 = arith.constant 0 : i32
      %dma_wait3A_829 = tpu.memref_slice %arg21[%run_scoped3A, %dma_wait3A_828] : memref<4x32xi32, #tpu.memory_space<vmem>> -> memref<1x32xi32, #tpu.memory_space<vmem>>
      %dma_wait3A_830 = tpu.memref_squeeze %dma_wait3A_829 : memref<1x32xi32, #tpu.memory_space<vmem>> -> memref<32xi32, #tpu.memory_space<vmem>>
      %dma_wait3A_831 = tpu.memref_slice %arg2[%select_n3A, %add3A_36] : memref<2x2048xi32, #tpu.memory_space<hbm>> -> memref<1x32xi32, #tpu.memory_space<hbm>>
      %dma_wait3A_832 = tpu.memref_squeeze %dma_wait3A_831 : memref<1x32xi32, #tpu.memory_space<hbm>> -> memref<32xi32, #tpu.memory_space<hbm>>
      tpu.wait_dma2 semaphore(%run_scoped3A_812 : memref<!tpu.dma_semaphore, #tpu.memory_space<semaphore_mem>>) src(%dma_wait3A_832 : memref<32xi32, #tpu.memory_space<hbm>>) dst(%dma_wait3A_830 : memref<32xi32, #tpu.memory_space<vmem>>)
      tpu.yield
    }) : () -> ()
    %add3A_37 = arith.constant 32 : i32
    %add3A_38 = arith.addi %mul3A_34, %add3A_37 : i32
    %run_scoped3A_39 = arith.constant 1 : i32
    "tpu.region"() ({
      %run_scoped3A_812 = tpu.sem_alloc : memref<!tpu.dma_semaphore, #tpu.memory_space<semaphore_mem>>
      %dma_start3A_813 = arith.constant 0 : i32
      %dma_start3A_814 = tpu.memref_slice %arg21[%run_scoped3A_39, %dma_start3A_813] : memref<4x32xi32, #tpu.memory_space<vmem>> -> memref<1x32xi32, #tpu.memory_space<vmem>>
      %dma_start3A_815 = tpu.memref_squeeze %dma_start3A_814 : memref<1x32xi32, #tpu.memory_space<vmem>> -> memref<32xi32, #tpu.memory_space<vmem>>
      %dma_start3A_816 = tpu.memref_slice %arg2[%select_n3A, %add3A_38] : memref<2x2048xi32, #tpu.memory_space<hbm>> -> memref<1x32xi32, #tpu.memory_space<hbm>>
      %dma_start3A_817 = tpu.memref_squeeze %dma_start3A_816 : memref<1x32xi32, #tpu.memory_space<hbm>> -> memref<32xi32, #tpu.memory_space<hbm>>
      %dma_start3A_818 = arith.constant 0 : i32
      %dma_start3A_819 = tpu.memref_slice %arg21[%run_scoped3A_39, %dma_start3A_818] : memref<4x32xi32, #tpu.memory_space<vmem>> -> memref<1x32xi32, #tpu.memory_space<vmem>>
      %dma_start3A_820 = tpu.memref_squeeze %dma_start3A_819 : memref<1x32xi32, #tpu.memory_space<vmem>> -> memref<32xi32, #tpu.memory_space<vmem>>
      %dma_start3A_821 = tpu.memref_slice %arg2[%select_n3A, %add3A_38] : memref<2x2048xi32, #tpu.memory_space<hbm>> -> memref<1x32xi32, #tpu.memory_space<hbm>>
      %dma_start3A_822 = tpu.memref_squeeze %dma_start3A_821 : memref<1x32xi32, #tpu.memory_space<hbm>> -> memref<32xi32, #tpu.memory_space<hbm>>
      tpu.enqueue_dma source(%dma_start3A_822 : memref<32xi32, #tpu.memory_space<hbm>>) target(%dma_start3A_820 : memref<32xi32, #tpu.memory_space<vmem>>) target_semaphore(%run_scoped3A_812 : memref<!tpu.dma_semaphore, #tpu.memory_space<semaphore_mem>>)
      %dma_wait3A_823 = arith.constant 0 : i32
      %dma_wait3A_824 = tpu.memref_slice %arg21[%run_scoped3A_39, %dma_wait3A_823] : memref<4x32xi32, #tpu.memory_space<vmem>> -> memref<1x32xi32, #tpu.memory_space<vmem>>
      %dma_wait3A_825 = tpu.memref_squeeze %dma_wait3A_824 : memref<1x32xi32, #tpu.memory_space<vmem>> -> memref<32xi32, #tpu.memory_space<vmem>>
      %dma_wait3A_826 = tpu.memref_slice %arg2[%select_n3A, %add3A_38] : memref<2x2048xi32, #tpu.memory_space<hbm>> -> memref<1x32xi32, #tpu.memory_space<hbm>>
      %dma_wait3A_827 = tpu.memref_squeeze %dma_wait3A_826 : memref<1x32xi32, #tpu.memory_space<hbm>> -> memref<32xi32, #tpu.memory_space<hbm>>
      %dma_wait3A_828 = arith.constant 0 : i32
      %dma_wait3A_829 = tpu.memref_slice %arg21[%run_scoped3A_39, %dma_wait3A_828] : memref<4x32xi32, #tpu.memory_space<vmem>> -> memref<1x32xi32, #tpu.memory_space<vmem>>
      %dma_wait3A_830 = tpu.memref_squeeze %dma_wait3A_829 : memref<1x32xi32, #tpu.memory_space<vmem>> -> memref<32xi32, #tpu.memory_space<vmem>>
      %dma_wait3A_831 = tpu.memref_slice %arg2[%select_n3A, %add3A_38] : memref<2x2048xi32, #tpu.memory_space<hbm>> -> memref<1x32xi32, #tpu.memory_space<hbm>>
      %dma_wait3A_832 = tpu.memref_squeeze %dma_wait3A_831 : memref<1x32xi32, #tpu.memory_space<hbm>> -> memref<32xi32, #tpu.memory_space<hbm>>
      tpu.wait_dma2 semaphore(%run_scoped3A_812 : memref<!tpu.dma_semaphore, #tpu.memory_space<semaphore_mem>>) src(%dma_wait3A_832 : memref<32xi32, #tpu.memory_space<hbm>>) dst(%dma_wait3A_830 : memref<32xi32, #tpu.memory_space<vmem>>)
      tpu.yield
    }) : () -> ()
    %add3A_40 = arith.constant 64 : i32
    %add3A_41 = arith.addi %mul3A_34, %add3A_40 : i32
    %run_scoped3A_42 = arith.constant 2 : i32
    "tpu.region"() ({
      %run_scoped3A_812 = tpu.sem_alloc : memref<!tpu.dma_semaphore, #tpu.memory_space<semaphore_mem>>
      %dma_start3A_813 = arith.constant 0 : i32
      %dma_start3A_814 = tpu.memref_slice %arg21[%run_scoped3A_42, %dma_start3A_813] : memref<4x32xi32, #tpu.memory_space<vmem>> -> memref<1x32xi32, #tpu.memory_space<vmem>>
      %dma_start3A_815 = tpu.memref_squeeze %dma_start3A_814 : memref<1x32xi32, #tpu.memory_space<vmem>> -> memref<32xi32, #tpu.memory_space<vmem>>
      %dma_start3A_816 = tpu.memref_slice %arg2[%select_n3A, %add3A_41] : memref<2x2048xi32, #tpu.memory_space<hbm>> -> memref<1x32xi32, #tpu.memory_space<hbm>>
      %dma_start3A_817 = tpu.memref_squeeze %dma_start3A_816 : memref<1x32xi32, #tpu.memory_space<hbm>> -> memref<32xi32, #tpu.memory_space<hbm>>
      %dma_start3A_818 = arith.constant 0 : i32
      %dma_start3A_819 = tpu.memref_slice %arg21[%run_scoped3A_42, %dma_start3A_818] : memref<4x32xi32, #tpu.memory_space<vmem>> -> memref<1x32xi32, #tpu.memory_space<vmem>>
      %dma_start3A_820 = tpu.memref_squeeze %dma_start3A_819 : memref<1x32xi32, #tpu.memory_space<vmem>> -> memref<32xi32, #tpu.memory_space<vmem>>
      %dma_start3A_821 = tpu.memref_slice %arg2[%select_n3A, %add3A_41] : memref<2x2048xi32, #tpu.memory_space<hbm>> -> memref<1x32xi32, #tpu.memory_space<hbm>>
      %dma_start3A_822 = tpu.memref_squeeze %dma_start3A_821 : memref<1x32xi32, #tpu.memory_space<hbm>> -> memref<32xi32, #tpu.memory_space<hbm>>
      tpu.enqueue_dma source(%dma_start3A_822 : memref<32xi32, #tpu.memory_space<hbm>>) target(%dma_start3A_820 : memref<32xi32, #tpu.memory_space<vmem>>) target_semaphore(%run_scoped3A_812 : memref<!tpu.dma_semaphore, #tpu.memory_space<semaphore_mem>>)
      %dma_wait3A_823 = arith.constant 0 : i32
      %dma_wait3A_824 = tpu.memref_slice %arg21[%run_scoped3A_42, %dma_wait3A_823] : memref<4x32xi32, #tpu.memory_space<vmem>> -> memref<1x32xi32, #tpu.memory_space<vmem>>
      %dma_wait3A_825 = tpu.memref_squeeze %dma_wait3A_824 : memref<1x32xi32, #tpu.memory_space<vmem>> -> memref<32xi32, #tpu.memory_space<vmem>>
      %dma_wait3A_826 = tpu.memref_slice %arg2[%select_n3A, %add3A_41] : memref<2x2048xi32, #tpu.memory_space<hbm>> -> memref<1x32xi32, #tpu.memory_space<hbm>>
      %dma_wait3A_827 = tpu.memref_squeeze %dma_wait3A_826 : memref<1x32xi32, #tpu.memory_space<hbm>> -> memref<32xi32, #tpu.memory_space<hbm>>
      %dma_wait3A_828 = arith.constant 0 : i32
      %dma_wait3A_829 = tpu.memref_slice %arg21[%run_scoped3A_42, %dma_wait3A_828] : memref<4x32xi32, #tpu.memory_space<vmem>> -> memref<1x32xi32, #tpu.memory_space<vmem>>
      %dma_wait3A_830 = tpu.memref_squeeze %dma_wait3A_829 : memref<1x32xi32, #tpu.memory_space<vmem>> -> memref<32xi32, #tpu.memory_space<vmem>>
      %dma_wait3A_831 = tpu.memref_slice %arg2[%select_n3A, %add3A_41] : memref<2x2048xi32, #tpu.memory_space<hbm>> -> memref<1x32xi32, #tpu.memory_space<hbm>>
      %dma_wait3A_832 = tpu.memref_squeeze %dma_wait3A_831 : memref<1x32xi32, #tpu.memory_space<hbm>> -> memref<32xi32, #tpu.memory_space<hbm>>
      tpu.wait_dma2 semaphore(%run_scoped3A_812 : memref<!tpu.dma_semaphore, #tpu.memory_space<semaphore_mem>>) src(%dma_wait3A_832 : memref<32xi32, #tpu.memory_space<hbm>>) dst(%dma_wait3A_830 : memref<32xi32, #tpu.memory_space<vmem>>)
      tpu.yield
    }) : () -> ()
    %add3A_43 = arith.constant 96 : i32
    %add3A_44 = arith.addi %mul3A_34, %add3A_43 : i32
    %run_scoped3A_45 = arith.constant 3 : i32
    "tpu.region"() ({
      %run_scoped3A_812 = tpu.sem_alloc : memref<!tpu.dma_semaphore, #tpu.memory_space<semaphore_mem>>
      %dma_start3A_813 = arith.constant 0 : i32
      %dma_start3A_814 = tpu.memref_slice %arg21[%run_scoped3A_45, %dma_start3A_813] : memref<4x32xi32, #tpu.memory_space<vmem>> -> memref<1x32xi32, #tpu.memory_space<vmem>>
      %dma_start3A_815 = tpu.memref_squeeze %dma_start3A_814 : memref<1x32xi32, #tpu.memory_space<vmem>> -> memref<32xi32, #tpu.memory_space<vmem>>
      %dma_start3A_816 = tpu.memref_slice %arg2[%select_n3A, %add3A_44] : memref<2x2048xi32, #tpu.memory_space<hbm>> -> memref<1x32xi32, #tpu.memory_space<hbm>>
      %dma_start3A_817 = tpu.memref_squeeze %dma_start3A_816 : memref<1x32xi32, #tpu.memory_space<hbm>> -> memref<32xi32, #tpu.memory_space<hbm>>
      %dma_start3A_818 = arith.constant 0 : i32
      %dma_start3A_819 = tpu.memref_slice %arg21[%run_scoped3A_45, %dma_start3A_818] : memref<4x32xi32, #tpu.memory_space<vmem>> -> memref<1x32xi32, #tpu.memory_space<vmem>>
      %dma_start3A_820 = tpu.memref_squeeze %dma_start3A_819 : memref<1x32xi32, #tpu.memory_space<vmem>> -> memref<32xi32, #tpu.memory_space<vmem>>
      %dma_start3A_821 = tpu.memref_slice %arg2[%select_n3A, %add3A_44] : memref<2x2048xi32, #tpu.memory_space<hbm>> -> memref<1x32xi32, #tpu.memory_space<hbm>>
      %dma_start3A_822 = tpu.memref_squeeze %dma_start3A_821 : memref<1x32xi32, #tpu.memory_space<hbm>> -> memref<32xi32, #tpu.memory_space<hbm>>
      tpu.enqueue_dma source(%dma_start3A_822 : memref<32xi32, #tpu.memory_space<hbm>>) target(%dma_start3A_820 : memref<32xi32, #tpu.memory_space<vmem>>) target_semaphore(%run_scoped3A_812 : memref<!tpu.dma_semaphore, #tpu.memory_space<semaphore_mem>>)
      %dma_wait3A_823 = arith.constant 0 : i32
      %dma_wait3A_824 = tpu.memref_slice %arg21[%run_scoped3A_45, %dma_wait3A_823] : memref<4x32xi32, #tpu.memory_space<vmem>> -> memref<1x32xi32, #tpu.memory_space<vmem>>
      %dma_wait3A_825 = tpu.memref_squeeze %dma_wait3A_824 : memref<1x32xi32, #tpu.memory_space<vmem>> -> memref<32xi32, #tpu.memory_space<vmem>>
      %dma_wait3A_826 = tpu.memref_slice %arg2[%select_n3A, %add3A_44] : memref<2x2048xi32, #tpu.memory_space<hbm>> -> memref<1x32xi32, #tpu.memory_space<hbm>>
      %dma_wait3A_827 = tpu.memref_squeeze %dma_wait3A_826 : memref<1x32xi32, #tpu.memory_space<hbm>> -> memref<32xi32, #tpu.memory_space<hbm>>
      %dma_wait3A_828 = arith.constant 0 : i32
      %dma_wait3A_829 = tpu.memref_slice %arg21[%run_scoped3A_45, %dma_wait3A_828] : memref<4x32xi32, #tpu.memory_space<vmem>> -> memref<1x32xi32, #tpu.memory_space<vmem>>
      %dma_wait3A_830 = tpu.memref_squeeze %dma_wait3A_829 : memref<1x32xi32, #tpu.memory_space<vmem>> -> memref<32xi32, #tpu.memory_space<vmem>>
      %dma_wait3A_831 = tpu.memref_slice %arg2[%select_n3A, %add3A_44] : memref<2x2048xi32, #tpu.memory_space<hbm>> -> memref<1x32xi32, #tpu.memory_space<hbm>>
      %dma_wait3A_832 = tpu.memref_squeeze %dma_wait3A_831 : memref<1x32xi32, #tpu.memory_space<hbm>> -> memref<32xi32, #tpu.memory_space<hbm>>
      tpu.wait_dma2 semaphore(%run_scoped3A_812 : memref<!tpu.dma_semaphore, #tpu.memory_space<semaphore_mem>>) src(%dma_wait3A_832 : memref<32xi32, #tpu.memory_space<hbm>>) dst(%dma_wait3A_830 : memref<32xi32, #tpu.memory_space<vmem>>)
      tpu.yield
    }) : () -> ()
    %dma_start3A = arith.constant 0 : i32
    %dma_start3A_46 = arith.constant 0 : i32
    %dma_start3A_47 = tpu.memref_slice %arg21[%dma_start3A, %dma_start3A_46] : memref<4x32xi32, #tpu.memory_space<vmem>> -> memref<1x32xi32, #tpu.memory_space<vmem>>
    %dma_start3A_48 = tpu.memref_squeeze %dma_start3A_47 : memref<1x32xi32, #tpu.memory_space<vmem>> -> memref<32xi32, #tpu.memory_space<vmem>>
    %dma_start3A_49 = arith.constant 0 : i32
    %dma_start3A_50 = arith.constant 0 : i32
    %dma_start3A_51 = tpu.memref_slice %arg3[%dma_start3A_49, %dma_start3A_50] : memref<100000x768xf32, #tpu.memory_space<hbm>> -> memref<100000x768xf32, #tpu.memory_space<hbm>>
    tpu.enqueue_indirect_dma source(%dma_start3A_51 : memref<100000x768xf32, #tpu.memory_space<hbm>>) target(%arg22 : memref<32x768xf32, #tpu.memory_space<vmem>>) offsets(%dma_start3A_48 : memref<32xi32, #tpu.memory_space<vmem>>) semaphore(%arg26 : memref<!tpu.dma_semaphore, #tpu.memory_space<semaphore_mem>>)
    %dma_start3A_52 = arith.constant 1 : i32
    %dma_start3A_53 = arith.constant 0 : i32
    %dma_start3A_54 = tpu.memref_slice %arg21[%dma_start3A_52, %dma_start3A_53] : memref<4x32xi32, #tpu.memory_space<vmem>> -> memref<1x32xi32, #tpu.memory_space<vmem>>
    %dma_start3A_55 = tpu.memref_squeeze %dma_start3A_54 : memref<1x32xi32, #tpu.memory_space<vmem>> -> memref<32xi32, #tpu.memory_space<vmem>>
    %dma_start3A_56 = arith.constant 0 : i32
    %dma_start3A_57 = arith.constant 0 : i32
    %dma_start3A_58 = tpu.memref_slice %arg3[%dma_start3A_56, %dma_start3A_57] : memref<100000x768xf32, #tpu.memory_space<hbm>> -> memref<100000x768xf32, #tpu.memory_space<hbm>>
    tpu.enqueue_indirect_dma source(%dma_start3A_58 : memref<100000x768xf32, #tpu.memory_space<hbm>>) target(%arg23 : memref<32x768xf32, #tpu.memory_space<vmem>>) offsets(%dma_start3A_55 : memref<32xi32, #tpu.memory_space<vmem>>) semaphore(%arg27 : memref<!tpu.dma_semaphore, #tpu.memory_space<semaphore_mem>>)
    %dma_start3A_59 = arith.constant 2 : i32
    %dma_start3A_60 = arith.constant 0 : i32
    %dma_start3A_61 = tpu.memref_slice %arg21[%dma_start3A_59, %dma_start3A_60] : memref<4x32xi32, #tpu.memory_space<vmem>> -> memref<1x32xi32, #tpu.memory_space<vmem>>
    %dma_start3A_62 = tpu.memref_squeeze %dma_start3A_61 : memref<1x32xi32, #tpu.memory_space<vmem>> -> memref<32xi32, #tpu.memory_space<vmem>>
    %dma_start3A_63 = arith.constant 0 : i32
    %dma_start3A_64 = arith.constant 0 : i32
    %dma_start3A_65 = tpu.memref_slice %arg3[%dma_start3A_63, %dma_start3A_64] : memref<100000x768xf32, #tpu.memory_space<hbm>> -> memref<100000x768xf32, #tpu.memory_space<hbm>>
    tpu.enqueue_indirect_dma source(%dma_start3A_65 : memref<100000x768xf32, #tpu.memory_space<hbm>>) target(%arg24 : memref<32x768xf32, #tpu.memory_space<vmem>>) offsets(%dma_start3A_62 : memref<32xi32, #tpu.memory_space<vmem>>) semaphore(%arg28 : memref<!tpu.dma_semaphore, #tpu.memory_space<semaphore_mem>>)
    %dma_wait3A = arith.constant 0 : i32
    %dma_wait3A_66 = arith.constant 0 : i32
    %dma_wait3A_67 = tpu.memref_slice %arg21[%dma_wait3A, %dma_wait3A_66] : memref<4x32xi32, #tpu.memory_space<vmem>> -> memref<1x32xi32, #tpu.memory_space<vmem>>
    %dma_wait3A_68 = tpu.memref_squeeze %dma_wait3A_67 : memref<1x32xi32, #tpu.memory_space<vmem>> -> memref<32xi32, #tpu.memory_space<vmem>>
    %dma_wait3A_69 = arith.constant 0 : i32
    %dma_wait3A_70 = arith.constant 0 : i32
    %dma_wait3A_71 = tpu.memref_slice %arg3[%dma_wait3A_69, %dma_wait3A_70] : memref<100000x768xf32, #tpu.memory_space<hbm>> -> memref<100000x768xf32, #tpu.memory_space<hbm>>
    tpu.wait_indirect_dma semaphore(%arg26 : memref<!tpu.dma_semaphore, #tpu.memory_space<semaphore_mem>>) src(%dma_wait3A_71 : memref<100000x768xf32, #tpu.memory_space<hbm>>) dst(%arg22 : memref<32x768xf32, #tpu.memory_space<vmem>>)
    %add3A_72 = arith.constant 0 : i32
    %add3A_73 = arith.addi %mul3A_2, %add3A_72 : i32
    %dma_start3A_74 = arith.constant 0 : i32
    %dma_start3A_75 = tpu.memref_slice %arg9[%add3A_73, %dma_start3A_74] : memref<4096x768xf32, #tpu.memory_space<hbm>> -> memref<32x768xf32, #tpu.memory_space<hbm>>
    %dma_start3A_76 = arith.constant 0 : i32
    %dma_start3A_77 = tpu.memref_slice %arg9[%add3A_73, %dma_start3A_76] : memref<4096x768xf32, #tpu.memory_space<hbm>> -> memref<32x768xf32, #tpu.memory_space<hbm>>
    tpu.enqueue_dma source(%arg22 : memref<32x768xf32, #tpu.memory_space<vmem>>) target(%dma_start3A_77 : memref<32x768xf32, #tpu.memory_space<hbm>>) target_semaphore(%arg30 : memref<!tpu.dma_semaphore, #tpu.memory_space<semaphore_mem>>)
    %dma_start3A_78 = arith.constant 0 : i32
    %dma_start3A_79 = tpu.memref_slice %arg20[%add3A_73, %dma_start3A_78] : memref<4096x768xf32, #tpu.memory_space<hbm>> -> memref<32x768xf32, #tpu.memory_space<hbm>>
    %dma_start3A_80 = arith.constant 0 : i32
    %dma_start3A_81 = tpu.memref_slice %arg20[%add3A_73, %dma_start3A_80] : memref<4096x768xf32, #tpu.memory_space<hbm>> -> memref<32x768xf32, #tpu.memory_space<hbm>>
    tpu.enqueue_dma source(%arg22 : memref<32x768xf32, #tpu.memory_space<vmem>>) target(%dma_start3A_81 : memref<32x768xf32, #tpu.memory_space<hbm>>) target_semaphore(%arg30 : memref<!tpu.dma_semaphore, #tpu.memory_space<semaphore_mem>>)
    %dma_start3A_82 = arith.constant 3 : i32
    %dma_start3A_83 = arith.constant 0 : i32
    %dma_start3A_84 = tpu.memref_slice %arg21[%dma_start3A_82, %dma_start3A_83] : memref<4x32xi32, #tpu.memory_space<vmem>> -> memref<1x32xi32, #tpu.memory_space<vmem>>
    %dma_start3A_85 = tpu.memref_squeeze %dma_start3A_84 : memref<1x32xi32, #tpu.memory_space<vmem>> -> memref<32xi32, #tpu.memory_space<vmem>>
    %dma_start3A_86 = arith.constant 0 : i32
    %dma_start3A_87 = arith.constant 0 : i32
    %dma_start3A_88 = tpu.memref_slice %arg3[%dma_start3A_86, %dma_start3A_87] : memref<100000x768xf32, #tpu.memory_space<hbm>> -> memref<100000x768xf32, #tpu.memory_space<hbm>>
    tpu.enqueue_indirect_dma source(%dma_start3A_88 : memref<100000x768xf32, #tpu.memory_space<hbm>>) target(%arg25 : memref<32x768xf32, #tpu.memory_space<vmem>>) offsets(%dma_start3A_85 : memref<32xi32, #tpu.memory_space<vmem>>) semaphore(%arg29 : memref<!tpu.dma_semaphore, #tpu.memory_space<semaphore_mem>>)
    %dma_wait3A_89 = arith.constant 1 : i32
    %dma_wait3A_90 = arith.constant 0 : i32
    %dma_wait3A_91 = tpu.memref_slice %arg21[%dma_wait3A_89, %dma_wait3A_90] : memref<4x32xi32, #tpu.memory_space<vmem>> -> memref<1x32xi32, #tpu.memory_space<vmem>>
    %dma_wait3A_92 = tpu.memref_squeeze %dma_wait3A_91 : memref<1x32xi32, #tpu.memory_space<vmem>> -> memref<32xi32, #tpu.memory_space<vmem>>
    %dma_wait3A_93 = arith.constant 0 : i32
    %dma_wait3A_94 = arith.constant 0 : i32
    %dma_wait3A_95 = tpu.memref_slice %arg3[%dma_wait3A_93, %dma_wait3A_94] : memref<100000x768xf32, #tpu.memory_space<hbm>> -> memref<100000x768xf32, #tpu.memory_space<hbm>>
    tpu.wait_indirect_dma semaphore(%arg27 : memref<!tpu.dma_semaphore, #tpu.memory_space<semaphore_mem>>) src(%dma_wait3A_95 : memref<100000x768xf32, #tpu.memory_space<hbm>>) dst(%arg23 : memref<32x768xf32, #tpu.memory_space<vmem>>)
    %add3A_96 = arith.constant 32 : i32
    %add3A_97 = arith.addi %mul3A_2, %add3A_96 : i32
    %dma_start3A_98 = arith.constant 0 : i32
    %dma_start3A_99 = tpu.memref_slice %arg9[%add3A_97, %dma_start3A_98] : memref<4096x768xf32, #tpu.memory_space<hbm>> -> memref<32x768xf32, #tpu.memory_space<hbm>>
    %dma_start3A_100 = arith.constant 0 : i32
    %dma_start3A_101 = tpu.memref_slice %arg9[%add3A_97, %dma_start3A_100] : memref<4096x768xf32, #tpu.memory_space<hbm>> -> memref<32x768xf32, #tpu.memory_space<hbm>>
    tpu.enqueue_dma source(%arg23 : memref<32x768xf32, #tpu.memory_space<vmem>>) target(%dma_start3A_101 : memref<32x768xf32, #tpu.memory_space<hbm>>) target_semaphore(%arg31 : memref<!tpu.dma_semaphore, #tpu.memory_space<semaphore_mem>>)
    %dma_start3A_102 = arith.constant 0 : i32
    %dma_start3A_103 = tpu.memref_slice %arg20[%add3A_97, %dma_start3A_102] : memref<4096x768xf32, #tpu.memory_space<hbm>> -> memref<32x768xf32, #tpu.memory_space<hbm>>
    %dma_start3A_104 = arith.constant 0 : i32
    %dma_start3A_105 = tpu.memref_slice %arg20[%add3A_97, %dma_start3A_104] : memref<4096x768xf32, #tpu.memory_space<hbm>> -> memref<32x768xf32, #tpu.memory_space<hbm>>
    tpu.enqueue_dma source(%arg23 : memref<32x768xf32, #tpu.memory_space<vmem>>) target(%dma_start3A_105 : memref<32x768xf32, #tpu.memory_space<hbm>>) target_semaphore(%arg31 : memref<!tpu.dma_semaphore, #tpu.memory_space<semaphore_mem>>)
    %dma_wait3A_106 = arith.constant 0 : i32
    %dma_wait3A_107 = tpu.memref_slice %arg9[%add3A_73, %dma_wait3A_106] : memref<4096x768xf32, #tpu.memory_space<hbm>> -> memref<32x768xf32, #tpu.memory_space<hbm>>
    %dma_wait3A_108 = arith.constant 0 : i32
    %dma_wait3A_109 = tpu.memref_slice %arg9[%add3A_73, %dma_wait3A_108] : memref<4096x768xf32, #tpu.memory_space<hbm>> -> memref<32x768xf32, #tpu.memory_space<hbm>>
    tpu.wait_dma2 semaphore(%arg30 : memref<!tpu.dma_semaphore, #tpu.memory_space<semaphore_mem>>) src(%arg22 : memref<32x768xf32, #tpu.memory_space<vmem>>) dst(%dma_wait3A_109 : memref<32x768xf32, #tpu.memory_space<hbm>>)
    %dma_wait3A_110 = arith.constant 0 : i32
    %dma_wait3A_111 = tpu.memref_slice %arg20[%add3A_73, %dma_wait3A_110] : memref<4096x768xf32, #tpu.memory_space<hbm>> -> memref<32x768xf32, #tpu.memory_space<hbm>>
    %dma_wait3A_112 = arith.constant 0 : i32
    %dma_wait3A_113 = tpu.memref_slice %arg20[%add3A_73, %dma_wait3A_112] : memref<4096x768xf32, #tpu.memory_space<hbm>> -> memref<32x768xf32, #tpu.memory_space<hbm>>
    tpu.wait_dma2 semaphore(%arg30 : memref<!tpu.dma_semaphore, #tpu.memory_space<semaphore_mem>>) src(%arg22 : memref<32x768xf32, #tpu.memory_space<vmem>>) dst(%dma_wait3A_113 : memref<32x768xf32, #tpu.memory_space<hbm>>)
    %dma_start3A_114 = arith.constant 0 : i32
    %dma_start3A_115 = arith.constant 0 : i32
    %dma_start3A_116 = tpu.memref_slice %arg21[%dma_start3A_114, %dma_start3A_115] : memref<4x32xi32, #tpu.memory_space<vmem>> -> memref<1x32xi32, #tpu.memory_space<vmem>>
    %dma_start3A_117 = tpu.memref_squeeze %dma_start3A_116 : memref<1x32xi32, #tpu.memory_space<vmem>> -> memref<32xi32, #tpu.memory_space<vmem>>
    %dma_start3A_118 = arith.constant 0 : i32
    %dma_start3A_119 = arith.constant 0 : i32
    %dma_start3A_120 = tpu.memref_slice %arg4[%dma_start3A_118, %dma_start3A_119] : memref<100000x768xf32, #tpu.memory_space<hbm>> -> memref<100000x768xf32, #tpu.memory_space<hbm>>
    tpu.enqueue_indirect_dma source(%dma_start3A_120 : memref<100000x768xf32, #tpu.memory_space<hbm>>) target(%arg22 : memref<32x768xf32, #tpu.memory_space<vmem>>) offsets(%dma_start3A_117 : memref<32xi32, #tpu.memory_space<vmem>>) semaphore(%arg26 : memref<!tpu.dma_semaphore, #tpu.memory_space<semaphore_mem>>)
    %dma_wait3A_121 = arith.constant 2 : i32
    %dma_wait3A_122 = arith.constant 0 : i32
    %dma_wait3A_123 = tpu.memref_slice %arg21[%dma_wait3A_121, %dma_wait3A_122] : memref<4x32xi32, #tpu.memory_space<vmem>> -> memref<1x32xi32, #tpu.memory_space<vmem>>
    %dma_wait3A_124 = tpu.memref_squeeze %dma_wait3A_123 : memref<1x32xi32, #tpu.memory_space<vmem>> -> memref<32xi32, #tpu.memory_space<vmem>>
    %dma_wait3A_125 = arith.constant 0 : i32
    %dma_wait3A_126 = arith.constant 0 : i32
    %dma_wait3A_127 = tpu.memref_slice %arg3[%dma_wait3A_125, %dma_wait3A_126] : memref<100000x768xf32, #tpu.memory_space<hbm>> -> memref<100000x768xf32, #tpu.memory_space<hbm>>
    tpu.wait_indirect_dma semaphore(%arg28 : memref<!tpu.dma_semaphore, #tpu.memory_space<semaphore_mem>>) src(%dma_wait3A_127 : memref<100000x768xf32, #tpu.memory_space<hbm>>) dst(%arg24 : memref<32x768xf32, #tpu.memory_space<vmem>>)
    %add3A_128 = arith.constant 64 : i32
    %add3A_129 = arith.addi %mul3A_2, %add3A_128 : i32
    %dma_start3A_130 = arith.constant 0 : i32
    %dma_start3A_131 = tpu.memref_slice %arg9[%add3A_129, %dma_start3A_130] : memref<4096x768xf32, #tpu.memory_space<hbm>> -> memref<32x768xf32, #tpu.memory_space<hbm>>
    %dma_start3A_132 = arith.constant 0 : i32
    %dma_start3A_133 = tpu.memref_slice %arg9[%add3A_129, %dma_start3A_132] : memref<4096x768xf32, #tpu.memory_space<hbm>> -> memref<32x768xf32, #tpu.memory_space<hbm>>
    tpu.enqueue_dma source(%arg24 : memref<32x768xf32, #tpu.memory_space<vmem>>) target(%dma_start3A_133 : memref<32x768xf32, #tpu.memory_space<hbm>>) target_semaphore(%arg32 : memref<!tpu.dma_semaphore, #tpu.memory_space<semaphore_mem>>)
    %dma_start3A_134 = arith.constant 0 : i32
    %dma_start3A_135 = tpu.memref_slice %arg20[%add3A_129, %dma_start3A_134] : memref<4096x768xf32, #tpu.memory_space<hbm>> -> memref<32x768xf32, #tpu.memory_space<hbm>>
    %dma_start3A_136 = arith.constant 0 : i32
    %dma_start3A_137 = tpu.memref_slice %arg20[%add3A_129, %dma_start3A_136] : memref<4096x768xf32, #tpu.memory_space<hbm>> -> memref<32x768xf32, #tpu.memory_space<hbm>>
    tpu.enqueue_dma source(%arg24 : memref<32x768xf32, #tpu.memory_space<vmem>>) target(%dma_start3A_137 : memref<32x768xf32, #tpu.memory_space<hbm>>) target_semaphore(%arg32 : memref<!tpu.dma_semaphore, #tpu.memory_space<semaphore_mem>>)
    %dma_wait3A_138 = arith.constant 0 : i32
    %dma_wait3A_139 = tpu.memref_slice %arg9[%add3A_97, %dma_wait3A_138] : memref<4096x768xf32, #tpu.memory_space<hbm>> -> memref<32x768xf32, #tpu.memory_space<hbm>>
    %dma_wait3A_140 = arith.constant 0 : i32
    %dma_wait3A_141 = tpu.memref_slice %arg9[%add3A_97, %dma_wait3A_140] : memref<4096x768xf32, #tpu.memory_space<hbm>> -> memref<32x768xf32, #tpu.memory_space<hbm>>
    tpu.wait_dma2 semaphore(%arg31 : memref<!tpu.dma_semaphore, #tpu.memory_space<semaphore_mem>>) src(%arg23 : memref<32x768xf32, #tpu.memory_space<vmem>>) dst(%dma_wait3A_141 : memref<32x768xf32, #tpu.memory_space<hbm>>)
    %dma_wait3A_142 = arith.constant 0 : i32
    %dma_wait3A_143 = tpu.memref_slice %arg20[%add3A_97, %dma_wait3A_142] : memref<4096x768xf32, #tpu.memory_space<hbm>> -> memref<32x768xf32, #tpu.memory_space<hbm>>
    %dma_wait3A_144 = arith.constant 0 : i32
    %dma_wait3A_145 = tpu.memref_slice %arg20[%add3A_97, %dma_wait3A_144] : memref<4096x768xf32, #tpu.memory_space<hbm>> -> memref<32x768xf32, #tpu.memory_space<hbm>>
    tpu.wait_dma2 semaphore(%arg31 : memref<!tpu.dma_semaphore, #tpu.memory_space<semaphore_mem>>) src(%arg23 : memref<32x768xf32, #tpu.memory_space<vmem>>) dst(%dma_wait3A_145 : memref<32x768xf32, #tpu.memory_space<hbm>>)
    %dma_start3A_146 = arith.constant 1 : i32
    %dma_start3A_147 = arith.constant 0 : i32
    %dma_start3A_148 = tpu.memref_slice %arg21[%dma_start3A_146, %dma_start3A_147] : memref<4x32xi32, #tpu.memory_space<vmem>> -> memref<1x32xi32, #tpu.memory_space<vmem>>
    %dma_start3A_149 = tpu.memref_squeeze %dma_start3A_148 : memref<1x32xi32, #tpu.memory_space<vmem>> -> memref<32xi32, #tpu.memory_space<vmem>>
    %dma_start3A_150 = arith.constant 0 : i32
    %dma_start3A_151 = arith.constant 0 : i32
    %dma_start3A_152 = tpu.memref_slice %arg4[%dma_start3A_150, %dma_start3A_151] : memref<100000x768xf32, #tpu.memory_space<hbm>> -> memref<100000x768xf32, #tpu.memory_space<hbm>>
    tpu.enqueue_indirect_dma source(%dma_start3A_152 : memref<100000x768xf32, #tpu.memory_space<hbm>>) target(%arg23 : memref<32x768xf32, #tpu.memory_space<vmem>>) offsets(%dma_start3A_149 : memref<32xi32, #tpu.memory_space<vmem>>) semaphore(%arg27 : memref<!tpu.dma_semaphore, #tpu.memory_space<semaphore_mem>>)
    %dma_wait3A_153 = arith.constant 3 : i32
    %dma_wait3A_154 = arith.constant 0 : i32
    %dma_wait3A_155 = tpu.memref_slice %arg21[%dma_wait3A_153, %dma_wait3A_154] : memref<4x32xi32, #tpu.memory_space<vmem>> -> memref<1x32xi32, #tpu.memory_space<vmem>>
    %dma_wait3A_156 = tpu.memref_squeeze %dma_wait3A_155 : memref<1x32xi32, #tpu.memory_space<vmem>> -> memref<32xi32, #tpu.memory_space<vmem>>
    %dma_wait3A_157 = arith.constant 0 : i32
    %dma_wait3A_158 = arith.constant 0 : i32
    %dma_wait3A_159 = tpu.memref_slice %arg3[%dma_wait3A_157, %dma_wait3A_158] : memref<100000x768xf32, #tpu.memory_space<hbm>> -> memref<100000x768xf32, #tpu.memory_space<hbm>>
    tpu.wait_indirect_dma semaphore(%arg29 : memref<!tpu.dma_semaphore, #tpu.memory_space<semaphore_mem>>) src(%dma_wait3A_159 : memref<100000x768xf32, #tpu.memory_space<hbm>>) dst(%arg25 : memref<32x768xf32, #tpu.memory_space<vmem>>)
    %add3A_160 = arith.constant 96 : i32
    %add3A_161 = arith.addi %mul3A_2, %add3A_160 : i32
    %dma_start3A_162 = arith.constant 0 : i32
    %dma_start3A_163 = tpu.memref_slice %arg9[%add3A_161, %dma_start3A_162] : memref<4096x768xf32, #tpu.memory_space<hbm>> -> memref<32x768xf32, #tpu.memory_space<hbm>>
    %dma_start3A_164 = arith.constant 0 : i32
    %dma_start3A_165 = tpu.memref_slice %arg9[%add3A_161, %dma_start3A_164] : memref<4096x768xf32, #tpu.memory_space<hbm>> -> memref<32x768xf32, #tpu.memory_space<hbm>>
    tpu.enqueue_dma source(%arg25 : memref<32x768xf32, #tpu.memory_space<vmem>>) target(%dma_start3A_165 : memref<32x768xf32, #tpu.memory_space<hbm>>) target_semaphore(%arg33 : memref<!tpu.dma_semaphore, #tpu.memory_space<semaphore_mem>>)
    %dma_start3A_166 = arith.constant 0 : i32
    %dma_start3A_167 = tpu.memref_slice %arg20[%add3A_161, %dma_start3A_166] : memref<4096x768xf32, #tpu.memory_space<hbm>> -> memref<32x768xf32, #tpu.memory_space<hbm>>
    %dma_start3A_168 = arith.constant 0 : i32
    %dma_start3A_169 = tpu.memref_slice %arg20[%add3A_161, %dma_start3A_168] : memref<4096x768xf32, #tpu.memory_space<hbm>> -> memref<32x768xf32, #tpu.memory_space<hbm>>
    tpu.enqueue_dma source(%arg25 : memref<32x768xf32, #tpu.memory_space<vmem>>) target(%dma_start3A_169 : memref<32x768xf32, #tpu.memory_space<hbm>>) target_semaphore(%arg33 : memref<!tpu.dma_semaphore, #tpu.memory_space<semaphore_mem>>)
    %dma_wait3A_170 = arith.constant 0 : i32
    %dma_wait3A_171 = tpu.memref_slice %arg9[%add3A_129, %dma_wait3A_170] : memref<4096x768xf32, #tpu.memory_space<hbm>> -> memref<32x768xf32, #tpu.memory_space<hbm>>
    %dma_wait3A_172 = arith.constant 0 : i32
    %dma_wait3A_173 = tpu.memref_slice %arg9[%add3A_129, %dma_wait3A_172] : memref<4096x768xf32, #tpu.memory_space<hbm>> -> memref<32x768xf32, #tpu.memory_space<hbm>>
    tpu.wait_dma2 semaphore(%arg32 : memref<!tpu.dma_semaphore, #tpu.memory_space<semaphore_mem>>) src(%arg24 : memref<32x768xf32, #tpu.memory_space<vmem>>) dst(%dma_wait3A_173 : memref<32x768xf32, #tpu.memory_space<hbm>>)
    %dma_wait3A_174 = arith.constant 0 : i32
    %dma_wait3A_175 = tpu.memref_slice %arg20[%add3A_129, %dma_wait3A_174] : memref<4096x768xf32, #tpu.memory_space<hbm>> -> memref<32x768xf32, #tpu.memory_space<hbm>>
    %dma_wait3A_176 = arith.constant 0 : i32
    %dma_wait3A_177 = tpu.memref_slice %arg20[%add3A_129, %dma_wait3A_176] : memref<4096x768xf32, #tpu.memory_space<hbm>> -> memref<32x768xf32, #tpu.memory_space<hbm>>
    tpu.wait_dma2 semaphore(%arg32 : memref<!tpu.dma_semaphore, #tpu.memory_space<semaphore_mem>>) src(%arg24 : memref<32x768xf32, #tpu.memory_space<vmem>>) dst(%dma_wait3A_177 : memref<32x768xf32, #tpu.memory_space<hbm>>)
    %dma_start3A_178 = arith.constant 2 : i32
    %dma_start3A_179 = arith.constant 0 : i32
    %dma_start3A_180 = tpu.memref_slice %arg21[%dma_start3A_178, %dma_start3A_179] : memref<4x32xi32, #tpu.memory_space<vmem>> -> memref<1x32xi32, #tpu.memory_space<vmem>>
    %dma_start3A_181 = tpu.memref_squeeze %dma_start3A_180 : memref<1x32xi32, #tpu.memory_space<vmem>> -> memref<32xi32, #tpu.memory_space<vmem>>
    %dma_start3A_182 = arith.constant 0 : i32
    %dma_start3A_183 = arith.constant 0 : i32
    %dma_start3A_184 = tpu.memref_slice %arg4[%dma_start3A_182, %dma_start3A_183] : memref<100000x768xf32, #tpu.memory_space<hbm>> -> memref<100000x768xf32, #tpu.memory_space<hbm>>
    tpu.enqueue_indirect_dma source(%dma_start3A_184 : memref<100000x768xf32, #tpu.memory_space<hbm>>) target(%arg24 : memref<32x768xf32, #tpu.memory_space<vmem>>) offsets(%dma_start3A_181 : memref<32xi32, #tpu.memory_space<vmem>>) semaphore(%arg28 : memref<!tpu.dma_semaphore, #tpu.memory_space<semaphore_mem>>)
    %dma_wait3A_185 = arith.constant 0 : i32
    %dma_wait3A_186 = arith.constant 0 : i32
    %dma_wait3A_187 = tpu.memref_slice %arg21[%dma_wait3A_185, %dma_wait3A_186] : memref<4x32xi32, #tpu.memory_space<vmem>> -> memref<1x32xi32, #tpu.memory_space<vmem>>
    %dma_wait3A_188 = tpu.memref_squeeze %dma_wait3A_187 : memref<1x32xi32, #tpu.memory_space<vmem>> -> memref<32xi32, #tpu.memory_space<vmem>>
    %dma_wait3A_189 = arith.constant 0 : i32
    %dma_wait3A_190 = arith.constant 0 : i32
    %dma_wait3A_191 = tpu.memref_slice %arg4[%dma_wait3A_189, %dma_wait3A_190] : memref<100000x768xf32, #tpu.memory_space<hbm>> -> memref<100000x768xf32, #tpu.memory_space<hbm>>
    tpu.wait_indirect_dma semaphore(%arg26 : memref<!tpu.dma_semaphore, #tpu.memory_space<semaphore_mem>>) src(%dma_wait3A_191 : memref<100000x768xf32, #tpu.memory_space<hbm>>) dst(%arg22 : memref<32x768xf32, #tpu.memory_space<vmem>>)
    %add3A_192 = arith.constant 0 : i32
    %add3A_193 = arith.addi %mul3A_2, %add3A_192 : i32
    %dma_start3A_194 = arith.constant 0 : i32
    %dma_start3A_195 = tpu.memref_slice %arg10[%add3A_193, %dma_start3A_194] : memref<4096x768xf32, #tpu.memory_space<hbm>> -> memref<32x768xf32, #tpu.memory_space<hbm>>
    %dma_start3A_196 = arith.constant 0 : i32
    %dma_start3A_197 = tpu.memref_slice %arg10[%add3A_193, %dma_start3A_196] : memref<4096x768xf32, #tpu.memory_space<hbm>> -> memref<32x768xf32, #tpu.memory_space<hbm>>
    tpu.enqueue_dma source(%arg22 : memref<32x768xf32, #tpu.memory_space<vmem>>) target(%dma_start3A_197 : memref<32x768xf32, #tpu.memory_space<hbm>>) target_semaphore(%arg30 : memref<!tpu.dma_semaphore, #tpu.memory_space<semaphore_mem>>)
    %dma_start3A_198 = arith.constant 0 : i32
    %dma_start3A_199 = tpu.memref_slice %arg19[%add3A_193, %dma_start3A_198] : memref<4096x768xf32, #tpu.memory_space<hbm>> -> memref<32x768xf32, #tpu.memory_space<hbm>>
    %dma_start3A_200 = arith.constant 0 : i32
    %dma_start3A_201 = tpu.memref_slice %arg19[%add3A_193, %dma_start3A_200] : memref<4096x768xf32, #tpu.memory_space<hbm>> -> memref<32x768xf32, #tpu.memory_space<hbm>>
    tpu.enqueue_dma source(%arg22 : memref<32x768xf32, #tpu.memory_space<vmem>>) target(%dma_start3A_201 : memref<32x768xf32, #tpu.memory_space<hbm>>) target_semaphore(%arg30 : memref<!tpu.dma_semaphore, #tpu.memory_space<semaphore_mem>>)
    %dma_wait3A_202 = arith.constant 0 : i32
    %dma_wait3A_203 = tpu.memref_slice %arg9[%add3A_161, %dma_wait3A_202] : memref<4096x768xf32, #tpu.memory_space<hbm>> -> memref<32x768xf32, #tpu.memory_space<hbm>>
    %dma_wait3A_204 = arith.constant 0 : i32
    %dma_wait3A_205 = tpu.memref_slice %arg9[%add3A_161, %dma_wait3A_204] : memref<4096x768xf32, #tpu.memory_space<hbm>> -> memref<32x768xf32, #tpu.memory_space<hbm>>
    tpu.wait_dma2 semaphore(%arg33 : memref<!tpu.dma_semaphore, #tpu.memory_space<semaphore_mem>>) src(%arg25 : memref<32x768xf32, #tpu.memory_space<vmem>>) dst(%dma_wait3A_205 : memref<32x768xf32, #tpu.memory_space<hbm>>)
    %dma_wait3A_206 = arith.constant 0 : i32
    %dma_wait3A_207 = tpu.memref_slice %arg20[%add3A_161, %dma_wait3A_206] : memref<4096x768xf32, #tpu.memory_space<hbm>> -> memref<32x768xf32, #tpu.memory_space<hbm>>
    %dma_wait3A_208 = arith.constant 0 : i32
    %dma_wait3A_209 = tpu.memref_slice %arg20[%add3A_161, %dma_wait3A_208] : memref<4096x768xf32, #tpu.memory_space<hbm>> -> memref<32x768xf32, #tpu.memory_space<hbm>>
    tpu.wait_dma2 semaphore(%arg33 : memref<!tpu.dma_semaphore, #tpu.memory_space<semaphore_mem>>) src(%arg25 : memref<32x768xf32, #tpu.memory_space<vmem>>) dst(%dma_wait3A_209 : memref<32x768xf32, #tpu.memory_space<hbm>>)
    %dma_start3A_210 = arith.constant 3 : i32
    %dma_start3A_211 = arith.constant 0 : i32
    %dma_start3A_212 = tpu.memref_slice %arg21[%dma_start3A_210, %dma_start3A_211] : memref<4x32xi32, #tpu.memory_space<vmem>> -> memref<1x32xi32, #tpu.memory_space<vmem>>
    %dma_start3A_213 = tpu.memref_squeeze %dma_start3A_212 : memref<1x32xi32, #tpu.memory_space<vmem>> -> memref<32xi32, #tpu.memory_space<vmem>>
    %dma_start3A_214 = arith.constant 0 : i32
    %dma_start3A_215 = arith.constant 0 : i32
    %dma_start3A_216 = tpu.memref_slice %arg4[%dma_start3A_214, %dma_start3A_215] : memref<100000x768xf32, #tpu.memory_space<hbm>> -> memref<100000x768xf32, #tpu.memory_space<hbm>>
    tpu.enqueue_indirect_dma source(%dma_start3A_216 : memref<100000x768xf32, #tpu.memory_space<hbm>>) target(%arg25 : memref<32x768xf32, #tpu.memory_space<vmem>>) offsets(%dma_start3A_213 : memref<32xi32, #tpu.memory_space<vmem>>) semaphore(%arg29 : memref<!tpu.dma_semaphore, #tpu.memory_space<semaphore_mem>>)
    %dma_wait3A_217 = arith.constant 1 : i32
    %dma_wait3A_218 = arith.constant 0 : i32
    %dma_wait3A_219 = tpu.memref_slice %arg21[%dma_wait3A_217, %dma_wait3A_218] : memref<4x32xi32, #tpu.memory_space<vmem>> -> memref<1x32xi32, #tpu.memory_space<vmem>>
    %dma_wait3A_220 = tpu.memref_squeeze %dma_wait3A_219 : memref<1x32xi32, #tpu.memory_space<vmem>> -> memref<32xi32, #tpu.memory_space<vmem>>
    %dma_wait3A_221 = arith.constant 0 : i32
    %dma_wait3A_222 = arith.constant 0 : i32
    %dma_wait3A_223 = tpu.memref_slice %arg4[%dma_wait3A_221, %dma_wait3A_222] : memref<100000x768xf32, #tpu.memory_space<hbm>> -> memref<100000x768xf32, #tpu.memory_space<hbm>>
    tpu.wait_indirect_dma semaphore(%arg27 : memref<!tpu.dma_semaphore, #tpu.memory_space<semaphore_mem>>) src(%dma_wait3A_223 : memref<100000x768xf32, #tpu.memory_space<hbm>>) dst(%arg23 : memref<32x768xf32, #tpu.memory_space<vmem>>)
    %add3A_224 = arith.constant 32 : i32
    %add3A_225 = arith.addi %mul3A_2, %add3A_224 : i32
    %dma_start3A_226 = arith.constant 0 : i32
    %dma_start3A_227 = tpu.memref_slice %arg10[%add3A_225, %dma_start3A_226] : memref<4096x768xf32, #tpu.memory_space<hbm>> -> memref<32x768xf32, #tpu.memory_space<hbm>>
    %dma_start3A_228 = arith.constant 0 : i32
    %dma_start3A_229 = tpu.memref_slice %arg10[%add3A_225, %dma_start3A_228] : memref<4096x768xf32, #tpu.memory_space<hbm>> -> memref<32x768xf32, #tpu.memory_space<hbm>>
    tpu.enqueue_dma source(%arg23 : memref<32x768xf32, #tpu.memory_space<vmem>>) target(%dma_start3A_229 : memref<32x768xf32, #tpu.memory_space<hbm>>) target_semaphore(%arg31 : memref<!tpu.dma_semaphore, #tpu.memory_space<semaphore_mem>>)
    %dma_start3A_230 = arith.constant 0 : i32
    %dma_start3A_231 = tpu.memref_slice %arg19[%add3A_225, %dma_start3A_230] : memref<4096x768xf32, #tpu.memory_space<hbm>> -> memref<32x768xf32, #tpu.memory_space<hbm>>
    %dma_start3A_232 = arith.constant 0 : i32
    %dma_start3A_233 = tpu.memref_slice %arg19[%add3A_225, %dma_start3A_232] : memref<4096x768xf32, #tpu.memory_space<hbm>> -> memref<32x768xf32, #tpu.memory_space<hbm>>
    tpu.enqueue_dma source(%arg23 : memref<32x768xf32, #tpu.memory_space<vmem>>) target(%dma_start3A_233 : memref<32x768xf32, #tpu.memory_space<hbm>>) target_semaphore(%arg31 : memref<!tpu.dma_semaphore, #tpu.memory_space<semaphore_mem>>)
    %dma_wait3A_234 = arith.constant 0 : i32
    %dma_wait3A_235 = tpu.memref_slice %arg10[%add3A_193, %dma_wait3A_234] : memref<4096x768xf32, #tpu.memory_space<hbm>> -> memref<32x768xf32, #tpu.memory_space<hbm>>
    %dma_wait3A_236 = arith.constant 0 : i32
    %dma_wait3A_237 = tpu.memref_slice %arg10[%add3A_193, %dma_wait3A_236] : memref<4096x768xf32, #tpu.memory_space<hbm>> -> memref<32x768xf32, #tpu.memory_space<hbm>>
    tpu.wait_dma2 semaphore(%arg30 : memref<!tpu.dma_semaphore, #tpu.memory_space<semaphore_mem>>) src(%arg22 : memref<32x768xf32, #tpu.memory_space<vmem>>) dst(%dma_wait3A_237 : memref<32x768xf32, #tpu.memory_space<hbm>>)
    %dma_wait3A_238 = arith.constant 0 : i32
    %dma_wait3A_239 = tpu.memref_slice %arg19[%add3A_193, %dma_wait3A_238] : memref<4096x768xf32, #tpu.memory_space<hbm>> -> memref<32x768xf32, #tpu.memory_space<hbm>>
    %dma_wait3A_240 = arith.constant 0 : i32
    %dma_wait3A_241 = tpu.memref_slice %arg19[%add3A_193, %dma_wait3A_240] : memref<4096x768xf32, #tpu.memory_space<hbm>> -> memref<32x768xf32, #tpu.memory_space<hbm>>
    tpu.wait_dma2 semaphore(%arg30 : memref<!tpu.dma_semaphore, #tpu.memory_space<semaphore_mem>>) src(%arg22 : memref<32x768xf32, #tpu.memory_space<vmem>>) dst(%dma_wait3A_241 : memref<32x768xf32, #tpu.memory_space<hbm>>)
    %dma_start3A_242 = arith.constant 0 : i32
    %dma_start3A_243 = arith.constant 0 : i32
    %dma_start3A_244 = tpu.memref_slice %arg21[%dma_start3A_242, %dma_start3A_243] : memref<4x32xi32, #tpu.memory_space<vmem>> -> memref<1x32xi32, #tpu.memory_space<vmem>>
    %dma_start3A_245 = tpu.memref_squeeze %dma_start3A_244 : memref<1x32xi32, #tpu.memory_space<vmem>> -> memref<32xi32, #tpu.memory_space<vmem>>
    %dma_start3A_246 = arith.constant 0 : i32
    %dma_start3A_247 = arith.constant 0 : i32
    %dma_start3A_248 = tpu.memref_slice %arg5[%dma_start3A_246, %dma_start3A_247] : memref<100000x768xf32, #tpu.memory_space<hbm>> -> memref<100000x768xf32, #tpu.memory_space<hbm>>
    tpu.enqueue_indirect_dma source(%dma_start3A_248 : memref<100000x768xf32, #tpu.memory_space<hbm>>) target(%arg22 : memref<32x768xf32, #tpu.memory_space<vmem>>) offsets(%dma_start3A_245 : memref<32xi32, #tpu.memory_space<vmem>>) semaphore(%arg26 : memref<!tpu.dma_semaphore, #tpu.memory_space<semaphore_mem>>)
    %dma_wait3A_249 = arith.constant 2 : i32
    %dma_wait3A_250 = arith.constant 0 : i32
    %dma_wait3A_251 = tpu.memref_slice %arg21[%dma_wait3A_249, %dma_wait3A_250] : memref<4x32xi32, #tpu.memory_space<vmem>> -> memref<1x32xi32, #tpu.memory_space<vmem>>
    %dma_wait3A_252 = tpu.memref_squeeze %dma_wait3A_251 : memref<1x32xi32, #tpu.memory_space<vmem>> -> memref<32xi32, #tpu.memory_space<vmem>>
    %dma_wait3A_253 = arith.constant 0 : i32
    %dma_wait3A_254 = arith.constant 0 : i32
    %dma_wait3A_255 = tpu.memref_slice %arg4[%dma_wait3A_253, %dma_wait3A_254] : memref<100000x768xf32, #tpu.memory_space<hbm>> -> memref<100000x768xf32, #tpu.memory_space<hbm>>
    tpu.wait_indirect_dma semaphore(%arg28 : memref<!tpu.dma_semaphore, #tpu.memory_space<semaphore_mem>>) src(%dma_wait3A_255 : memref<100000x768xf32, #tpu.memory_space<hbm>>) dst(%arg24 : memref<32x768xf32, #tpu.memory_space<vmem>>)
    %add3A_256 = arith.constant 64 : i32
    %add3A_257 = arith.addi %mul3A_2, %add3A_256 : i32
    %dma_start3A_258 = arith.constant 0 : i32
    %dma_start3A_259 = tpu.memref_slice %arg10[%add3A_257, %dma_start3A_258] : memref<4096x768xf32, #tpu.memory_space<hbm>> -> memref<32x768xf32, #tpu.memory_space<hbm>>
    %dma_start3A_260 = arith.constant 0 : i32
    %dma_start3A_261 = tpu.memref_slice %arg10[%add3A_257, %dma_start3A_260] : memref<4096x768xf32, #tpu.memory_space<hbm>> -> memref<32x768xf32, #tpu.memory_space<hbm>>
    tpu.enqueue_dma source(%arg24 : memref<32x768xf32, #tpu.memory_space<vmem>>) target(%dma_start3A_261 : memref<32x768xf32, #tpu.memory_space<hbm>>) target_semaphore(%arg32 : memref<!tpu.dma_semaphore, #tpu.memory_space<semaphore_mem>>)
    %dma_start3A_262 = arith.constant 0 : i32
    %dma_start3A_263 = tpu.memref_slice %arg19[%add3A_257, %dma_start3A_262] : memref<4096x768xf32, #tpu.memory_space<hbm>> -> memref<32x768xf32, #tpu.memory_space<hbm>>
    %dma_start3A_264 = arith.constant 0 : i32
    %dma_start3A_265 = tpu.memref_slice %arg19[%add3A_257, %dma_start3A_264] : memref<4096x768xf32, #tpu.memory_space<hbm>> -> memref<32x768xf32, #tpu.memory_space<hbm>>
    tpu.enqueue_dma source(%arg24 : memref<32x768xf32, #tpu.memory_space<vmem>>) target(%dma_start3A_265 : memref<32x768xf32, #tpu.memory_space<hbm>>) target_semaphore(%arg32 : memref<!tpu.dma_semaphore, #tpu.memory_space<semaphore_mem>>)
    %dma_wait3A_266 = arith.constant 0 : i32
    %dma_wait3A_267 = tpu.memref_slice %arg10[%add3A_225, %dma_wait3A_266] : memref<4096x768xf32, #tpu.memory_space<hbm>> -> memref<32x768xf32, #tpu.memory_space<hbm>>
    %dma_wait3A_268 = arith.constant 0 : i32
    %dma_wait3A_269 = tpu.memref_slice %arg10[%add3A_225, %dma_wait3A_268] : memref<4096x768xf32, #tpu.memory_space<hbm>> -> memref<32x768xf32, #tpu.memory_space<hbm>>
    tpu.wait_dma2 semaphore(%arg31 : memref<!tpu.dma_semaphore, #tpu.memory_space<semaphore_mem>>) src(%arg23 : memref<32x768xf32, #tpu.memory_space<vmem>>) dst(%dma_wait3A_269 : memref<32x768xf32, #tpu.memory_space<hbm>>)
    %dma_wait3A_270 = arith.constant 0 : i32
    %dma_wait3A_271 = tpu.memref_slice %arg19[%add3A_225, %dma_wait3A_270] : memref<4096x768xf32, #tpu.memory_space<hbm>> -> memref<32x768xf32, #tpu.memory_space<hbm>>
    %dma_wait3A_272 = arith.constant 0 : i32
    %dma_wait3A_273 = tpu.memref_slice %arg19[%add3A_225, %dma_wait3A_272] : memref<4096x768xf32, #tpu.memory_space<hbm>> -> memref<32x768xf32, #tpu.memory_space<hbm>>
    tpu.wait_dma2 semaphore(%arg31 : memref<!tpu.dma_semaphore, #tpu.memory_space<semaphore_mem>>) src(%arg23 : memref<32x768xf32, #tpu.memory_space<vmem>>) dst(%dma_wait3A_273 : memref<32x768xf32, #tpu.memory_space<hbm>>)
    %dma_start3A_274 = arith.constant 1 : i32
    %dma_start3A_275 = arith.constant 0 : i32
    %dma_start3A_276 = tpu.memref_slice %arg21[%dma_start3A_274, %dma_start3A_275] : memref<4x32xi32, #tpu.memory_space<vmem>> -> memref<1x32xi32, #tpu.memory_space<vmem>>
    %dma_start3A_277 = tpu.memref_squeeze %dma_start3A_276 : memref<1x32xi32, #tpu.memory_space<vmem>> -> memref<32xi32, #tpu.memory_space<vmem>>
    %dma_start3A_278 = arith.constant 0 : i32
    %dma_start3A_279 = arith.constant 0 : i32
    %dma_start3A_280 = tpu.memref_slice %arg5[%dma_start3A_278, %dma_start3A_279] : memref<100000x768xf32, #tpu.memory_space<hbm>> -> memref<100000x768xf32, #tpu.memory_space<hbm>>
    tpu.enqueue_indirect_dma source(%dma_start3A_280 : memref<100000x768xf32, #tpu.memory_space<hbm>>) target(%arg23 : memref<32x768xf32, #tpu.memory_space<vmem>>) offsets(%dma_start3A_277 : memref<32xi32, #tpu.memory_space<vmem>>) semaphore(%arg27 : memref<!tpu.dma_semaphore, #tpu.memory_space<semaphore_mem>>)
    %dma_wait3A_281 = arith.constant 3 : i32
    %dma_wait3A_282 = arith.constant 0 : i32
    %dma_wait3A_283 = tpu.memref_slice %arg21[%dma_wait3A_281, %dma_wait3A_282] : memref<4x32xi32, #tpu.memory_space<vmem>> -> memref<1x32xi32, #tpu.memory_space<vmem>>
    %dma_wait3A_284 = tpu.memref_squeeze %dma_wait3A_283 : memref<1x32xi32, #tpu.memory_space<vmem>> -> memref<32xi32, #tpu.memory_space<vmem>>
    %dma_wait3A_285 = arith.constant 0 : i32
    %dma_wait3A_286 = arith.constant 0 : i32
    %dma_wait3A_287 = tpu.memref_slice %arg4[%dma_wait3A_285, %dma_wait3A_286] : memref<100000x768xf32, #tpu.memory_space<hbm>> -> memref<100000x768xf32, #tpu.memory_space<hbm>>
    tpu.wait_indirect_dma semaphore(%arg29 : memref<!tpu.dma_semaphore, #tpu.memory_space<semaphore_mem>>) src(%dma_wait3A_287 : memref<100000x768xf32, #tpu.memory_space<hbm>>) dst(%arg25 : memref<32x768xf32, #tpu.memory_space<vmem>>)
    %add3A_288 = arith.constant 96 : i32
    %add3A_289 = arith.addi %mul3A_2, %add3A_288 : i32
    %dma_start3A_290 = arith.constant 0 : i32
    %dma_start3A_291 = tpu.memref_slice %arg10[%add3A_289, %dma_start3A_290] : memref<4096x768xf32, #tpu.memory_space<hbm>> -> memref<32x768xf32, #tpu.memory_space<hbm>>
    %dma_start3A_292 = arith.constant 0 : i32
    %dma_start3A_293 = tpu.memref_slice %arg10[%add3A_289, %dma_start3A_292] : memref<4096x768xf32, #tpu.memory_space<hbm>> -> memref<32x768xf32, #tpu.memory_space<hbm>>
    tpu.enqueue_dma source(%arg25 : memref<32x768xf32, #tpu.memory_space<vmem>>) target(%dma_start3A_293 : memref<32x768xf32, #tpu.memory_space<hbm>>) target_semaphore(%arg33 : memref<!tpu.dma_semaphore, #tpu.memory_space<semaphore_mem>>)
    %dma_start3A_294 = arith.constant 0 : i32
    %dma_start3A_295 = tpu.memref_slice %arg19[%add3A_289, %dma_start3A_294] : memref<4096x768xf32, #tpu.memory_space<hbm>> -> memref<32x768xf32, #tpu.memory_space<hbm>>
    %dma_start3A_296 = arith.constant 0 : i32
    %dma_start3A_297 = tpu.memref_slice %arg19[%add3A_289, %dma_start3A_296] : memref<4096x768xf32, #tpu.memory_space<hbm>> -> memref<32x768xf32, #tpu.memory_space<hbm>>
    tpu.enqueue_dma source(%arg25 : memref<32x768xf32, #tpu.memory_space<vmem>>) target(%dma_start3A_297 : memref<32x768xf32, #tpu.memory_space<hbm>>) target_semaphore(%arg33 : memref<!tpu.dma_semaphore, #tpu.memory_space<semaphore_mem>>)
    %dma_wait3A_298 = arith.constant 0 : i32
    %dma_wait3A_299 = tpu.memref_slice %arg10[%add3A_257, %dma_wait3A_298] : memref<4096x768xf32, #tpu.memory_space<hbm>> -> memref<32x768xf32, #tpu.memory_space<hbm>>
    %dma_wait3A_300 = arith.constant 0 : i32
    %dma_wait3A_301 = tpu.memref_slice %arg10[%add3A_257, %dma_wait3A_300] : memref<4096x768xf32, #tpu.memory_space<hbm>> -> memref<32x768xf32, #tpu.memory_space<hbm>>
    tpu.wait_dma2 semaphore(%arg32 : memref<!tpu.dma_semaphore, #tpu.memory_space<semaphore_mem>>) src(%arg24 : memref<32x768xf32, #tpu.memory_space<vmem>>) dst(%dma_wait3A_301 : memref<32x768xf32, #tpu.memory_space<hbm>>)
    %dma_wait3A_302 = arith.constant 0 : i32
    %dma_wait3A_303 = tpu.memref_slice %arg19[%add3A_257, %dma_wait3A_302] : memref<4096x768xf32, #tpu.memory_space<hbm>> -> memref<32x768xf32, #tpu.memory_space<hbm>>
    %dma_wait3A_304 = arith.constant 0 : i32
    %dma_wait3A_305 = tpu.memref_slice %arg19[%add3A_257, %dma_wait3A_304] : memref<4096x768xf32, #tpu.memory_space<hbm>> -> memref<32x768xf32, #tpu.memory_space<hbm>>
    tpu.wait_dma2 semaphore(%arg32 : memref<!tpu.dma_semaphore, #tpu.memory_space<semaphore_mem>>) src(%arg24 : memref<32x768xf32, #tpu.memory_space<vmem>>) dst(%dma_wait3A_305 : memref<32x768xf32, #tpu.memory_space<hbm>>)
    %dma_start3A_306 = arith.constant 2 : i32
    %dma_start3A_307 = arith.constant 0 : i32
    %dma_start3A_308 = tpu.memref_slice %arg21[%dma_start3A_306, %dma_start3A_307] : memref<4x32xi32, #tpu.memory_space<vmem>> -> memref<1x32xi32, #tpu.memory_space<vmem>>
    %dma_start3A_309 = tpu.memref_squeeze %dma_start3A_308 : memref<1x32xi32, #tpu.memory_space<vmem>> -> memref<32xi32, #tpu.memory_space<vmem>>
    %dma_start3A_310 = arith.constant 0 : i32
    %dma_start3A_311 = arith.constant 0 : i32
    %dma_start3A_312 = tpu.memref_slice %arg5[%dma_start3A_310, %dma_start3A_311] : memref<100000x768xf32, #tpu.memory_space<hbm>> -> memref<100000x768xf32, #tpu.memory_space<hbm>>
    tpu.enqueue_indirect_dma source(%dma_start3A_312 : memref<100000x768xf32, #tpu.memory_space<hbm>>) target(%arg24 : memref<32x768xf32, #tpu.memory_space<vmem>>) offsets(%dma_start3A_309 : memref<32xi32, #tpu.memory_space<vmem>>) semaphore(%arg28 : memref<!tpu.dma_semaphore, #tpu.memory_space<semaphore_mem>>)
    %dma_wait3A_313 = arith.constant 0 : i32
    %dma_wait3A_314 = arith.constant 0 : i32
    %dma_wait3A_315 = tpu.memref_slice %arg21[%dma_wait3A_313, %dma_wait3A_314] : memref<4x32xi32, #tpu.memory_space<vmem>> -> memref<1x32xi32, #tpu.memory_space<vmem>>
    %dma_wait3A_316 = tpu.memref_squeeze %dma_wait3A_315 : memref<1x32xi32, #tpu.memory_space<vmem>> -> memref<32xi32, #tpu.memory_space<vmem>>
    %dma_wait3A_317 = arith.constant 0 : i32
    %dma_wait3A_318 = arith.constant 0 : i32
    %dma_wait3A_319 = tpu.memref_slice %arg5[%dma_wait3A_317, %dma_wait3A_318] : memref<100000x768xf32, #tpu.memory_space<hbm>> -> memref<100000x768xf32, #tpu.memory_space<hbm>>
    tpu.wait_indirect_dma semaphore(%arg26 : memref<!tpu.dma_semaphore, #tpu.memory_space<semaphore_mem>>) src(%dma_wait3A_319 : memref<100000x768xf32, #tpu.memory_space<hbm>>) dst(%arg22 : memref<32x768xf32, #tpu.memory_space<vmem>>)
    %add3A_320 = arith.constant 0 : i32
    %add3A_321 = arith.addi %mul3A_2, %add3A_320 : i32
    %dma_start3A_322 = arith.constant 0 : i32
    %dma_start3A_323 = tpu.memref_slice %arg11[%add3A_321, %dma_start3A_322] : memref<4096x768xf32, #tpu.memory_space<hbm>> -> memref<32x768xf32, #tpu.memory_space<hbm>>
    %dma_start3A_324 = arith.constant 0 : i32
    %dma_start3A_325 = tpu.memref_slice %arg11[%add3A_321, %dma_start3A_324] : memref<4096x768xf32, #tpu.memory_space<hbm>> -> memref<32x768xf32, #tpu.memory_space<hbm>>
    tpu.enqueue_dma source(%arg22 : memref<32x768xf32, #tpu.memory_space<vmem>>) target(%dma_start3A_325 : memref<32x768xf32, #tpu.memory_space<hbm>>) target_semaphore(%arg30 : memref<!tpu.dma_semaphore, #tpu.memory_space<semaphore_mem>>)
    %dma_start3A_326 = arith.constant 0 : i32
    %dma_start3A_327 = tpu.memref_slice %arg18[%add3A_321, %dma_start3A_326] : memref<4096x768xf32, #tpu.memory_space<hbm>> -> memref<32x768xf32, #tpu.memory_space<hbm>>
    %dma_start3A_328 = arith.constant 0 : i32
    %dma_start3A_329 = tpu.memref_slice %arg18[%add3A_321, %dma_start3A_328] : memref<4096x768xf32, #tpu.memory_space<hbm>> -> memref<32x768xf32, #tpu.memory_space<hbm>>
    tpu.enqueue_dma source(%arg22 : memref<32x768xf32, #tpu.memory_space<vmem>>) target(%dma_start3A_329 : memref<32x768xf32, #tpu.memory_space<hbm>>) target_semaphore(%arg30 : memref<!tpu.dma_semaphore, #tpu.memory_space<semaphore_mem>>)
    %dma_wait3A_330 = arith.constant 0 : i32
    %dma_wait3A_331 = tpu.memref_slice %arg10[%add3A_289, %dma_wait3A_330] : memref<4096x768xf32, #tpu.memory_space<hbm>> -> memref<32x768xf32, #tpu.memory_space<hbm>>
    %dma_wait3A_332 = arith.constant 0 : i32
    %dma_wait3A_333 = tpu.memref_slice %arg10[%add3A_289, %dma_wait3A_332] : memref<4096x768xf32, #tpu.memory_space<hbm>> -> memref<32x768xf32, #tpu.memory_space<hbm>>
    tpu.wait_dma2 semaphore(%arg33 : memref<!tpu.dma_semaphore, #tpu.memory_space<semaphore_mem>>) src(%arg25 : memref<32x768xf32, #tpu.memory_space<vmem>>) dst(%dma_wait3A_333 : memref<32x768xf32, #tpu.memory_space<hbm>>)
    %dma_wait3A_334 = arith.constant 0 : i32
    %dma_wait3A_335 = tpu.memref_slice %arg19[%add3A_289, %dma_wait3A_334] : memref<4096x768xf32, #tpu.memory_space<hbm>> -> memref<32x768xf32, #tpu.memory_space<hbm>>
    %dma_wait3A_336 = arith.constant 0 : i32
    %dma_wait3A_337 = tpu.memref_slice %arg19[%add3A_289, %dma_wait3A_336] : memref<4096x768xf32, #tpu.memory_space<hbm>> -> memref<32x768xf32, #tpu.memory_space<hbm>>
    tpu.wait_dma2 semaphore(%arg33 : memref<!tpu.dma_semaphore, #tpu.memory_space<semaphore_mem>>) src(%arg25 : memref<32x768xf32, #tpu.memory_space<vmem>>) dst(%dma_wait3A_337 : memref<32x768xf32, #tpu.memory_space<hbm>>)
    %dma_start3A_338 = arith.constant 3 : i32
    %dma_start3A_339 = arith.constant 0 : i32
    %dma_start3A_340 = tpu.memref_slice %arg21[%dma_start3A_338, %dma_start3A_339] : memref<4x32xi32, #tpu.memory_space<vmem>> -> memref<1x32xi32, #tpu.memory_space<vmem>>
    %dma_start3A_341 = tpu.memref_squeeze %dma_start3A_340 : memref<1x32xi32, #tpu.memory_space<vmem>> -> memref<32xi32, #tpu.memory_space<vmem>>
    %dma_start3A_342 = arith.constant 0 : i32
    %dma_start3A_343 = arith.constant 0 : i32
    %dma_start3A_344 = tpu.memref_slice %arg5[%dma_start3A_342, %dma_start3A_343] : memref<100000x768xf32, #tpu.memory_space<hbm>> -> memref<100000x768xf32, #tpu.memory_space<hbm>>
    tpu.enqueue_indirect_dma source(%dma_start3A_344 : memref<100000x768xf32, #tpu.memory_space<hbm>>) target(%arg25 : memref<32x768xf32, #tpu.memory_space<vmem>>) offsets(%dma_start3A_341 : memref<32xi32, #tpu.memory_space<vmem>>) semaphore(%arg29 : memref<!tpu.dma_semaphore, #tpu.memory_space<semaphore_mem>>)
    %dma_wait3A_345 = arith.constant 1 : i32
    %dma_wait3A_346 = arith.constant 0 : i32
    %dma_wait3A_347 = tpu.memref_slice %arg21[%dma_wait3A_345, %dma_wait3A_346] : memref<4x32xi32, #tpu.memory_space<vmem>> -> memref<1x32xi32, #tpu.memory_space<vmem>>
    %dma_wait3A_348 = tpu.memref_squeeze %dma_wait3A_347 : memref<1x32xi32, #tpu.memory_space<vmem>> -> memref<32xi32, #tpu.memory_space<vmem>>
    %dma_wait3A_349 = arith.constant 0 : i32
    %dma_wait3A_350 = arith.constant 0 : i32
    %dma_wait3A_351 = tpu.memref_slice %arg5[%dma_wait3A_349, %dma_wait3A_350] : memref<100000x768xf32, #tpu.memory_space<hbm>> -> memref<100000x768xf32, #tpu.memory_space<hbm>>
    tpu.wait_indirect_dma semaphore(%arg27 : memref<!tpu.dma_semaphore, #tpu.memory_space<semaphore_mem>>) src(%dma_wait3A_351 : memref<100000x768xf32, #tpu.memory_space<hbm>>) dst(%arg23 : memref<32x768xf32, #tpu.memory_space<vmem>>)
    %add3A_352 = arith.constant 32 : i32
    %add3A_353 = arith.addi %mul3A_2, %add3A_352 : i32
    %dma_start3A_354 = arith.constant 0 : i32
    %dma_start3A_355 = tpu.memref_slice %arg11[%add3A_353, %dma_start3A_354] : memref<4096x768xf32, #tpu.memory_space<hbm>> -> memref<32x768xf32, #tpu.memory_space<hbm>>
    %dma_start3A_356 = arith.constant 0 : i32
    %dma_start3A_357 = tpu.memref_slice %arg11[%add3A_353, %dma_start3A_356] : memref<4096x768xf32, #tpu.memory_space<hbm>> -> memref<32x768xf32, #tpu.memory_space<hbm>>
    tpu.enqueue_dma source(%arg23 : memref<32x768xf32, #tpu.memory_space<vmem>>) target(%dma_start3A_357 : memref<32x768xf32, #tpu.memory_space<hbm>>) target_semaphore(%arg31 : memref<!tpu.dma_semaphore, #tpu.memory_space<semaphore_mem>>)
    %dma_start3A_358 = arith.constant 0 : i32
    %dma_start3A_359 = tpu.memref_slice %arg18[%add3A_353, %dma_start3A_358] : memref<4096x768xf32, #tpu.memory_space<hbm>> -> memref<32x768xf32, #tpu.memory_space<hbm>>
    %dma_start3A_360 = arith.constant 0 : i32
    %dma_start3A_361 = tpu.memref_slice %arg18[%add3A_353, %dma_start3A_360] : memref<4096x768xf32, #tpu.memory_space<hbm>> -> memref<32x768xf32, #tpu.memory_space<hbm>>
    tpu.enqueue_dma source(%arg23 : memref<32x768xf32, #tpu.memory_space<vmem>>) target(%dma_start3A_361 : memref<32x768xf32, #tpu.memory_space<hbm>>) target_semaphore(%arg31 : memref<!tpu.dma_semaphore, #tpu.memory_space<semaphore_mem>>)
    %dma_wait3A_362 = arith.constant 0 : i32
    %dma_wait3A_363 = tpu.memref_slice %arg11[%add3A_321, %dma_wait3A_362] : memref<4096x768xf32, #tpu.memory_space<hbm>> -> memref<32x768xf32, #tpu.memory_space<hbm>>
    %dma_wait3A_364 = arith.constant 0 : i32
    %dma_wait3A_365 = tpu.memref_slice %arg11[%add3A_321, %dma_wait3A_364] : memref<4096x768xf32, #tpu.memory_space<hbm>> -> memref<32x768xf32, #tpu.memory_space<hbm>>
    tpu.wait_dma2 semaphore(%arg30 : memref<!tpu.dma_semaphore, #tpu.memory_space<semaphore_mem>>) src(%arg22 : memref<32x768xf32, #tpu.memory_space<vmem>>) dst(%dma_wait3A_365 : memref<32x768xf32, #tpu.memory_space<hbm>>)
    %dma_wait3A_366 = arith.constant 0 : i32
    %dma_wait3A_367 = tpu.memref_slice %arg18[%add3A_321, %dma_wait3A_366] : memref<4096x768xf32, #tpu.memory_space<hbm>> -> memref<32x768xf32, #tpu.memory_space<hbm>>
    %dma_wait3A_368 = arith.constant 0 : i32
    %dma_wait3A_369 = tpu.memref_slice %arg18[%add3A_321, %dma_wait3A_368] : memref<4096x768xf32, #tpu.memory_space<hbm>> -> memref<32x768xf32, #tpu.memory_space<hbm>>
    tpu.wait_dma2 semaphore(%arg30 : memref<!tpu.dma_semaphore, #tpu.memory_space<semaphore_mem>>) src(%arg22 : memref<32x768xf32, #tpu.memory_space<vmem>>) dst(%dma_wait3A_369 : memref<32x768xf32, #tpu.memory_space<hbm>>)
    %dma_start3A_370 = arith.constant 0 : i32
    %dma_start3A_371 = arith.constant 0 : i32
    %dma_start3A_372 = tpu.memref_slice %arg21[%dma_start3A_370, %dma_start3A_371] : memref<4x32xi32, #tpu.memory_space<vmem>> -> memref<1x32xi32, #tpu.memory_space<vmem>>
    %dma_start3A_373 = tpu.memref_squeeze %dma_start3A_372 : memref<1x32xi32, #tpu.memory_space<vmem>> -> memref<32xi32, #tpu.memory_space<vmem>>
    %dma_start3A_374 = arith.constant 0 : i32
    %dma_start3A_375 = arith.constant 0 : i32
    %dma_start3A_376 = tpu.memref_slice %arg6[%dma_start3A_374, %dma_start3A_375] : memref<100000x768xf32, #tpu.memory_space<hbm>> -> memref<100000x768xf32, #tpu.memory_space<hbm>>
    tpu.enqueue_indirect_dma source(%dma_start3A_376 : memref<100000x768xf32, #tpu.memory_space<hbm>>) target(%arg22 : memref<32x768xf32, #tpu.memory_space<vmem>>) offsets(%dma_start3A_373 : memref<32xi32, #tpu.memory_space<vmem>>) semaphore(%arg26 : memref<!tpu.dma_semaphore, #tpu.memory_space<semaphore_mem>>)
    %dma_wait3A_377 = arith.constant 2 : i32
    %dma_wait3A_378 = arith.constant 0 : i32
    %dma_wait3A_379 = tpu.memref_slice %arg21[%dma_wait3A_377, %dma_wait3A_378] : memref<4x32xi32, #tpu.memory_space<vmem>> -> memref<1x32xi32, #tpu.memory_space<vmem>>
    %dma_wait3A_380 = tpu.memref_squeeze %dma_wait3A_379 : memref<1x32xi32, #tpu.memory_space<vmem>> -> memref<32xi32, #tpu.memory_space<vmem>>
    %dma_wait3A_381 = arith.constant 0 : i32
    %dma_wait3A_382 = arith.constant 0 : i32
    %dma_wait3A_383 = tpu.memref_slice %arg5[%dma_wait3A_381, %dma_wait3A_382] : memref<100000x768xf32, #tpu.memory_space<hbm>> -> memref<100000x768xf32, #tpu.memory_space<hbm>>
    tpu.wait_indirect_dma semaphore(%arg28 : memref<!tpu.dma_semaphore, #tpu.memory_space<semaphore_mem>>) src(%dma_wait3A_383 : memref<100000x768xf32, #tpu.memory_space<hbm>>) dst(%arg24 : memref<32x768xf32, #tpu.memory_space<vmem>>)
    %add3A_384 = arith.constant 64 : i32
    %add3A_385 = arith.addi %mul3A_2, %add3A_384 : i32
    %dma_start3A_386 = arith.constant 0 : i32
    %dma_start3A_387 = tpu.memref_slice %arg11[%add3A_385, %dma_start3A_386] : memref<4096x768xf32, #tpu.memory_space<hbm>> -> memref<32x768xf32, #tpu.memory_space<hbm>>
    %dma_start3A_388 = arith.constant 0 : i32
    %dma_start3A_389 = tpu.memref_slice %arg11[%add3A_385, %dma_start3A_388] : memref<4096x768xf32, #tpu.memory_space<hbm>> -> memref<32x768xf32, #tpu.memory_space<hbm>>
    tpu.enqueue_dma source(%arg24 : memref<32x768xf32, #tpu.memory_space<vmem>>) target(%dma_start3A_389 : memref<32x768xf32, #tpu.memory_space<hbm>>) target_semaphore(%arg32 : memref<!tpu.dma_semaphore, #tpu.memory_space<semaphore_mem>>)
    %dma_start3A_390 = arith.constant 0 : i32
    %dma_start3A_391 = tpu.memref_slice %arg18[%add3A_385, %dma_start3A_390] : memref<4096x768xf32, #tpu.memory_space<hbm>> -> memref<32x768xf32, #tpu.memory_space<hbm>>
    %dma_start3A_392 = arith.constant 0 : i32
    %dma_start3A_393 = tpu.memref_slice %arg18[%add3A_385, %dma_start3A_392] : memref<4096x768xf32, #tpu.memory_space<hbm>> -> memref<32x768xf32, #tpu.memory_space<hbm>>
    tpu.enqueue_dma source(%arg24 : memref<32x768xf32, #tpu.memory_space<vmem>>) target(%dma_start3A_393 : memref<32x768xf32, #tpu.memory_space<hbm>>) target_semaphore(%arg32 : memref<!tpu.dma_semaphore, #tpu.memory_space<semaphore_mem>>)
    %dma_wait3A_394 = arith.constant 0 : i32
    %dma_wait3A_395 = tpu.memref_slice %arg11[%add3A_353, %dma_wait3A_394] : memref<4096x768xf32, #tpu.memory_space<hbm>> -> memref<32x768xf32, #tpu.memory_space<hbm>>
    %dma_wait3A_396 = arith.constant 0 : i32
    %dma_wait3A_397 = tpu.memref_slice %arg11[%add3A_353, %dma_wait3A_396] : memref<4096x768xf32, #tpu.memory_space<hbm>> -> memref<32x768xf32, #tpu.memory_space<hbm>>
    tpu.wait_dma2 semaphore(%arg31 : memref<!tpu.dma_semaphore, #tpu.memory_space<semaphore_mem>>) src(%arg23 : memref<32x768xf32, #tpu.memory_space<vmem>>) dst(%dma_wait3A_397 : memref<32x768xf32, #tpu.memory_space<hbm>>)
    %dma_wait3A_398 = arith.constant 0 : i32
    %dma_wait3A_399 = tpu.memref_slice %arg18[%add3A_353, %dma_wait3A_398] : memref<4096x768xf32, #tpu.memory_space<hbm>> -> memref<32x768xf32, #tpu.memory_space<hbm>>
    %dma_wait3A_400 = arith.constant 0 : i32
    %dma_wait3A_401 = tpu.memref_slice %arg18[%add3A_353, %dma_wait3A_400] : memref<4096x768xf32, #tpu.memory_space<hbm>> -> memref<32x768xf32, #tpu.memory_space<hbm>>
    tpu.wait_dma2 semaphore(%arg31 : memref<!tpu.dma_semaphore, #tpu.memory_space<semaphore_mem>>) src(%arg23 : memref<32x768xf32, #tpu.memory_space<vmem>>) dst(%dma_wait3A_401 : memref<32x768xf32, #tpu.memory_space<hbm>>)
    %dma_start3A_402 = arith.constant 1 : i32
    %dma_start3A_403 = arith.constant 0 : i32
    %dma_start3A_404 = tpu.memref_slice %arg21[%dma_start3A_402, %dma_start3A_403] : memref<4x32xi32, #tpu.memory_space<vmem>> -> memref<1x32xi32, #tpu.memory_space<vmem>>
    %dma_start3A_405 = tpu.memref_squeeze %dma_start3A_404 : memref<1x32xi32, #tpu.memory_space<vmem>> -> memref<32xi32, #tpu.memory_space<vmem>>
    %dma_start3A_406 = arith.constant 0 : i32
    %dma_start3A_407 = arith.constant 0 : i32
    %dma_start3A_408 = tpu.memref_slice %arg6[%dma_start3A_406, %dma_start3A_407] : memref<100000x768xf32, #tpu.memory_space<hbm>> -> memref<100000x768xf32, #tpu.memory_space<hbm>>
    tpu.enqueue_indirect_dma source(%dma_start3A_408 : memref<100000x768xf32, #tpu.memory_space<hbm>>) target(%arg23 : memref<32x768xf32, #tpu.memory_space<vmem>>) offsets(%dma_start3A_405 : memref<32xi32, #tpu.memory_space<vmem>>) semaphore(%arg27 : memref<!tpu.dma_semaphore, #tpu.memory_space<semaphore_mem>>)
    %dma_wait3A_409 = arith.constant 3 : i32
    %dma_wait3A_410 = arith.constant 0 : i32
    %dma_wait3A_411 = tpu.memref_slice %arg21[%dma_wait3A_409, %dma_wait3A_410] : memref<4x32xi32, #tpu.memory_space<vmem>> -> memref<1x32xi32, #tpu.memory_space<vmem>>
    %dma_wait3A_412 = tpu.memref_squeeze %dma_wait3A_411 : memref<1x32xi32, #tpu.memory_space<vmem>> -> memref<32xi32, #tpu.memory_space<vmem>>
    %dma_wait3A_413 = arith.constant 0 : i32
    %dma_wait3A_414 = arith.constant 0 : i32
    %dma_wait3A_415 = tpu.memref_slice %arg5[%dma_wait3A_413, %dma_wait3A_414] : memref<100000x768xf32, #tpu.memory_space<hbm>> -> memref<100000x768xf32, #tpu.memory_space<hbm>>
    tpu.wait_indirect_dma semaphore(%arg29 : memref<!tpu.dma_semaphore, #tpu.memory_space<semaphore_mem>>) src(%dma_wait3A_415 : memref<100000x768xf32, #tpu.memory_space<hbm>>) dst(%arg25 : memref<32x768xf32, #tpu.memory_space<vmem>>)
    %add3A_416 = arith.constant 96 : i32
    %add3A_417 = arith.addi %mul3A_2, %add3A_416 : i32
    %dma_start3A_418 = arith.constant 0 : i32
    %dma_start3A_419 = tpu.memref_slice %arg11[%add3A_417, %dma_start3A_418] : memref<4096x768xf32, #tpu.memory_space<hbm>> -> memref<32x768xf32, #tpu.memory_space<hbm>>
    %dma_start3A_420 = arith.constant 0 : i32
    %dma_start3A_421 = tpu.memref_slice %arg11[%add3A_417, %dma_start3A_420] : memref<4096x768xf32, #tpu.memory_space<hbm>> -> memref<32x768xf32, #tpu.memory_space<hbm>>
    tpu.enqueue_dma source(%arg25 : memref<32x768xf32, #tpu.memory_space<vmem>>) target(%dma_start3A_421 : memref<32x768xf32, #tpu.memory_space<hbm>>) target_semaphore(%arg33 : memref<!tpu.dma_semaphore, #tpu.memory_space<semaphore_mem>>)
    %dma_start3A_422 = arith.constant 0 : i32
    %dma_start3A_423 = tpu.memref_slice %arg18[%add3A_417, %dma_start3A_422] : memref<4096x768xf32, #tpu.memory_space<hbm>> -> memref<32x768xf32, #tpu.memory_space<hbm>>
    %dma_start3A_424 = arith.constant 0 : i32
    %dma_start3A_425 = tpu.memref_slice %arg18[%add3A_417, %dma_start3A_424] : memref<4096x768xf32, #tpu.memory_space<hbm>> -> memref<32x768xf32, #tpu.memory_space<hbm>>
    tpu.enqueue_dma source(%arg25 : memref<32x768xf32, #tpu.memory_space<vmem>>) target(%dma_start3A_425 : memref<32x768xf32, #tpu.memory_space<hbm>>) target_semaphore(%arg33 : memref<!tpu.dma_semaphore, #tpu.memory_space<semaphore_mem>>)
    %dma_wait3A_426 = arith.constant 0 : i32
    %dma_wait3A_427 = tpu.memref_slice %arg11[%add3A_385, %dma_wait3A_426] : memref<4096x768xf32, #tpu.memory_space<hbm>> -> memref<32x768xf32, #tpu.memory_space<hbm>>
    %dma_wait3A_428 = arith.constant 0 : i32
    %dma_wait3A_429 = tpu.memref_slice %arg11[%add3A_385, %dma_wait3A_428] : memref<4096x768xf32, #tpu.memory_space<hbm>> -> memref<32x768xf32, #tpu.memory_space<hbm>>
    tpu.wait_dma2 semaphore(%arg32 : memref<!tpu.dma_semaphore, #tpu.memory_space<semaphore_mem>>) src(%arg24 : memref<32x768xf32, #tpu.memory_space<vmem>>) dst(%dma_wait3A_429 : memref<32x768xf32, #tpu.memory_space<hbm>>)
    %dma_wait3A_430 = arith.constant 0 : i32
    %dma_wait3A_431 = tpu.memref_slice %arg18[%add3A_385, %dma_wait3A_430] : memref<4096x768xf32, #tpu.memory_space<hbm>> -> memref<32x768xf32, #tpu.memory_space<hbm>>
    %dma_wait3A_432 = arith.constant 0 : i32
    %dma_wait3A_433 = tpu.memref_slice %arg18[%add3A_385, %dma_wait3A_432] : memref<4096x768xf32, #tpu.memory_space<hbm>> -> memref<32x768xf32, #tpu.memory_space<hbm>>
    tpu.wait_dma2 semaphore(%arg32 : memref<!tpu.dma_semaphore, #tpu.memory_space<semaphore_mem>>) src(%arg24 : memref<32x768xf32, #tpu.memory_space<vmem>>) dst(%dma_wait3A_433 : memref<32x768xf32, #tpu.memory_space<hbm>>)
    %dma_start3A_434 = arith.constant 2 : i32
    %dma_start3A_435 = arith.constant 0 : i32
    %dma_start3A_436 = tpu.memref_slice %arg21[%dma_start3A_434, %dma_start3A_435] : memref<4x32xi32, #tpu.memory_space<vmem>> -> memref<1x32xi32, #tpu.memory_space<vmem>>
    %dma_start3A_437 = tpu.memref_squeeze %dma_start3A_436 : memref<1x32xi32, #tpu.memory_space<vmem>> -> memref<32xi32, #tpu.memory_space<vmem>>
    %dma_start3A_438 = arith.constant 0 : i32
    %dma_start3A_439 = arith.constant 0 : i32
    %dma_start3A_440 = tpu.memref_slice %arg6[%dma_start3A_438, %dma_start3A_439] : memref<100000x768xf32, #tpu.memory_space<hbm>> -> memref<100000x768xf32, #tpu.memory_space<hbm>>
    tpu.enqueue_indirect_dma source(%dma_start3A_440 : memref<100000x768xf32, #tpu.memory_space<hbm>>) target(%arg24 : memref<32x768xf32, #tpu.memory_space<vmem>>) offsets(%dma_start3A_437 : memref<32xi32, #tpu.memory_space<vmem>>) semaphore(%arg28 : memref<!tpu.dma_semaphore, #tpu.memory_space<semaphore_mem>>)
    %dma_wait3A_441 = arith.constant 0 : i32
    %dma_wait3A_442 = arith.constant 0 : i32
    %dma_wait3A_443 = tpu.memref_slice %arg21[%dma_wait3A_441, %dma_wait3A_442] : memref<4x32xi32, #tpu.memory_space<vmem>> -> memref<1x32xi32, #tpu.memory_space<vmem>>
    %dma_wait3A_444 = tpu.memref_squeeze %dma_wait3A_443 : memref<1x32xi32, #tpu.memory_space<vmem>> -> memref<32xi32, #tpu.memory_space<vmem>>
    %dma_wait3A_445 = arith.constant 0 : i32
    %dma_wait3A_446 = arith.constant 0 : i32
    %dma_wait3A_447 = tpu.memref_slice %arg6[%dma_wait3A_445, %dma_wait3A_446] : memref<100000x768xf32, #tpu.memory_space<hbm>> -> memref<100000x768xf32, #tpu.memory_space<hbm>>
    tpu.wait_indirect_dma semaphore(%arg26 : memref<!tpu.dma_semaphore, #tpu.memory_space<semaphore_mem>>) src(%dma_wait3A_447 : memref<100000x768xf32, #tpu.memory_space<hbm>>) dst(%arg22 : memref<32x768xf32, #tpu.memory_space<vmem>>)
    %add3A_448 = arith.constant 0 : i32
    %add3A_449 = arith.addi %mul3A_2, %add3A_448 : i32
    %dma_start3A_450 = arith.constant 0 : i32
    %dma_start3A_451 = tpu.memref_slice %arg12[%add3A_449, %dma_start3A_450] : memref<4096x768xf32, #tpu.memory_space<hbm>> -> memref<32x768xf32, #tpu.memory_space<hbm>>
    %dma_start3A_452 = arith.constant 0 : i32
    %dma_start3A_453 = tpu.memref_slice %arg12[%add3A_449, %dma_start3A_452] : memref<4096x768xf32, #tpu.memory_space<hbm>> -> memref<32x768xf32, #tpu.memory_space<hbm>>
    tpu.enqueue_dma source(%arg22 : memref<32x768xf32, #tpu.memory_space<vmem>>) target(%dma_start3A_453 : memref<32x768xf32, #tpu.memory_space<hbm>>) target_semaphore(%arg30 : memref<!tpu.dma_semaphore, #tpu.memory_space<semaphore_mem>>)
    %dma_start3A_454 = arith.constant 0 : i32
    %dma_start3A_455 = tpu.memref_slice %arg17[%add3A_449, %dma_start3A_454] : memref<4096x768xf32, #tpu.memory_space<hbm>> -> memref<32x768xf32, #tpu.memory_space<hbm>>
    %dma_start3A_456 = arith.constant 0 : i32
    %dma_start3A_457 = tpu.memref_slice %arg17[%add3A_449, %dma_start3A_456] : memref<4096x768xf32, #tpu.memory_space<hbm>> -> memref<32x768xf32, #tpu.memory_space<hbm>>
    tpu.enqueue_dma source(%arg22 : memref<32x768xf32, #tpu.memory_space<vmem>>) target(%dma_start3A_457 : memref<32x768xf32, #tpu.memory_space<hbm>>) target_semaphore(%arg30 : memref<!tpu.dma_semaphore, #tpu.memory_space<semaphore_mem>>)
    %dma_wait3A_458 = arith.constant 0 : i32
    %dma_wait3A_459 = tpu.memref_slice %arg11[%add3A_417, %dma_wait3A_458] : memref<4096x768xf32, #tpu.memory_space<hbm>> -> memref<32x768xf32, #tpu.memory_space<hbm>>
    %dma_wait3A_460 = arith.constant 0 : i32
    %dma_wait3A_461 = tpu.memref_slice %arg11[%add3A_417, %dma_wait3A_460] : memref<4096x768xf32, #tpu.memory_space<hbm>> -> memref<32x768xf32, #tpu.memory_space<hbm>>
    tpu.wait_dma2 semaphore(%arg33 : memref<!tpu.dma_semaphore, #tpu.memory_space<semaphore_mem>>) src(%arg25 : memref<32x768xf32, #tpu.memory_space<vmem>>) dst(%dma_wait3A_461 : memref<32x768xf32, #tpu.memory_space<hbm>>)
    %dma_wait3A_462 = arith.constant 0 : i32
    %dma_wait3A_463 = tpu.memref_slice %arg18[%add3A_417, %dma_wait3A_462] : memref<4096x768xf32, #tpu.memory_space<hbm>> -> memref<32x768xf32, #tpu.memory_space<hbm>>
    %dma_wait3A_464 = arith.constant 0 : i32
    %dma_wait3A_465 = tpu.memref_slice %arg18[%add3A_417, %dma_wait3A_464] : memref<4096x768xf32, #tpu.memory_space<hbm>> -> memref<32x768xf32, #tpu.memory_space<hbm>>
    tpu.wait_dma2 semaphore(%arg33 : memref<!tpu.dma_semaphore, #tpu.memory_space<semaphore_mem>>) src(%arg25 : memref<32x768xf32, #tpu.memory_space<vmem>>) dst(%dma_wait3A_465 : memref<32x768xf32, #tpu.memory_space<hbm>>)
    %dma_start3A_466 = arith.constant 3 : i32
    %dma_start3A_467 = arith.constant 0 : i32
    %dma_start3A_468 = tpu.memref_slice %arg21[%dma_start3A_466, %dma_start3A_467] : memref<4x32xi32, #tpu.memory_space<vmem>> -> memref<1x32xi32, #tpu.memory_space<vmem>>
    %dma_start3A_469 = tpu.memref_squeeze %dma_start3A_468 : memref<1x32xi32, #tpu.memory_space<vmem>> -> memref<32xi32, #tpu.memory_space<vmem>>
    %dma_start3A_470 = arith.constant 0 : i32
    %dma_start3A_471 = arith.constant 0 : i32
    %dma_start3A_472 = tpu.memref_slice %arg6[%dma_start3A_470, %dma_start3A_471] : memref<100000x768xf32, #tpu.memory_space<hbm>> -> memref<100000x768xf32, #tpu.memory_space<hbm>>
    tpu.enqueue_indirect_dma source(%dma_start3A_472 : memref<100000x768xf32, #tpu.memory_space<hbm>>) target(%arg25 : memref<32x768xf32, #tpu.memory_space<vmem>>) offsets(%dma_start3A_469 : memref<32xi32, #tpu.memory_space<vmem>>) semaphore(%arg29 : memref<!tpu.dma_semaphore, #tpu.memory_space<semaphore_mem>>)
    %dma_wait3A_473 = arith.constant 1 : i32
    %dma_wait3A_474 = arith.constant 0 : i32
    %dma_wait3A_475 = tpu.memref_slice %arg21[%dma_wait3A_473, %dma_wait3A_474] : memref<4x32xi32, #tpu.memory_space<vmem>> -> memref<1x32xi32, #tpu.memory_space<vmem>>
    %dma_wait3A_476 = tpu.memref_squeeze %dma_wait3A_475 : memref<1x32xi32, #tpu.memory_space<vmem>> -> memref<32xi32, #tpu.memory_space<vmem>>
    %dma_wait3A_477 = arith.constant 0 : i32
    %dma_wait3A_478 = arith.constant 0 : i32
    %dma_wait3A_479 = tpu.memref_slice %arg6[%dma_wait3A_477, %dma_wait3A_478] : memref<100000x768xf32, #tpu.memory_space<hbm>> -> memref<100000x768xf32, #tpu.memory_space<hbm>>
    tpu.wait_indirect_dma semaphore(%arg27 : memref<!tpu.dma_semaphore, #tpu.memory_space<semaphore_mem>>) src(%dma_wait3A_479 : memref<100000x768xf32, #tpu.memory_space<hbm>>) dst(%arg23 : memref<32x768xf32, #tpu.memory_space<vmem>>)
    %add3A_480 = arith.constant 32 : i32
    %add3A_481 = arith.addi %mul3A_2, %add3A_480 : i32
    %dma_start3A_482 = arith.constant 0 : i32
    %dma_start3A_483 = tpu.memref_slice %arg12[%add3A_481, %dma_start3A_482] : memref<4096x768xf32, #tpu.memory_space<hbm>> -> memref<32x768xf32, #tpu.memory_space<hbm>>
    %dma_start3A_484 = arith.constant 0 : i32
    %dma_start3A_485 = tpu.memref_slice %arg12[%add3A_481, %dma_start3A_484] : memref<4096x768xf32, #tpu.memory_space<hbm>> -> memref<32x768xf32, #tpu.memory_space<hbm>>
    tpu.enqueue_dma source(%arg23 : memref<32x768xf32, #tpu.memory_space<vmem>>) target(%dma_start3A_485 : memref<32x768xf32, #tpu.memory_space<hbm>>) target_semaphore(%arg31 : memref<!tpu.dma_semaphore, #tpu.memory_space<semaphore_mem>>)
    %dma_start3A_486 = arith.constant 0 : i32
    %dma_start3A_487 = tpu.memref_slice %arg17[%add3A_481, %dma_start3A_486] : memref<4096x768xf32, #tpu.memory_space<hbm>> -> memref<32x768xf32, #tpu.memory_space<hbm>>
    %dma_start3A_488 = arith.constant 0 : i32
    %dma_start3A_489 = tpu.memref_slice %arg17[%add3A_481, %dma_start3A_488] : memref<4096x768xf32, #tpu.memory_space<hbm>> -> memref<32x768xf32, #tpu.memory_space<hbm>>
    tpu.enqueue_dma source(%arg23 : memref<32x768xf32, #tpu.memory_space<vmem>>) target(%dma_start3A_489 : memref<32x768xf32, #tpu.memory_space<hbm>>) target_semaphore(%arg31 : memref<!tpu.dma_semaphore, #tpu.memory_space<semaphore_mem>>)
    %dma_wait3A_490 = arith.constant 0 : i32
    %dma_wait3A_491 = tpu.memref_slice %arg12[%add3A_449, %dma_wait3A_490] : memref<4096x768xf32, #tpu.memory_space<hbm>> -> memref<32x768xf32, #tpu.memory_space<hbm>>
    %dma_wait3A_492 = arith.constant 0 : i32
    %dma_wait3A_493 = tpu.memref_slice %arg12[%add3A_449, %dma_wait3A_492] : memref<4096x768xf32, #tpu.memory_space<hbm>> -> memref<32x768xf32, #tpu.memory_space<hbm>>
    tpu.wait_dma2 semaphore(%arg30 : memref<!tpu.dma_semaphore, #tpu.memory_space<semaphore_mem>>) src(%arg22 : memref<32x768xf32, #tpu.memory_space<vmem>>) dst(%dma_wait3A_493 : memref<32x768xf32, #tpu.memory_space<hbm>>)
    %dma_wait3A_494 = arith.constant 0 : i32
    %dma_wait3A_495 = tpu.memref_slice %arg17[%add3A_449, %dma_wait3A_494] : memref<4096x768xf32, #tpu.memory_space<hbm>> -> memref<32x768xf32, #tpu.memory_space<hbm>>
    %dma_wait3A_496 = arith.constant 0 : i32
    %dma_wait3A_497 = tpu.memref_slice %arg17[%add3A_449, %dma_wait3A_496] : memref<4096x768xf32, #tpu.memory_space<hbm>> -> memref<32x768xf32, #tpu.memory_space<hbm>>
    tpu.wait_dma2 semaphore(%arg30 : memref<!tpu.dma_semaphore, #tpu.memory_space<semaphore_mem>>) src(%arg22 : memref<32x768xf32, #tpu.memory_space<vmem>>) dst(%dma_wait3A_497 : memref<32x768xf32, #tpu.memory_space<hbm>>)
    %dma_start3A_498 = arith.constant 0 : i32
    %dma_start3A_499 = arith.constant 0 : i32
    %dma_start3A_500 = tpu.memref_slice %arg21[%dma_start3A_498, %dma_start3A_499] : memref<4x32xi32, #tpu.memory_space<vmem>> -> memref<1x32xi32, #tpu.memory_space<vmem>>
    %dma_start3A_501 = tpu.memref_squeeze %dma_start3A_500 : memref<1x32xi32, #tpu.memory_space<vmem>> -> memref<32xi32, #tpu.memory_space<vmem>>
    %dma_start3A_502 = arith.constant 0 : i32
    %dma_start3A_503 = arith.constant 0 : i32
    %dma_start3A_504 = tpu.memref_slice %arg7[%dma_start3A_502, %dma_start3A_503] : memref<100000x768xf32, #tpu.memory_space<hbm>> -> memref<100000x768xf32, #tpu.memory_space<hbm>>
    tpu.enqueue_indirect_dma source(%dma_start3A_504 : memref<100000x768xf32, #tpu.memory_space<hbm>>) target(%arg22 : memref<32x768xf32, #tpu.memory_space<vmem>>) offsets(%dma_start3A_501 : memref<32xi32, #tpu.memory_space<vmem>>) semaphore(%arg26 : memref<!tpu.dma_semaphore, #tpu.memory_space<semaphore_mem>>)
    %dma_wait3A_505 = arith.constant 2 : i32
    %dma_wait3A_506 = arith.constant 0 : i32
    %dma_wait3A_507 = tpu.memref_slice %arg21[%dma_wait3A_505, %dma_wait3A_506] : memref<4x32xi32, #tpu.memory_space<vmem>> -> memref<1x32xi32, #tpu.memory_space<vmem>>
    %dma_wait3A_508 = tpu.memref_squeeze %dma_wait3A_507 : memref<1x32xi32, #tpu.memory_space<vmem>> -> memref<32xi32, #tpu.memory_space<vmem>>
    %dma_wait3A_509 = arith.constant 0 : i32
    %dma_wait3A_510 = arith.constant 0 : i32
    %dma_wait3A_511 = tpu.memref_slice %arg6[%dma_wait3A_509, %dma_wait3A_510] : memref<100000x768xf32, #tpu.memory_space<hbm>> -> memref<100000x768xf32, #tpu.memory_space<hbm>>
    tpu.wait_indirect_dma semaphore(%arg28 : memref<!tpu.dma_semaphore, #tpu.memory_space<semaphore_mem>>) src(%dma_wait3A_511 : memref<100000x768xf32, #tpu.memory_space<hbm>>) dst(%arg24 : memref<32x768xf32, #tpu.memory_space<vmem>>)
    %add3A_512 = arith.constant 64 : i32
    %add3A_513 = arith.addi %mul3A_2, %add3A_512 : i32
    %dma_start3A_514 = arith.constant 0 : i32
    %dma_start3A_515 = tpu.memref_slice %arg12[%add3A_513, %dma_start3A_514] : memref<4096x768xf32, #tpu.memory_space<hbm>> -> memref<32x768xf32, #tpu.memory_space<hbm>>
    %dma_start3A_516 = arith.constant 0 : i32
    %dma_start3A_517 = tpu.memref_slice %arg12[%add3A_513, %dma_start3A_516] : memref<4096x768xf32, #tpu.memory_space<hbm>> -> memref<32x768xf32, #tpu.memory_space<hbm>>
    tpu.enqueue_dma source(%arg24 : memref<32x768xf32, #tpu.memory_space<vmem>>) target(%dma_start3A_517 : memref<32x768xf32, #tpu.memory_space<hbm>>) target_semaphore(%arg32 : memref<!tpu.dma_semaphore, #tpu.memory_space<semaphore_mem>>)
    %dma_start3A_518 = arith.constant 0 : i32
    %dma_start3A_519 = tpu.memref_slice %arg17[%add3A_513, %dma_start3A_518] : memref<4096x768xf32, #tpu.memory_space<hbm>> -> memref<32x768xf32, #tpu.memory_space<hbm>>
    %dma_start3A_520 = arith.constant 0 : i32
    %dma_start3A_521 = tpu.memref_slice %arg17[%add3A_513, %dma_start3A_520] : memref<4096x768xf32, #tpu.memory_space<hbm>> -> memref<32x768xf32, #tpu.memory_space<hbm>>
    tpu.enqueue_dma source(%arg24 : memref<32x768xf32, #tpu.memory_space<vmem>>) target(%dma_start3A_521 : memref<32x768xf32, #tpu.memory_space<hbm>>) target_semaphore(%arg32 : memref<!tpu.dma_semaphore, #tpu.memory_space<semaphore_mem>>)
    %dma_wait3A_522 = arith.constant 0 : i32
    %dma_wait3A_523 = tpu.memref_slice %arg12[%add3A_481, %dma_wait3A_522] : memref<4096x768xf32, #tpu.memory_space<hbm>> -> memref<32x768xf32, #tpu.memory_space<hbm>>
    %dma_wait3A_524 = arith.constant 0 : i32
    %dma_wait3A_525 = tpu.memref_slice %arg12[%add3A_481, %dma_wait3A_524] : memref<4096x768xf32, #tpu.memory_space<hbm>> -> memref<32x768xf32, #tpu.memory_space<hbm>>
    tpu.wait_dma2 semaphore(%arg31 : memref<!tpu.dma_semaphore, #tpu.memory_space<semaphore_mem>>) src(%arg23 : memref<32x768xf32, #tpu.memory_space<vmem>>) dst(%dma_wait3A_525 : memref<32x768xf32, #tpu.memory_space<hbm>>)
    %dma_wait3A_526 = arith.constant 0 : i32
    %dma_wait3A_527 = tpu.memref_slice %arg17[%add3A_481, %dma_wait3A_526] : memref<4096x768xf32, #tpu.memory_space<hbm>> -> memref<32x768xf32, #tpu.memory_space<hbm>>
    %dma_wait3A_528 = arith.constant 0 : i32
    %dma_wait3A_529 = tpu.memref_slice %arg17[%add3A_481, %dma_wait3A_528] : memref<4096x768xf32, #tpu.memory_space<hbm>> -> memref<32x768xf32, #tpu.memory_space<hbm>>
    tpu.wait_dma2 semaphore(%arg31 : memref<!tpu.dma_semaphore, #tpu.memory_space<semaphore_mem>>) src(%arg23 : memref<32x768xf32, #tpu.memory_space<vmem>>) dst(%dma_wait3A_529 : memref<32x768xf32, #tpu.memory_space<hbm>>)
    %dma_start3A_530 = arith.constant 1 : i32
    %dma_start3A_531 = arith.constant 0 : i32
    %dma_start3A_532 = tpu.memref_slice %arg21[%dma_start3A_530, %dma_start3A_531] : memref<4x32xi32, #tpu.memory_space<vmem>> -> memref<1x32xi32, #tpu.memory_space<vmem>>
    %dma_start3A_533 = tpu.memref_squeeze %dma_start3A_532 : memref<1x32xi32, #tpu.memory_space<vmem>> -> memref<32xi32, #tpu.memory_space<vmem>>
    %dma_start3A_534 = arith.constant 0 : i32
    %dma_start3A_535 = arith.constant 0 : i32
    %dma_start3A_536 = tpu.memref_slice %arg7[%dma_start3A_534, %dma_start3A_535] : memref<100000x768xf32, #tpu.memory_space<hbm>> -> memref<100000x768xf32, #tpu.memory_space<hbm>>
    tpu.enqueue_indirect_dma source(%dma_start3A_536 : memref<100000x768xf32, #tpu.memory_space<hbm>>) target(%arg23 : memref<32x768xf32, #tpu.memory_space<vmem>>) offsets(%dma_start3A_533 : memref<32xi32, #tpu.memory_space<vmem>>) semaphore(%arg27 : memref<!tpu.dma_semaphore, #tpu.memory_space<semaphore_mem>>)
    %dma_wait3A_537 = arith.constant 3 : i32
    %dma_wait3A_538 = arith.constant 0 : i32
    %dma_wait3A_539 = tpu.memref_slice %arg21[%dma_wait3A_537, %dma_wait3A_538] : memref<4x32xi32, #tpu.memory_space<vmem>> -> memref<1x32xi32, #tpu.memory_space<vmem>>
    %dma_wait3A_540 = tpu.memref_squeeze %dma_wait3A_539 : memref<1x32xi32, #tpu.memory_space<vmem>> -> memref<32xi32, #tpu.memory_space<vmem>>
    %dma_wait3A_541 = arith.constant 0 : i32
    %dma_wait3A_542 = arith.constant 0 : i32
    %dma_wait3A_543 = tpu.memref_slice %arg6[%dma_wait3A_541, %dma_wait3A_542] : memref<100000x768xf32, #tpu.memory_space<hbm>> -> memref<100000x768xf32, #tpu.memory_space<hbm>>
    tpu.wait_indirect_dma semaphore(%arg29 : memref<!tpu.dma_semaphore, #tpu.memory_space<semaphore_mem>>) src(%dma_wait3A_543 : memref<100000x768xf32, #tpu.memory_space<hbm>>) dst(%arg25 : memref<32x768xf32, #tpu.memory_space<vmem>>)
    %add3A_544 = arith.constant 96 : i32
    %add3A_545 = arith.addi %mul3A_2, %add3A_544 : i32
    %dma_start3A_546 = arith.constant 0 : i32
    %dma_start3A_547 = tpu.memref_slice %arg12[%add3A_545, %dma_start3A_546] : memref<4096x768xf32, #tpu.memory_space<hbm>> -> memref<32x768xf32, #tpu.memory_space<hbm>>
    %dma_start3A_548 = arith.constant 0 : i32
    %dma_start3A_549 = tpu.memref_slice %arg12[%add3A_545, %dma_start3A_548] : memref<4096x768xf32, #tpu.memory_space<hbm>> -> memref<32x768xf32, #tpu.memory_space<hbm>>
    tpu.enqueue_dma source(%arg25 : memref<32x768xf32, #tpu.memory_space<vmem>>) target(%dma_start3A_549 : memref<32x768xf32, #tpu.memory_space<hbm>>) target_semaphore(%arg33 : memref<!tpu.dma_semaphore, #tpu.memory_space<semaphore_mem>>)
    %dma_start3A_550 = arith.constant 0 : i32
    %dma_start3A_551 = tpu.memref_slice %arg17[%add3A_545, %dma_start3A_550] : memref<4096x768xf32, #tpu.memory_space<hbm>> -> memref<32x768xf32, #tpu.memory_space<hbm>>
    %dma_start3A_552 = arith.constant 0 : i32
    %dma_start3A_553 = tpu.memref_slice %arg17[%add3A_545, %dma_start3A_552] : memref<4096x768xf32, #tpu.memory_space<hbm>> -> memref<32x768xf32, #tpu.memory_space<hbm>>
    tpu.enqueue_dma source(%arg25 : memref<32x768xf32, #tpu.memory_space<vmem>>) target(%dma_start3A_553 : memref<32x768xf32, #tpu.memory_space<hbm>>) target_semaphore(%arg33 : memref<!tpu.dma_semaphore, #tpu.memory_space<semaphore_mem>>)
    %dma_wait3A_554 = arith.constant 0 : i32
    %dma_wait3A_555 = tpu.memref_slice %arg12[%add3A_513, %dma_wait3A_554] : memref<4096x768xf32, #tpu.memory_space<hbm>> -> memref<32x768xf32, #tpu.memory_space<hbm>>
    %dma_wait3A_556 = arith.constant 0 : i32
    %dma_wait3A_557 = tpu.memref_slice %arg12[%add3A_513, %dma_wait3A_556] : memref<4096x768xf32, #tpu.memory_space<hbm>> -> memref<32x768xf32, #tpu.memory_space<hbm>>
    tpu.wait_dma2 semaphore(%arg32 : memref<!tpu.dma_semaphore, #tpu.memory_space<semaphore_mem>>) src(%arg24 : memref<32x768xf32, #tpu.memory_space<vmem>>) dst(%dma_wait3A_557 : memref<32x768xf32, #tpu.memory_space<hbm>>)
    %dma_wait3A_558 = arith.constant 0 : i32
    %dma_wait3A_559 = tpu.memref_slice %arg17[%add3A_513, %dma_wait3A_558] : memref<4096x768xf32, #tpu.memory_space<hbm>> -> memref<32x768xf32, #tpu.memory_space<hbm>>
    %dma_wait3A_560 = arith.constant 0 : i32
    %dma_wait3A_561 = tpu.memref_slice %arg17[%add3A_513, %dma_wait3A_560] : memref<4096x768xf32, #tpu.memory_space<hbm>> -> memref<32x768xf32, #tpu.memory_space<hbm>>
    tpu.wait_dma2 semaphore(%arg32 : memref<!tpu.dma_semaphore, #tpu.memory_space<semaphore_mem>>) src(%arg24 : memref<32x768xf32, #tpu.memory_space<vmem>>) dst(%dma_wait3A_561 : memref<32x768xf32, #tpu.memory_space<hbm>>)
    %dma_start3A_562 = arith.constant 2 : i32
    %dma_start3A_563 = arith.constant 0 : i32
    %dma_start3A_564 = tpu.memref_slice %arg21[%dma_start3A_562, %dma_start3A_563] : memref<4x32xi32, #tpu.memory_space<vmem>> -> memref<1x32xi32, #tpu.memory_space<vmem>>
    %dma_start3A_565 = tpu.memref_squeeze %dma_start3A_564 : memref<1x32xi32, #tpu.memory_space<vmem>> -> memref<32xi32, #tpu.memory_space<vmem>>
    %dma_start3A_566 = arith.constant 0 : i32
    %dma_start3A_567 = arith.constant 0 : i32
    %dma_start3A_568 = tpu.memref_slice %arg7[%dma_start3A_566, %dma_start3A_567] : memref<100000x768xf32, #tpu.memory_space<hbm>> -> memref<100000x768xf32, #tpu.memory_space<hbm>>
    tpu.enqueue_indirect_dma source(%dma_start3A_568 : memref<100000x768xf32, #tpu.memory_space<hbm>>) target(%arg24 : memref<32x768xf32, #tpu.memory_space<vmem>>) offsets(%dma_start3A_565 : memref<32xi32, #tpu.memory_space<vmem>>) semaphore(%arg28 : memref<!tpu.dma_semaphore, #tpu.memory_space<semaphore_mem>>)
    %dma_wait3A_569 = arith.constant 0 : i32
    %dma_wait3A_570 = arith.constant 0 : i32
    %dma_wait3A_571 = tpu.memref_slice %arg21[%dma_wait3A_569, %dma_wait3A_570] : memref<4x32xi32, #tpu.memory_space<vmem>> -> memref<1x32xi32, #tpu.memory_space<vmem>>
    %dma_wait3A_572 = tpu.memref_squeeze %dma_wait3A_571 : memref<1x32xi32, #tpu.memory_space<vmem>> -> memref<32xi32, #tpu.memory_space<vmem>>
    %dma_wait3A_573 = arith.constant 0 : i32
    %dma_wait3A_574 = arith.constant 0 : i32
    %dma_wait3A_575 = tpu.memref_slice %arg7[%dma_wait3A_573, %dma_wait3A_574] : memref<100000x768xf32, #tpu.memory_space<hbm>> -> memref<100000x768xf32, #tpu.memory_space<hbm>>
    tpu.wait_indirect_dma semaphore(%arg26 : memref<!tpu.dma_semaphore, #tpu.memory_space<semaphore_mem>>) src(%dma_wait3A_575 : memref<100000x768xf32, #tpu.memory_space<hbm>>) dst(%arg22 : memref<32x768xf32, #tpu.memory_space<vmem>>)
    %add3A_576 = arith.constant 0 : i32
    %add3A_577 = arith.addi %mul3A_2, %add3A_576 : i32
    %dma_start3A_578 = arith.constant 0 : i32
    %dma_start3A_579 = tpu.memref_slice %arg13[%add3A_577, %dma_start3A_578] : memref<4096x768xf32, #tpu.memory_space<hbm>> -> memref<32x768xf32, #tpu.memory_space<hbm>>
    %dma_start3A_580 = arith.constant 0 : i32
    %dma_start3A_581 = tpu.memref_slice %arg13[%add3A_577, %dma_start3A_580] : memref<4096x768xf32, #tpu.memory_space<hbm>> -> memref<32x768xf32, #tpu.memory_space<hbm>>
    tpu.enqueue_dma source(%arg22 : memref<32x768xf32, #tpu.memory_space<vmem>>) target(%dma_start3A_581 : memref<32x768xf32, #tpu.memory_space<hbm>>) target_semaphore(%arg30 : memref<!tpu.dma_semaphore, #tpu.memory_space<semaphore_mem>>)
    %dma_start3A_582 = arith.constant 0 : i32
    %dma_start3A_583 = tpu.memref_slice %arg16[%add3A_577, %dma_start3A_582] : memref<4096x768xf32, #tpu.memory_space<hbm>> -> memref<32x768xf32, #tpu.memory_space<hbm>>
    %dma_start3A_584 = arith.constant 0 : i32
    %dma_start3A_585 = tpu.memref_slice %arg16[%add3A_577, %dma_start3A_584] : memref<4096x768xf32, #tpu.memory_space<hbm>> -> memref<32x768xf32, #tpu.memory_space<hbm>>
    tpu.enqueue_dma source(%arg22 : memref<32x768xf32, #tpu.memory_space<vmem>>) target(%dma_start3A_585 : memref<32x768xf32, #tpu.memory_space<hbm>>) target_semaphore(%arg30 : memref<!tpu.dma_semaphore, #tpu.memory_space<semaphore_mem>>)
    %dma_wait3A_586 = arith.constant 0 : i32
    %dma_wait3A_587 = tpu.memref_slice %arg12[%add3A_545, %dma_wait3A_586] : memref<4096x768xf32, #tpu.memory_space<hbm>> -> memref<32x768xf32, #tpu.memory_space<hbm>>
    %dma_wait3A_588 = arith.constant 0 : i32
    %dma_wait3A_589 = tpu.memref_slice %arg12[%add3A_545, %dma_wait3A_588] : memref<4096x768xf32, #tpu.memory_space<hbm>> -> memref<32x768xf32, #tpu.memory_space<hbm>>
    tpu.wait_dma2 semaphore(%arg33 : memref<!tpu.dma_semaphore, #tpu.memory_space<semaphore_mem>>) src(%arg25 : memref<32x768xf32, #tpu.memory_space<vmem>>) dst(%dma_wait3A_589 : memref<32x768xf32, #tpu.memory_space<hbm>>)
    %dma_wait3A_590 = arith.constant 0 : i32
    %dma_wait3A_591 = tpu.memref_slice %arg17[%add3A_545, %dma_wait3A_590] : memref<4096x768xf32, #tpu.memory_space<hbm>> -> memref<32x768xf32, #tpu.memory_space<hbm>>
    %dma_wait3A_592 = arith.constant 0 : i32
    %dma_wait3A_593 = tpu.memref_slice %arg17[%add3A_545, %dma_wait3A_592] : memref<4096x768xf32, #tpu.memory_space<hbm>> -> memref<32x768xf32, #tpu.memory_space<hbm>>
    tpu.wait_dma2 semaphore(%arg33 : memref<!tpu.dma_semaphore, #tpu.memory_space<semaphore_mem>>) src(%arg25 : memref<32x768xf32, #tpu.memory_space<vmem>>) dst(%dma_wait3A_593 : memref<32x768xf32, #tpu.memory_space<hbm>>)
    %dma_start3A_594 = arith.constant 3 : i32
    %dma_start3A_595 = arith.constant 0 : i32
    %dma_start3A_596 = tpu.memref_slice %arg21[%dma_start3A_594, %dma_start3A_595] : memref<4x32xi32, #tpu.memory_space<vmem>> -> memref<1x32xi32, #tpu.memory_space<vmem>>
    %dma_start3A_597 = tpu.memref_squeeze %dma_start3A_596 : memref<1x32xi32, #tpu.memory_space<vmem>> -> memref<32xi32, #tpu.memory_space<vmem>>
    %dma_start3A_598 = arith.constant 0 : i32
    %dma_start3A_599 = arith.constant 0 : i32
    %dma_start3A_600 = tpu.memref_slice %arg7[%dma_start3A_598, %dma_start3A_599] : memref<100000x768xf32, #tpu.memory_space<hbm>> -> memref<100000x768xf32, #tpu.memory_space<hbm>>
    tpu.enqueue_indirect_dma source(%dma_start3A_600 : memref<100000x768xf32, #tpu.memory_space<hbm>>) target(%arg25 : memref<32x768xf32, #tpu.memory_space<vmem>>) offsets(%dma_start3A_597 : memref<32xi32, #tpu.memory_space<vmem>>) semaphore(%arg29 : memref<!tpu.dma_semaphore, #tpu.memory_space<semaphore_mem>>)
    %dma_wait3A_601 = arith.constant 1 : i32
    %dma_wait3A_602 = arith.constant 0 : i32
    %dma_wait3A_603 = tpu.memref_slice %arg21[%dma_wait3A_601, %dma_wait3A_602] : memref<4x32xi32, #tpu.memory_space<vmem>> -> memref<1x32xi32, #tpu.memory_space<vmem>>
    %dma_wait3A_604 = tpu.memref_squeeze %dma_wait3A_603 : memref<1x32xi32, #tpu.memory_space<vmem>> -> memref<32xi32, #tpu.memory_space<vmem>>
    %dma_wait3A_605 = arith.constant 0 : i32
    %dma_wait3A_606 = arith.constant 0 : i32
    %dma_wait3A_607 = tpu.memref_slice %arg7[%dma_wait3A_605, %dma_wait3A_606] : memref<100000x768xf32, #tpu.memory_space<hbm>> -> memref<100000x768xf32, #tpu.memory_space<hbm>>
    tpu.wait_indirect_dma semaphore(%arg27 : memref<!tpu.dma_semaphore, #tpu.memory_space<semaphore_mem>>) src(%dma_wait3A_607 : memref<100000x768xf32, #tpu.memory_space<hbm>>) dst(%arg23 : memref<32x768xf32, #tpu.memory_space<vmem>>)
    %add3A_608 = arith.constant 32 : i32
    %add3A_609 = arith.addi %mul3A_2, %add3A_608 : i32
    %dma_start3A_610 = arith.constant 0 : i32
    %dma_start3A_611 = tpu.memref_slice %arg13[%add3A_609, %dma_start3A_610] : memref<4096x768xf32, #tpu.memory_space<hbm>> -> memref<32x768xf32, #tpu.memory_space<hbm>>
    %dma_start3A_612 = arith.constant 0 : i32
    %dma_start3A_613 = tpu.memref_slice %arg13[%add3A_609, %dma_start3A_612] : memref<4096x768xf32, #tpu.memory_space<hbm>> -> memref<32x768xf32, #tpu.memory_space<hbm>>
    tpu.enqueue_dma source(%arg23 : memref<32x768xf32, #tpu.memory_space<vmem>>) target(%dma_start3A_613 : memref<32x768xf32, #tpu.memory_space<hbm>>) target_semaphore(%arg31 : memref<!tpu.dma_semaphore, #tpu.memory_space<semaphore_mem>>)
    %dma_start3A_614 = arith.constant 0 : i32
    %dma_start3A_615 = tpu.memref_slice %arg16[%add3A_609, %dma_start3A_614] : memref<4096x768xf32, #tpu.memory_space<hbm>> -> memref<32x768xf32, #tpu.memory_space<hbm>>
    %dma_start3A_616 = arith.constant 0 : i32
    %dma_start3A_617 = tpu.memref_slice %arg16[%add3A_609, %dma_start3A_616] : memref<4096x768xf32, #tpu.memory_space<hbm>> -> memref<32x768xf32, #tpu.memory_space<hbm>>
    tpu.enqueue_dma source(%arg23 : memref<32x768xf32, #tpu.memory_space<vmem>>) target(%dma_start3A_617 : memref<32x768xf32, #tpu.memory_space<hbm>>) target_semaphore(%arg31 : memref<!tpu.dma_semaphore, #tpu.memory_space<semaphore_mem>>)
    %dma_wait3A_618 = arith.constant 0 : i32
    %dma_wait3A_619 = tpu.memref_slice %arg13[%add3A_577, %dma_wait3A_618] : memref<4096x768xf32, #tpu.memory_space<hbm>> -> memref<32x768xf32, #tpu.memory_space<hbm>>
    %dma_wait3A_620 = arith.constant 0 : i32
    %dma_wait3A_621 = tpu.memref_slice %arg13[%add3A_577, %dma_wait3A_620] : memref<4096x768xf32, #tpu.memory_space<hbm>> -> memref<32x768xf32, #tpu.memory_space<hbm>>
    tpu.wait_dma2 semaphore(%arg30 : memref<!tpu.dma_semaphore, #tpu.memory_space<semaphore_mem>>) src(%arg22 : memref<32x768xf32, #tpu.memory_space<vmem>>) dst(%dma_wait3A_621 : memref<32x768xf32, #tpu.memory_space<hbm>>)
    %dma_wait3A_622 = arith.constant 0 : i32
    %dma_wait3A_623 = tpu.memref_slice %arg16[%add3A_577, %dma_wait3A_622] : memref<4096x768xf32, #tpu.memory_space<hbm>> -> memref<32x768xf32, #tpu.memory_space<hbm>>
    %dma_wait3A_624 = arith.constant 0 : i32
    %dma_wait3A_625 = tpu.memref_slice %arg16[%add3A_577, %dma_wait3A_624] : memref<4096x768xf32, #tpu.memory_space<hbm>> -> memref<32x768xf32, #tpu.memory_space<hbm>>
    tpu.wait_dma2 semaphore(%arg30 : memref<!tpu.dma_semaphore, #tpu.memory_space<semaphore_mem>>) src(%arg22 : memref<32x768xf32, #tpu.memory_space<vmem>>) dst(%dma_wait3A_625 : memref<32x768xf32, #tpu.memory_space<hbm>>)
    %dma_start3A_626 = arith.constant 0 : i32
    %dma_start3A_627 = arith.constant 0 : i32
    %dma_start3A_628 = tpu.memref_slice %arg21[%dma_start3A_626, %dma_start3A_627] : memref<4x32xi32, #tpu.memory_space<vmem>> -> memref<1x32xi32, #tpu.memory_space<vmem>>
    %dma_start3A_629 = tpu.memref_squeeze %dma_start3A_628 : memref<1x32xi32, #tpu.memory_space<vmem>> -> memref<32xi32, #tpu.memory_space<vmem>>
    %dma_start3A_630 = arith.constant 0 : i32
    %dma_start3A_631 = arith.constant 0 : i32
    %dma_start3A_632 = tpu.memref_slice %arg8[%dma_start3A_630, %dma_start3A_631] : memref<100000x768xf32, #tpu.memory_space<hbm>> -> memref<100000x768xf32, #tpu.memory_space<hbm>>
    tpu.enqueue_indirect_dma source(%dma_start3A_632 : memref<100000x768xf32, #tpu.memory_space<hbm>>) target(%arg22 : memref<32x768xf32, #tpu.memory_space<vmem>>) offsets(%dma_start3A_629 : memref<32xi32, #tpu.memory_space<vmem>>) semaphore(%arg26 : memref<!tpu.dma_semaphore, #tpu.memory_space<semaphore_mem>>)
    %dma_wait3A_633 = arith.constant 2 : i32
    %dma_wait3A_634 = arith.constant 0 : i32
    %dma_wait3A_635 = tpu.memref_slice %arg21[%dma_wait3A_633, %dma_wait3A_634] : memref<4x32xi32, #tpu.memory_space<vmem>> -> memref<1x32xi32, #tpu.memory_space<vmem>>
    %dma_wait3A_636 = tpu.memref_squeeze %dma_wait3A_635 : memref<1x32xi32, #tpu.memory_space<vmem>> -> memref<32xi32, #tpu.memory_space<vmem>>
    %dma_wait3A_637 = arith.constant 0 : i32
    %dma_wait3A_638 = arith.constant 0 : i32
    %dma_wait3A_639 = tpu.memref_slice %arg7[%dma_wait3A_637, %dma_wait3A_638] : memref<100000x768xf32, #tpu.memory_space<hbm>> -> memref<100000x768xf32, #tpu.memory_space<hbm>>
    tpu.wait_indirect_dma semaphore(%arg28 : memref<!tpu.dma_semaphore, #tpu.memory_space<semaphore_mem>>) src(%dma_wait3A_639 : memref<100000x768xf32, #tpu.memory_space<hbm>>) dst(%arg24 : memref<32x768xf32, #tpu.memory_space<vmem>>)
    %add3A_640 = arith.constant 64 : i32
    %add3A_641 = arith.addi %mul3A_2, %add3A_640 : i32
    %dma_start3A_642 = arith.constant 0 : i32
    %dma_start3A_643 = tpu.memref_slice %arg13[%add3A_641, %dma_start3A_642] : memref<4096x768xf32, #tpu.memory_space<hbm>> -> memref<32x768xf32, #tpu.memory_space<hbm>>
    %dma_start3A_644 = arith.constant 0 : i32
    %dma_start3A_645 = tpu.memref_slice %arg13[%add3A_641, %dma_start3A_644] : memref<4096x768xf32, #tpu.memory_space<hbm>> -> memref<32x768xf32, #tpu.memory_space<hbm>>
    tpu.enqueue_dma source(%arg24 : memref<32x768xf32, #tpu.memory_space<vmem>>) target(%dma_start3A_645 : memref<32x768xf32, #tpu.memory_space<hbm>>) target_semaphore(%arg32 : memref<!tpu.dma_semaphore, #tpu.memory_space<semaphore_mem>>)
    %dma_start3A_646 = arith.constant 0 : i32
    %dma_start3A_647 = tpu.memref_slice %arg16[%add3A_641, %dma_start3A_646] : memref<4096x768xf32, #tpu.memory_space<hbm>> -> memref<32x768xf32, #tpu.memory_space<hbm>>
    %dma_start3A_648 = arith.constant 0 : i32
    %dma_start3A_649 = tpu.memref_slice %arg16[%add3A_641, %dma_start3A_648] : memref<4096x768xf32, #tpu.memory_space<hbm>> -> memref<32x768xf32, #tpu.memory_space<hbm>>
    tpu.enqueue_dma source(%arg24 : memref<32x768xf32, #tpu.memory_space<vmem>>) target(%dma_start3A_649 : memref<32x768xf32, #tpu.memory_space<hbm>>) target_semaphore(%arg32 : memref<!tpu.dma_semaphore, #tpu.memory_space<semaphore_mem>>)
    %dma_wait3A_650 = arith.constant 0 : i32
    %dma_wait3A_651 = tpu.memref_slice %arg13[%add3A_609, %dma_wait3A_650] : memref<4096x768xf32, #tpu.memory_space<hbm>> -> memref<32x768xf32, #tpu.memory_space<hbm>>
    %dma_wait3A_652 = arith.constant 0 : i32
    %dma_wait3A_653 = tpu.memref_slice %arg13[%add3A_609, %dma_wait3A_652] : memref<4096x768xf32, #tpu.memory_space<hbm>> -> memref<32x768xf32, #tpu.memory_space<hbm>>
    tpu.wait_dma2 semaphore(%arg31 : memref<!tpu.dma_semaphore, #tpu.memory_space<semaphore_mem>>) src(%arg23 : memref<32x768xf32, #tpu.memory_space<vmem>>) dst(%dma_wait3A_653 : memref<32x768xf32, #tpu.memory_space<hbm>>)
    %dma_wait3A_654 = arith.constant 0 : i32
    %dma_wait3A_655 = tpu.memref_slice %arg16[%add3A_609, %dma_wait3A_654] : memref<4096x768xf32, #tpu.memory_space<hbm>> -> memref<32x768xf32, #tpu.memory_space<hbm>>
    %dma_wait3A_656 = arith.constant 0 : i32
    %dma_wait3A_657 = tpu.memref_slice %arg16[%add3A_609, %dma_wait3A_656] : memref<4096x768xf32, #tpu.memory_space<hbm>> -> memref<32x768xf32, #tpu.memory_space<hbm>>
    tpu.wait_dma2 semaphore(%arg31 : memref<!tpu.dma_semaphore, #tpu.memory_space<semaphore_mem>>) src(%arg23 : memref<32x768xf32, #tpu.memory_space<vmem>>) dst(%dma_wait3A_657 : memref<32x768xf32, #tpu.memory_space<hbm>>)
    %dma_start3A_658 = arith.constant 1 : i32
    %dma_start3A_659 = arith.constant 0 : i32
    %dma_start3A_660 = tpu.memref_slice %arg21[%dma_start3A_658, %dma_start3A_659] : memref<4x32xi32, #tpu.memory_space<vmem>> -> memref<1x32xi32, #tpu.memory_space<vmem>>
    %dma_start3A_661 = tpu.memref_squeeze %dma_start3A_660 : memref<1x32xi32, #tpu.memory_space<vmem>> -> memref<32xi32, #tpu.memory_space<vmem>>
    %dma_start3A_662 = arith.constant 0 : i32
    %dma_start3A_663 = arith.constant 0 : i32
    %dma_start3A_664 = tpu.memref_slice %arg8[%dma_start3A_662, %dma_start3A_663] : memref<100000x768xf32, #tpu.memory_space<hbm>> -> memref<100000x768xf32, #tpu.memory_space<hbm>>
    tpu.enqueue_indirect_dma source(%dma_start3A_664 : memref<100000x768xf32, #tpu.memory_space<hbm>>) target(%arg23 : memref<32x768xf32, #tpu.memory_space<vmem>>) offsets(%dma_start3A_661 : memref<32xi32, #tpu.memory_space<vmem>>) semaphore(%arg27 : memref<!tpu.dma_semaphore, #tpu.memory_space<semaphore_mem>>)
    %dma_wait3A_665 = arith.constant 3 : i32
    %dma_wait3A_666 = arith.constant 0 : i32
    %dma_wait3A_667 = tpu.memref_slice %arg21[%dma_wait3A_665, %dma_wait3A_666] : memref<4x32xi32, #tpu.memory_space<vmem>> -> memref<1x32xi32, #tpu.memory_space<vmem>>
    %dma_wait3A_668 = tpu.memref_squeeze %dma_wait3A_667 : memref<1x32xi32, #tpu.memory_space<vmem>> -> memref<32xi32, #tpu.memory_space<vmem>>
    %dma_wait3A_669 = arith.constant 0 : i32
    %dma_wait3A_670 = arith.constant 0 : i32
    %dma_wait3A_671 = tpu.memref_slice %arg7[%dma_wait3A_669, %dma_wait3A_670] : memref<100000x768xf32, #tpu.memory_space<hbm>> -> memref<100000x768xf32, #tpu.memory_space<hbm>>
    tpu.wait_indirect_dma semaphore(%arg29 : memref<!tpu.dma_semaphore, #tpu.memory_space<semaphore_mem>>) src(%dma_wait3A_671 : memref<100000x768xf32, #tpu.memory_space<hbm>>) dst(%arg25 : memref<32x768xf32, #tpu.memory_space<vmem>>)
    %add3A_672 = arith.constant 96 : i32
    %add3A_673 = arith.addi %mul3A_2, %add3A_672 : i32
    %dma_start3A_674 = arith.constant 0 : i32
    %dma_start3A_675 = tpu.memref_slice %arg13[%add3A_673, %dma_start3A_674] : memref<4096x768xf32, #tpu.memory_space<hbm>> -> memref<32x768xf32, #tpu.memory_space<hbm>>
    %dma_start3A_676 = arith.constant 0 : i32
    %dma_start3A_677 = tpu.memref_slice %arg13[%add3A_673, %dma_start3A_676] : memref<4096x768xf32, #tpu.memory_space<hbm>> -> memref<32x768xf32, #tpu.memory_space<hbm>>
    tpu.enqueue_dma source(%arg25 : memref<32x768xf32, #tpu.memory_space<vmem>>) target(%dma_start3A_677 : memref<32x768xf32, #tpu.memory_space<hbm>>) target_semaphore(%arg33 : memref<!tpu.dma_semaphore, #tpu.memory_space<semaphore_mem>>)
    %dma_start3A_678 = arith.constant 0 : i32
    %dma_start3A_679 = tpu.memref_slice %arg16[%add3A_673, %dma_start3A_678] : memref<4096x768xf32, #tpu.memory_space<hbm>> -> memref<32x768xf32, #tpu.memory_space<hbm>>
    %dma_start3A_680 = arith.constant 0 : i32
    %dma_start3A_681 = tpu.memref_slice %arg16[%add3A_673, %dma_start3A_680] : memref<4096x768xf32, #tpu.memory_space<hbm>> -> memref<32x768xf32, #tpu.memory_space<hbm>>
    tpu.enqueue_dma source(%arg25 : memref<32x768xf32, #tpu.memory_space<vmem>>) target(%dma_start3A_681 : memref<32x768xf32, #tpu.memory_space<hbm>>) target_semaphore(%arg33 : memref<!tpu.dma_semaphore, #tpu.memory_space<semaphore_mem>>)
    %dma_wait3A_682 = arith.constant 0 : i32
    %dma_wait3A_683 = tpu.memref_slice %arg13[%add3A_641, %dma_wait3A_682] : memref<4096x768xf32, #tpu.memory_space<hbm>> -> memref<32x768xf32, #tpu.memory_space<hbm>>
    %dma_wait3A_684 = arith.constant 0 : i32
    %dma_wait3A_685 = tpu.memref_slice %arg13[%add3A_641, %dma_wait3A_684] : memref<4096x768xf32, #tpu.memory_space<hbm>> -> memref<32x768xf32, #tpu.memory_space<hbm>>
    tpu.wait_dma2 semaphore(%arg32 : memref<!tpu.dma_semaphore, #tpu.memory_space<semaphore_mem>>) src(%arg24 : memref<32x768xf32, #tpu.memory_space<vmem>>) dst(%dma_wait3A_685 : memref<32x768xf32, #tpu.memory_space<hbm>>)
    %dma_wait3A_686 = arith.constant 0 : i32
    %dma_wait3A_687 = tpu.memref_slice %arg16[%add3A_641, %dma_wait3A_686] : memref<4096x768xf32, #tpu.memory_space<hbm>> -> memref<32x768xf32, #tpu.memory_space<hbm>>
    %dma_wait3A_688 = arith.constant 0 : i32
    %dma_wait3A_689 = tpu.memref_slice %arg16[%add3A_641, %dma_wait3A_688] : memref<4096x768xf32, #tpu.memory_space<hbm>> -> memref<32x768xf32, #tpu.memory_space<hbm>>
    tpu.wait_dma2 semaphore(%arg32 : memref<!tpu.dma_semaphore, #tpu.memory_space<semaphore_mem>>) src(%arg24 : memref<32x768xf32, #tpu.memory_space<vmem>>) dst(%dma_wait3A_689 : memref<32x768xf32, #tpu.memory_space<hbm>>)
    %dma_start3A_690 = arith.constant 2 : i32
    %dma_start3A_691 = arith.constant 0 : i32
    %dma_start3A_692 = tpu.memref_slice %arg21[%dma_start3A_690, %dma_start3A_691] : memref<4x32xi32, #tpu.memory_space<vmem>> -> memref<1x32xi32, #tpu.memory_space<vmem>>
    %dma_start3A_693 = tpu.memref_squeeze %dma_start3A_692 : memref<1x32xi32, #tpu.memory_space<vmem>> -> memref<32xi32, #tpu.memory_space<vmem>>
    %dma_start3A_694 = arith.constant 0 : i32
    %dma_start3A_695 = arith.constant 0 : i32
    %dma_start3A_696 = tpu.memref_slice %arg8[%dma_start3A_694, %dma_start3A_695] : memref<100000x768xf32, #tpu.memory_space<hbm>> -> memref<100000x768xf32, #tpu.memory_space<hbm>>
    tpu.enqueue_indirect_dma source(%dma_start3A_696 : memref<100000x768xf32, #tpu.memory_space<hbm>>) target(%arg24 : memref<32x768xf32, #tpu.memory_space<vmem>>) offsets(%dma_start3A_693 : memref<32xi32, #tpu.memory_space<vmem>>) semaphore(%arg28 : memref<!tpu.dma_semaphore, #tpu.memory_space<semaphore_mem>>)
    %dma_wait3A_697 = arith.constant 0 : i32
    %dma_wait3A_698 = arith.constant 0 : i32
    %dma_wait3A_699 = tpu.memref_slice %arg21[%dma_wait3A_697, %dma_wait3A_698] : memref<4x32xi32, #tpu.memory_space<vmem>> -> memref<1x32xi32, #tpu.memory_space<vmem>>
    %dma_wait3A_700 = tpu.memref_squeeze %dma_wait3A_699 : memref<1x32xi32, #tpu.memory_space<vmem>> -> memref<32xi32, #tpu.memory_space<vmem>>
    %dma_wait3A_701 = arith.constant 0 : i32
    %dma_wait3A_702 = arith.constant 0 : i32
    %dma_wait3A_703 = tpu.memref_slice %arg8[%dma_wait3A_701, %dma_wait3A_702] : memref<100000x768xf32, #tpu.memory_space<hbm>> -> memref<100000x768xf32, #tpu.memory_space<hbm>>
    tpu.wait_indirect_dma semaphore(%arg26 : memref<!tpu.dma_semaphore, #tpu.memory_space<semaphore_mem>>) src(%dma_wait3A_703 : memref<100000x768xf32, #tpu.memory_space<hbm>>) dst(%arg22 : memref<32x768xf32, #tpu.memory_space<vmem>>)
    %add3A_704 = arith.constant 0 : i32
    %add3A_705 = arith.addi %mul3A_2, %add3A_704 : i32
    %dma_start3A_706 = arith.constant 0 : i32
    %dma_start3A_707 = tpu.memref_slice %arg14[%add3A_705, %dma_start3A_706] : memref<4096x768xf32, #tpu.memory_space<hbm>> -> memref<32x768xf32, #tpu.memory_space<hbm>>
    %dma_start3A_708 = arith.constant 0 : i32
    %dma_start3A_709 = tpu.memref_slice %arg14[%add3A_705, %dma_start3A_708] : memref<4096x768xf32, #tpu.memory_space<hbm>> -> memref<32x768xf32, #tpu.memory_space<hbm>>
    tpu.enqueue_dma source(%arg22 : memref<32x768xf32, #tpu.memory_space<vmem>>) target(%dma_start3A_709 : memref<32x768xf32, #tpu.memory_space<hbm>>) target_semaphore(%arg30 : memref<!tpu.dma_semaphore, #tpu.memory_space<semaphore_mem>>)
    %dma_start3A_710 = arith.constant 0 : i32
    %dma_start3A_711 = tpu.memref_slice %arg15[%add3A_705, %dma_start3A_710] : memref<4096x768xf32, #tpu.memory_space<hbm>> -> memref<32x768xf32, #tpu.memory_space<hbm>>
    %dma_start3A_712 = arith.constant 0 : i32
    %dma_start3A_713 = tpu.memref_slice %arg15[%add3A_705, %dma_start3A_712] : memref<4096x768xf32, #tpu.memory_space<hbm>> -> memref<32x768xf32, #tpu.memory_space<hbm>>
    tpu.enqueue_dma source(%arg22 : memref<32x768xf32, #tpu.memory_space<vmem>>) target(%dma_start3A_713 : memref<32x768xf32, #tpu.memory_space<hbm>>) target_semaphore(%arg30 : memref<!tpu.dma_semaphore, #tpu.memory_space<semaphore_mem>>)
    %dma_wait3A_714 = arith.constant 0 : i32
    %dma_wait3A_715 = tpu.memref_slice %arg13[%add3A_673, %dma_wait3A_714] : memref<4096x768xf32, #tpu.memory_space<hbm>> -> memref<32x768xf32, #tpu.memory_space<hbm>>
    %dma_wait3A_716 = arith.constant 0 : i32
    %dma_wait3A_717 = tpu.memref_slice %arg13[%add3A_673, %dma_wait3A_716] : memref<4096x768xf32, #tpu.memory_space<hbm>> -> memref<32x768xf32, #tpu.memory_space<hbm>>
    tpu.wait_dma2 semaphore(%arg33 : memref<!tpu.dma_semaphore, #tpu.memory_space<semaphore_mem>>) src(%arg25 : memref<32x768xf32, #tpu.memory_space<vmem>>) dst(%dma_wait3A_717 : memref<32x768xf32, #tpu.memory_space<hbm>>)
    %dma_wait3A_718 = arith.constant 0 : i32
    %dma_wait3A_719 = tpu.memref_slice %arg16[%add3A_673, %dma_wait3A_718] : memref<4096x768xf32, #tpu.memory_space<hbm>> -> memref<32x768xf32, #tpu.memory_space<hbm>>
    %dma_wait3A_720 = arith.constant 0 : i32
    %dma_wait3A_721 = tpu.memref_slice %arg16[%add3A_673, %dma_wait3A_720] : memref<4096x768xf32, #tpu.memory_space<hbm>> -> memref<32x768xf32, #tpu.memory_space<hbm>>
    tpu.wait_dma2 semaphore(%arg33 : memref<!tpu.dma_semaphore, #tpu.memory_space<semaphore_mem>>) src(%arg25 : memref<32x768xf32, #tpu.memory_space<vmem>>) dst(%dma_wait3A_721 : memref<32x768xf32, #tpu.memory_space<hbm>>)
    %dma_start3A_722 = arith.constant 3 : i32
    %dma_start3A_723 = arith.constant 0 : i32
    %dma_start3A_724 = tpu.memref_slice %arg21[%dma_start3A_722, %dma_start3A_723] : memref<4x32xi32, #tpu.memory_space<vmem>> -> memref<1x32xi32, #tpu.memory_space<vmem>>
    %dma_start3A_725 = tpu.memref_squeeze %dma_start3A_724 : memref<1x32xi32, #tpu.memory_space<vmem>> -> memref<32xi32, #tpu.memory_space<vmem>>
    %dma_start3A_726 = arith.constant 0 : i32
    %dma_start3A_727 = arith.constant 0 : i32
    %dma_start3A_728 = tpu.memref_slice %arg8[%dma_start3A_726, %dma_start3A_727] : memref<100000x768xf32, #tpu.memory_space<hbm>> -> memref<100000x768xf32, #tpu.memory_space<hbm>>
    tpu.enqueue_indirect_dma source(%dma_start3A_728 : memref<100000x768xf32, #tpu.memory_space<hbm>>) target(%arg25 : memref<32x768xf32, #tpu.memory_space<vmem>>) offsets(%dma_start3A_725 : memref<32xi32, #tpu.memory_space<vmem>>) semaphore(%arg29 : memref<!tpu.dma_semaphore, #tpu.memory_space<semaphore_mem>>)
    %dma_wait3A_729 = arith.constant 1 : i32
    %dma_wait3A_730 = arith.constant 0 : i32
    %dma_wait3A_731 = tpu.memref_slice %arg21[%dma_wait3A_729, %dma_wait3A_730] : memref<4x32xi32, #tpu.memory_space<vmem>> -> memref<1x32xi32, #tpu.memory_space<vmem>>
    %dma_wait3A_732 = tpu.memref_squeeze %dma_wait3A_731 : memref<1x32xi32, #tpu.memory_space<vmem>> -> memref<32xi32, #tpu.memory_space<vmem>>
    %dma_wait3A_733 = arith.constant 0 : i32
    %dma_wait3A_734 = arith.constant 0 : i32
    %dma_wait3A_735 = tpu.memref_slice %arg8[%dma_wait3A_733, %dma_wait3A_734] : memref<100000x768xf32, #tpu.memory_space<hbm>> -> memref<100000x768xf32, #tpu.memory_space<hbm>>
    tpu.wait_indirect_dma semaphore(%arg27 : memref<!tpu.dma_semaphore, #tpu.memory_space<semaphore_mem>>) src(%dma_wait3A_735 : memref<100000x768xf32, #tpu.memory_space<hbm>>) dst(%arg23 : memref<32x768xf32, #tpu.memory_space<vmem>>)
    %add3A_736 = arith.constant 32 : i32
    %add3A_737 = arith.addi %mul3A_2, %add3A_736 : i32
    %dma_start3A_738 = arith.constant 0 : i32
    %dma_start3A_739 = tpu.memref_slice %arg14[%add3A_737, %dma_start3A_738] : memref<4096x768xf32, #tpu.memory_space<hbm>> -> memref<32x768xf32, #tpu.memory_space<hbm>>
    %dma_start3A_740 = arith.constant 0 : i32
    %dma_start3A_741 = tpu.memref_slice %arg14[%add3A_737, %dma_start3A_740] : memref<4096x768xf32, #tpu.memory_space<hbm>> -> memref<32x768xf32, #tpu.memory_space<hbm>>
    tpu.enqueue_dma source(%arg23 : memref<32x768xf32, #tpu.memory_space<vmem>>) target(%dma_start3A_741 : memref<32x768xf32, #tpu.memory_space<hbm>>) target_semaphore(%arg31 : memref<!tpu.dma_semaphore, #tpu.memory_space<semaphore_mem>>)
    %dma_start3A_742 = arith.constant 0 : i32
    %dma_start3A_743 = tpu.memref_slice %arg15[%add3A_737, %dma_start3A_742] : memref<4096x768xf32, #tpu.memory_space<hbm>> -> memref<32x768xf32, #tpu.memory_space<hbm>>
    %dma_start3A_744 = arith.constant 0 : i32
    %dma_start3A_745 = tpu.memref_slice %arg15[%add3A_737, %dma_start3A_744] : memref<4096x768xf32, #tpu.memory_space<hbm>> -> memref<32x768xf32, #tpu.memory_space<hbm>>
    tpu.enqueue_dma source(%arg23 : memref<32x768xf32, #tpu.memory_space<vmem>>) target(%dma_start3A_745 : memref<32x768xf32, #tpu.memory_space<hbm>>) target_semaphore(%arg31 : memref<!tpu.dma_semaphore, #tpu.memory_space<semaphore_mem>>)
    %dma_wait3A_746 = arith.constant 2 : i32
    %dma_wait3A_747 = arith.constant 0 : i32
    %dma_wait3A_748 = tpu.memref_slice %arg21[%dma_wait3A_746, %dma_wait3A_747] : memref<4x32xi32, #tpu.memory_space<vmem>> -> memref<1x32xi32, #tpu.memory_space<vmem>>
    %dma_wait3A_749 = tpu.memref_squeeze %dma_wait3A_748 : memref<1x32xi32, #tpu.memory_space<vmem>> -> memref<32xi32, #tpu.memory_space<vmem>>
    %dma_wait3A_750 = arith.constant 0 : i32
    %dma_wait3A_751 = arith.constant 0 : i32
    %dma_wait3A_752 = tpu.memref_slice %arg8[%dma_wait3A_750, %dma_wait3A_751] : memref<100000x768xf32, #tpu.memory_space<hbm>> -> memref<100000x768xf32, #tpu.memory_space<hbm>>
    tpu.wait_indirect_dma semaphore(%arg28 : memref<!tpu.dma_semaphore, #tpu.memory_space<semaphore_mem>>) src(%dma_wait3A_752 : memref<100000x768xf32, #tpu.memory_space<hbm>>) dst(%arg24 : memref<32x768xf32, #tpu.memory_space<vmem>>)
    %add3A_753 = arith.constant 64 : i32
    %add3A_754 = arith.addi %mul3A_2, %add3A_753 : i32
    %dma_start3A_755 = arith.constant 0 : i32
    %dma_start3A_756 = tpu.memref_slice %arg14[%add3A_754, %dma_start3A_755] : memref<4096x768xf32, #tpu.memory_space<hbm>> -> memref<32x768xf32, #tpu.memory_space<hbm>>
    %dma_start3A_757 = arith.constant 0 : i32
    %dma_start3A_758 = tpu.memref_slice %arg14[%add3A_754, %dma_start3A_757] : memref<4096x768xf32, #tpu.memory_space<hbm>> -> memref<32x768xf32, #tpu.memory_space<hbm>>
    tpu.enqueue_dma source(%arg24 : memref<32x768xf32, #tpu.memory_space<vmem>>) target(%dma_start3A_758 : memref<32x768xf32, #tpu.memory_space<hbm>>) target_semaphore(%arg32 : memref<!tpu.dma_semaphore, #tpu.memory_space<semaphore_mem>>)
    %dma_start3A_759 = arith.constant 0 : i32
    %dma_start3A_760 = tpu.memref_slice %arg15[%add3A_754, %dma_start3A_759] : memref<4096x768xf32, #tpu.memory_space<hbm>> -> memref<32x768xf32, #tpu.memory_space<hbm>>
    %dma_start3A_761 = arith.constant 0 : i32
    %dma_start3A_762 = tpu.memref_slice %arg15[%add3A_754, %dma_start3A_761] : memref<4096x768xf32, #tpu.memory_space<hbm>> -> memref<32x768xf32, #tpu.memory_space<hbm>>
    tpu.enqueue_dma source(%arg24 : memref<32x768xf32, #tpu.memory_space<vmem>>) target(%dma_start3A_762 : memref<32x768xf32, #tpu.memory_space<hbm>>) target_semaphore(%arg32 : memref<!tpu.dma_semaphore, #tpu.memory_space<semaphore_mem>>)
    %dma_wait3A_763 = arith.constant 3 : i32
    %dma_wait3A_764 = arith.constant 0 : i32
    %dma_wait3A_765 = tpu.memref_slice %arg21[%dma_wait3A_763, %dma_wait3A_764] : memref<4x32xi32, #tpu.memory_space<vmem>> -> memref<1x32xi32, #tpu.memory_space<vmem>>
    %dma_wait3A_766 = tpu.memref_squeeze %dma_wait3A_765 : memref<1x32xi32, #tpu.memory_space<vmem>> -> memref<32xi32, #tpu.memory_space<vmem>>
    %dma_wait3A_767 = arith.constant 0 : i32
    %dma_wait3A_768 = arith.constant 0 : i32
    %dma_wait3A_769 = tpu.memref_slice %arg8[%dma_wait3A_767, %dma_wait3A_768] : memref<100000x768xf32, #tpu.memory_space<hbm>> -> memref<100000x768xf32, #tpu.memory_space<hbm>>
    tpu.wait_indirect_dma semaphore(%arg29 : memref<!tpu.dma_semaphore, #tpu.memory_space<semaphore_mem>>) src(%dma_wait3A_769 : memref<100000x768xf32, #tpu.memory_space<hbm>>) dst(%arg25 : memref<32x768xf32, #tpu.memory_space<vmem>>)
    %add3A_770 = arith.constant 96 : i32
    %add3A_771 = arith.addi %mul3A_2, %add3A_770 : i32
    %dma_start3A_772 = arith.constant 0 : i32
    %dma_start3A_773 = tpu.memref_slice %arg14[%add3A_771, %dma_start3A_772] : memref<4096x768xf32, #tpu.memory_space<hbm>> -> memref<32x768xf32, #tpu.memory_space<hbm>>
    %dma_start3A_774 = arith.constant 0 : i32
    %dma_start3A_775 = tpu.memref_slice %arg14[%add3A_771, %dma_start3A_774] : memref<4096x768xf32, #tpu.memory_space<hbm>> -> memref<32x768xf32, #tpu.memory_space<hbm>>
    tpu.enqueue_dma source(%arg25 : memref<32x768xf32, #tpu.memory_space<vmem>>) target(%dma_start3A_775 : memref<32x768xf32, #tpu.memory_space<hbm>>) target_semaphore(%arg33 : memref<!tpu.dma_semaphore, #tpu.memory_space<semaphore_mem>>)
    %dma_start3A_776 = arith.constant 0 : i32
    %dma_start3A_777 = tpu.memref_slice %arg15[%add3A_771, %dma_start3A_776] : memref<4096x768xf32, #tpu.memory_space<hbm>> -> memref<32x768xf32, #tpu.memory_space<hbm>>
    %dma_start3A_778 = arith.constant 0 : i32
    %dma_start3A_779 = tpu.memref_slice %arg15[%add3A_771, %dma_start3A_778] : memref<4096x768xf32, #tpu.memory_space<hbm>> -> memref<32x768xf32, #tpu.memory_space<hbm>>
    tpu.enqueue_dma source(%arg25 : memref<32x768xf32, #tpu.memory_space<vmem>>) target(%dma_start3A_779 : memref<32x768xf32, #tpu.memory_space<hbm>>) target_semaphore(%arg33 : memref<!tpu.dma_semaphore, #tpu.memory_space<semaphore_mem>>)
    %dma_wait3A_780 = arith.constant 0 : i32
    %dma_wait3A_781 = tpu.memref_slice %arg14[%add3A_705, %dma_wait3A_780] : memref<4096x768xf32, #tpu.memory_space<hbm>> -> memref<32x768xf32, #tpu.memory_space<hbm>>
    %dma_wait3A_782 = arith.constant 0 : i32
    %dma_wait3A_783 = tpu.memref_slice %arg14[%add3A_705, %dma_wait3A_782] : memref<4096x768xf32, #tpu.memory_space<hbm>> -> memref<32x768xf32, #tpu.memory_space<hbm>>
    tpu.wait_dma2 semaphore(%arg30 : memref<!tpu.dma_semaphore, #tpu.memory_space<semaphore_mem>>) src(%arg22 : memref<32x768xf32, #tpu.memory_space<vmem>>) dst(%dma_wait3A_783 : memref<32x768xf32, #tpu.memory_space<hbm>>)
    %dma_wait3A_784 = arith.constant 0 : i32
    %dma_wait3A_785 = tpu.memref_slice %arg15[%add3A_705, %dma_wait3A_784] : memref<4096x768xf32, #tpu.memory_space<hbm>> -> memref<32x768xf32, #tpu.memory_space<hbm>>
    %dma_wait3A_786 = arith.constant 0 : i32
    %dma_wait3A_787 = tpu.memref_slice %arg15[%add3A_705, %dma_wait3A_786] : memref<4096x768xf32, #tpu.memory_space<hbm>> -> memref<32x768xf32, #tpu.memory_space<hbm>>
    tpu.wait_dma2 semaphore(%arg30 : memref<!tpu.dma_semaphore, #tpu.memory_space<semaphore_mem>>) src(%arg22 : memref<32x768xf32, #tpu.memory_space<vmem>>) dst(%dma_wait3A_787 : memref<32x768xf32, #tpu.memory_space<hbm>>)
    %dma_wait3A_788 = arith.constant 0 : i32
    %dma_wait3A_789 = tpu.memref_slice %arg14[%add3A_737, %dma_wait3A_788] : memref<4096x768xf32, #tpu.memory_space<hbm>> -> memref<32x768xf32, #tpu.memory_space<hbm>>
    %dma_wait3A_790 = arith.constant 0 : i32
    %dma_wait3A_791 = tpu.memref_slice %arg14[%add3A_737, %dma_wait3A_790] : memref<4096x768xf32, #tpu.memory_space<hbm>> -> memref<32x768xf32, #tpu.memory_space<hbm>>
    tpu.wait_dma2 semaphore(%arg31 : memref<!tpu.dma_semaphore, #tpu.memory_space<semaphore_mem>>) src(%arg23 : memref<32x768xf32, #tpu.memory_space<vmem>>) dst(%dma_wait3A_791 : memref<32x768xf32, #tpu.memory_space<hbm>>)
    %dma_wait3A_792 = arith.constant 0 : i32
    %dma_wait3A_793 = tpu.memref_slice %arg15[%add3A_737, %dma_wait3A_792] : memref<4096x768xf32, #tpu.memory_space<hbm>> -> memref<32x768xf32, #tpu.memory_space<hbm>>
    %dma_wait3A_794 = arith.constant 0 : i32
    %dma_wait3A_795 = tpu.memref_slice %arg15[%add3A_737, %dma_wait3A_794] : memref<4096x768xf32, #tpu.memory_space<hbm>> -> memref<32x768xf32, #tpu.memory_space<hbm>>
    tpu.wait_dma2 semaphore(%arg31 : memref<!tpu.dma_semaphore, #tpu.memory_space<semaphore_mem>>) src(%arg23 : memref<32x768xf32, #tpu.memory_space<vmem>>) dst(%dma_wait3A_795 : memref<32x768xf32, #tpu.memory_space<hbm>>)
    %dma_wait3A_796 = arith.constant 0 : i32
    %dma_wait3A_797 = tpu.memref_slice %arg14[%add3A_754, %dma_wait3A_796] : memref<4096x768xf32, #tpu.memory_space<hbm>> -> memref<32x768xf32, #tpu.memory_space<hbm>>
    %dma_wait3A_798 = arith.constant 0 : i32
    %dma_wait3A_799 = tpu.memref_slice %arg14[%add3A_754, %dma_wait3A_798] : memref<4096x768xf32, #tpu.memory_space<hbm>> -> memref<32x768xf32, #tpu.memory_space<hbm>>
    tpu.wait_dma2 semaphore(%arg32 : memref<!tpu.dma_semaphore, #tpu.memory_space<semaphore_mem>>) src(%arg24 : memref<32x768xf32, #tpu.memory_space<vmem>>) dst(%dma_wait3A_799 : memref<32x768xf32, #tpu.memory_space<hbm>>)
    %dma_wait3A_800 = arith.constant 0 : i32
    %dma_wait3A_801 = tpu.memref_slice %arg15[%add3A_754, %dma_wait3A_800] : memref<4096x768xf32, #tpu.memory_space<hbm>> -> memref<32x768xf32, #tpu.memory_space<hbm>>
    %dma_wait3A_802 = arith.constant 0 : i32
    %dma_wait3A_803 = tpu.memref_slice %arg15[%add3A_754, %dma_wait3A_802] : memref<4096x768xf32, #tpu.memory_space<hbm>> -> memref<32x768xf32, #tpu.memory_space<hbm>>
    tpu.wait_dma2 semaphore(%arg32 : memref<!tpu.dma_semaphore, #tpu.memory_space<semaphore_mem>>) src(%arg24 : memref<32x768xf32, #tpu.memory_space<vmem>>) dst(%dma_wait3A_803 : memref<32x768xf32, #tpu.memory_space<hbm>>)
    %dma_wait3A_804 = arith.constant 0 : i32
    %dma_wait3A_805 = tpu.memref_slice %arg14[%add3A_771, %dma_wait3A_804] : memref<4096x768xf32, #tpu.memory_space<hbm>> -> memref<32x768xf32, #tpu.memory_space<hbm>>
    %dma_wait3A_806 = arith.constant 0 : i32
    %dma_wait3A_807 = tpu.memref_slice %arg14[%add3A_771, %dma_wait3A_806] : memref<4096x768xf32, #tpu.memory_space<hbm>> -> memref<32x768xf32, #tpu.memory_space<hbm>>
    tpu.wait_dma2 semaphore(%arg33 : memref<!tpu.dma_semaphore, #tpu.memory_space<semaphore_mem>>) src(%arg25 : memref<32x768xf32, #tpu.memory_space<vmem>>) dst(%dma_wait3A_807 : memref<32x768xf32, #tpu.memory_space<hbm>>)
    %dma_wait3A_808 = arith.constant 0 : i32
    %dma_wait3A_809 = tpu.memref_slice %arg15[%add3A_771, %dma_wait3A_808] : memref<4096x768xf32, #tpu.memory_space<hbm>> -> memref<32x768xf32, #tpu.memory_space<hbm>>
    %dma_wait3A_810 = arith.constant 0 : i32
    %dma_wait3A_811 = tpu.memref_slice %arg15[%add3A_771, %dma_wait3A_810] : memref<4096x768xf32, #tpu.memory_space<hbm>> -> memref<32x768xf32, #tpu.memory_space<hbm>>
    tpu.wait_dma2 semaphore(%arg33 : memref<!tpu.dma_semaphore, #tpu.memory_space<semaphore_mem>>) src(%arg25 : memref<32x768xf32, #tpu.memory_space<vmem>>) dst(%dma_wait3A_811 : memref<32x768xf32, #tpu.memory_space<hbm>>)
    return
  }
}

</mosaic_0001>

<sc_bundles>
// kernel: kernel.3.cloned.1.call-start
scs
__scs_entry_jumppad:
0x0: {  	(pc) =	sbr.rel $0x88, $3  }
0x1: {  	(tag) =	ssettag $0x0;
	lr =	simm.s32 $0x1  }
0x2: {  	[smem:$0x3F9A] =	sst lr;
	_ =	strace $0xD0000000  }
0x3: {  	_ = 	snop  }
0x4: {  	_ = 	snop  }
0x5: {  	_ = 	snop  }
0x6: {  	_ = 	snop  }
0x7: {  	_ = 	snop  }
__scs_overlays_trampoline_lowered:
0x8: {  	[smem:$0x3FA9] =	sst s0  }
0x9: {  	[smem:$0x3FAA] =	sst s1  }
0xa: {  	[smem:$0x3FAB] =	sst s2  }
0xb: {  	[smem:$0x3FAC] =	sst s3  }
0xc: {  	[smem:$0x3FAD] =	sst s4  }
0xd: {  	[smem:$0x3FAE] =	sst s5  }
0xe: {  	[smem:$0x3FAF] =	sst s6  }
0xf: {  	[smem:$0x3FB0] =	sst s7  }
0x10: {  	[smem:$0x3FB1] =	sst s8  }
0x11: {  	[smem:$0x3FB2] =	sst s9;
	s0 =	simm.s32 @!p0 $0x0  }
0x12: {  	s1 =	sld [smem:$0x3F98];
	s0 =	simm.s32 @p0 $0x1  }
0x13: {  	[smem:$0x3FB3] =	sst s0;
	s0 =	simm.s32 @!p1 $0x0  }
0x14: {  	s2 =	sld [smem:$0x3F97];
	s0 =	simm.s32 @p1 $0x1  }
0x15: {  	[smem:$0x3FB4] =	sst s0;
	s0 =	simm.s32 @!p2 $0x0  }
0x16: {  	s3 =	sld [smem:$0x3FDB];
	s0 =	simm.s32 @p2 $0x1  }
0x17: {  	s4 =	simm.s32 $0x1BF5;
	[smem:$0x3FB6] =	sst s0  }
0x18: {  	s0 =	sld [smem:$0x3F99];
	_ =	swait.ge [sflag:s4], $0x0  }
0x19: {  	s7 =	sld [smem:$0x3F9A]  }
0x1a: {  	s8 =	sadd.s32 $0xFFFFE003, lr  }
0x1b: {  	s9 =	sadd.s32 $0xFFFFFEF7, lr;
	s5 =	simm.s32 $0xFFFFFFFF;
	p2 =	slt.u32 s8, $0xFFFFF086  }
0x1c: {  	p1 =	slt.u32 s9, $0xF7A;
	s5 =	simm.s32 @!p2 $0x0  }
0x1d: {  	s5 =	simm.s32 @p1 $0x1;
	p0 =	seq.s32 s7, s2  }
0x1e: {  	s7 =	smul.u32 @!p0 $0xF7A, s2;
	p2 =	seq.s32 @!p0 s5, $0x0  }
0x1f: {  	s9 =	smul.u32 $0xF7A, s1;
	s8 =	simm.s32 @!p0 $0x1BF5;
	p2 =	por !p2, p0  }
0x20: {  	[sflag:s8] =	ssyncset.s32 @!p0 $0xFFFFF086;
	s6 =	sadd.s32 @!p0 s3, s7;
	s7 =	simm.s32 @!p0 $0x108  }
0x21: {  	s3 =	sadd.s32 s3, s9;
	s6 =	sadd.s32 @!p0 $0x88, s6;
	s7 =	simm.s32 @p2 $0x1082  }
0x22: {  	[simem:s7], [sflag:s8] =	dma.local @!p0 [hbm:s6], $0xF7A  }
0x23: {  	s9 =	sor.u32 $0xD0000000, s2;
	s6 =	simm.s32 $0x108;
	_ =	swait.ge @!p0 [sflag:s8], $0x0  }
0x24: {  	s3 =	sadd.s32 $0x88, s3;
	s6 =	simm.s32 @!p1 $0x1082;
	[sflag:s4] =	ssyncset.s32 $0xFFFFF086  }
0x25: {  	[simem:s6], [sflag:s4] =	dma.local [hbm:s3], $0xF7A  }
0x26: {  	[smem:$0x3F9A] =	sst s1;
	(tag) =	ssettag s2;
	_ =	strace s9  }
0x27: {  	s1 =	sld [smem:$0x3FAA]  }
0x28: {  	s2 =	sld [smem:$0x3FAB]  }
0x29: {  	s4 =	sld [smem:$0x3FAD]  }
0x2a: {  	p0 =	seq.s32 s5, $0x0;
	s5 =	sld [smem:$0x3FAE]  }
0x2b: {  	s6 =	sld [smem:$0x3FAF]  }
0x2c: {  	s7 =	sld [smem:$0x3FB0]  }
0x2d: {  	s3 =	simm.s32 $0x108;
	s8 =	sld [smem:$0x3FB1]  }
0x2e: {  	s3 =	simm.s32 @!p0 $0x1082;
	s9 =	sld [smem:$0x3FB2]  }
0x2f: {  	lr =	sadd.s32 s0, s3;
	s0 =	sld [smem:$0x3FA9]  }
0x30: {  	s3 =	sld [smem:$0x3FAC]  }
0x31: {  	[smem:$0x3FB5] =	sst s10  }
0x32: {  	s10 =	sld [smem:$0x3FB3];
	_ =	sdelay $0x3  }
0x33: {  	p0 =	seq.s32 s10, $0x1;
	s10 =	sld [smem:$0x3FB5];
	_ =	sdelay $0x3  }
0x34: {  	[smem:$0x3FB5] =	sst s10  }
0x35: {  	s10 =	sld [smem:$0x3FB4];
	_ =	sdelay $0x3  }
0x36: {  	p1 =	seq.s32 s10, $0x1;
	s10 =	sld [smem:$0x3FB5];
	_ =	sdelay $0x3  }
0x37: {  	[smem:$0x3FB5] =	sst s10  }
0x38: {  	s10 =	sld [smem:$0x3FB6]  }
0x39: {  	_ = 	snop;
	(pc) =	sbr.ind lr, $3  }
0x3a: {  	_ = 	snop  }
0x3b: {  	_ = 	snop  }
0x3c: {  	p2 =	seq.s32 s10, $0x1;
	s10 =	sld [smem:$0x3FB5]  }
0x3d: {  	_ =	shalt  }
0x3e: {  	_ =	shalt  }
0x3f: {  	_ =	shalt  }
0x40: {  	_ =	shalt  }
0x41: {  	_ =	shalt  }
0x42: {  	_ =	shalt  }
0x43: {  	_ =	shalt  }
0x44: {  	_ =	shalt  }
0x45: {  	_ =	shalt  }
0x46: {  	_ =	shalt  }
0x47: {  	_ =	shalt  }
0x48: {  	_ =	shalt  }
0x49: {  	_ =	shalt  }
0x4a: {  	_ =	shalt  }
0x4b: {  	_ =	shalt  }
0x4c: {  	_ =	shalt  }
0x4d: {  	_ =	shalt  }
0x4e: {  	_ =	shalt  }
0x4f: {  	_ =	shalt  }
0x50: {  	_ =	shalt  }
0x51: {  	_ =	shalt  }
0x52: {  	_ =	shalt  }
0x53: {  	_ =	shalt  }
0x54: {  	_ =	shalt  }
0x55: {  	_ =	shalt  }
0x56: {  	_ =	shalt  }
0x57: {  	_ =	shalt  }
0x58: {  	_ =	shalt  }
0x59: {  	_ =	shalt  }
0x5a: {  	_ =	shalt  }
0x5b: {  	_ =	shalt  }
0x5c: {  	_ =	shalt  }
0x5d: {  	_ =	shalt  }
0x5e: {  	_ =	shalt  }
0x5f: {  	_ =	shalt  }
0x60: {  	_ =	shalt  }
0x61: {  	_ =	shalt  }
0x62: {  	_ =	shalt  }
0x63: {  	_ =	shalt  }
0x64: {  	_ =	shalt  }
0x65: {  	_ =	shalt  }
0x66: {  	_ =	shalt  }
0x67: {  	_ =	shalt  }
0x68: {  	_ =	shalt  }
0x69: {  	_ =	shalt  }
0x6a: {  	_ =	shalt  }
0x6b: {  	_ =	shalt  }
0x6c: {  	_ =	shalt  }
0x6d: {  	_ =	shalt  }
0x6e: {  	_ =	shalt  }
0x6f: {  	_ =	shalt  }
0x70: {  	_ =	shalt  }
0x71: {  	_ =	shalt  }
0x72: {  	_ =	shalt  }
0x73: {  	_ =	shalt  }
0x74: {  	_ =	shalt  }
0x75: {  	_ =	shalt  }
0x76: {  	_ =	shalt  }
0x77: {  	_ =	shalt  }
0x78: {  	_ =	shalt  }
0x79: {  	_ =	shalt  }
0x7a: {  	_ =	shalt  }
0x7b: {  	_ =	shalt  }
0x7c: {  	_ =	shalt  }
0x7d: {  	_ =	shalt  }
0x7e: {  	_ =	shalt  }
0x7f: {  	_ =	shalt  }
0x80: {  	_ =	shalt  }
0x81: {  	_ =	shalt  }
0x82: {  	_ =	shalt  }
0x83: {  	_ =	shalt  }
0x84: {  	_ =	shalt  }
0x85: {  	_ =	shalt  }
0x86: {  	_ =	shalt  }
0x87: {  	_ =	shalt  }
.Lfunc_end0:
.L_simem_size_0:
called_computation_lowered:
.L_overlay_start_0:
0x88: {  	s2 =	sld [smem:$0x3FD9]  }
0x89: {  	s3 =	sld [smem:$0x3FFE];
	_ =	sdelay $0x1  }
0x8a: {  	s1 =	srdreg.scid  }
0x8b: {  	s0 =	sand.u32 $0x1, s1  }
0x8c: {  	s28 =	sshll.u32 s0, $0xA;
	s2 =	sadd.s32 s3, s2  }
0x8d: {  	s2 =	sadd.s32 s2, s28  }
0x8e: {  	[smem:$0x3FC1] =	sst s2  }
0x8f: {  	_ = 	snop  }
0x90: {  	s2 =	sld [smem:$0x3FC9]  }
0x91: {  	s3 =	sld [smem:$0x3FC8]  }
0x92: {  	s4 =	sld [smem:$0x3FC7]  }
0x93: {  	s5 =	sld [smem:$0x3FC6]  }
0x94: {  	s16 =	sld [smem:$0x3FD0]  }
0x95: {  	s6 =	sld [smem:$0x3FC5]  }
0x96: {  	s7 =	sld [smem:$0x3FC4]  }
0x97: {  	s18 =	simm.s32 $0xA;
	s19 =	simm.s32 $0x10;
	s8 =	sld [smem:$0x3FC3]  }
0x98: {  	[smem:s19], [sflag:s18] =	dma.local [hbm:s16], $0x1  }
0x99: {  	_ =	swait.eq [sflag:s18], $0x1  }
0x9a: {  	s9 =	sld [smem:$0x10]  }
0x9b: {  	s10 =	sld [smem:$0x11]  }
0x9c: {  	s11 =	sld [smem:$0x12]  }
0x9d: {  	s12 =	sld [smem:$0x13]  }
0x9e: {  	s13 =	sld [smem:$0x14]  }
0x9f: {  	s14 =	sld [smem:$0x15];
	[sflag:s18] =	ssyncset.done $0x0  }
0xa0: {  	s15 =	sld [smem:$0x16];
	[sflag:s18] =	ssyncadd.s32 $0xFFFFFFFF  }
0xa1: {  	s16 =	sadd.s32 $0x1, s16;
	s17 =	sld [smem:$0x17]  }
0xa2: {  	[smem:s19], [sflag:s18] =	dma.local [hbm:s16], $0x1  }
0xa3: {  	_ =	swait.eq [sflag:s18], $0x1  }
0xa4: {  	s19 =	sld [smem:$0x10]  }
0xa5: {  	s20 =	sld [smem:$0x11];
	[sflag:s18] =	ssyncset.done $0x0  }
0xa6: {  	s21 =	sld [smem:$0x12];
	[sflag:s18] =	ssyncadd.s32 $0xFFFFFFFF  }
0xa7: {  	s18 =	sld [smem:$0x13];
	(tm) =	ssettm $0x1  }
0xa8: {  	s29 =	sld [smem:$0x3FFB];
	_ =	sdelay $0x3  }
0xa9: {  	_ =	strace s29  }
0xaa: {  	s16 =	sld [smem:$0x3FFC];
	_ =	sdelay $0x3  }
0xab: {  	_ =	strace s16  }
0xac: {  	s16 =	sld [smem:$0x3FFD];
	_ =	sdelay $0x3  }
0xad: {  	_ =	strace s16  }
0xae: {  	_ =	strace $0x8FFFFFFF  }
0xaf: {  	s30 =	sld [smem:$0x3FDB];
	_ =	sdelay $0x1  }
0xb0: {  	s22 =	simm.s32 $_scs_section_size  }
0xb1: {  	s23 =	simm.s32 $_size__tile_task_arg_handler_lowered;
	s24 =	simm.s32 $_tile_task_arg_handler_lowered  }
0xb2: {  	s26 =	simm.s32 $0x1BFF;
	s25 =	sshll.u32 s24, $0x1;
	s22 =	sadd.s32 s22, s30  }
0xb3: {  	s31 =	sshll.u32 s23, $0x1;
	s23 =	sadd.s32 s25, s22;
	s25 =	simm.s32 $0x60  }
0xb4: {  	[timem:s25], [sflag:s26] =	dma.local [hbm:s23], s31  }
0xb5: {  	_ =	swait.ge [sflag:s26], s31  }
0xb6: {  	s28 =	simm.s32 $_tile_overlayer_lowered;
	s16 =	ssub.s32 $0x0, s31;
	[sflag:s26] =	ssyncset.done $0x0  }
0xb7: {  	s29 =	simm.s32 $_size__tile_overlayer_lowered;
	s23 =	sshll.u32 s28, $0x1;
	[sflag:s26] =	ssyncadd.s32 s16  }
0xb8: {  	s30 =	sshll.u32 s29, $0x1;
	s23 =	sadd.s32 s23, s22;
	s16 =	simm.s32 $0x0  }
0xb9: {  	[timem:s16], [sflag:s26] =	dma.local [hbm:s23], s30  }
0xba: {  	_ =	swait.ge [sflag:s26], s30  }
0xbb: {  	s31 =	ssub.s32 $0x0, s30;
	[sflag:s26] =	ssyncset.done $0x0  }
0xbc: {  	[sflag:s26] =	ssyncadd.s32 s31;
	_ =	sdelay $0x1  }
0xbd: {  	s24 =	simm.s32 $0x1B8B  }
0xbe: {  	_ =	swait.ge [sflag:s24], $0x1  }
0xbf: {  	[sflag:s24] =	ssyncset.done $0x0  }
0xc0: {  	s25 =	simm.s32 $0x1B8E;
	[sflag:s24] =	ssyncadd.s32 $0xFFFFFFFF  }
0xc1: {  	s26 =	simm.s32 $execute0_lowered;
	[smem:$0x3FD2] =	sst s25  }
0xc2: {  	s23 =	sshll.u32 s26, $0x1;
	_ =	strace $0x80000046;
	[dreg:$0x1] =	wrdreg $0xFFFFFFFF  }
0xc3: {  	s28 =	simm.s32 $_size_execute0_lowered;
	s22 =	sadd.s32 s22, s23;
	[dreg:$0x0] =	wrdreg $0x0  }
0xc4: {  	s23 =	sshll.u32 s28, $0x1;
	[dreg:$0x2] =	wrdreg s22  }
0xc5: {  	[dreg:$0x3] =	wrdreg s23  }
0xc6: {  	[dreg:$0x4] =	wrdreg $0xC0  }
0xc7: {  	_ =	task [dreg:s16], $0x5FFFF  }
0xc8: {  	[dreg:$0x1] =	wrdreg $0xFFFFFFFF  }
0xc9: {  	[dreg:$0x0] =	wrdreg $0x30  }
0xca: {  	[dreg:$0x2] =	wrdreg $0x0  }
0xcb: {  	[dreg:$0x3] =	wrdreg s17  }
0xcc: {  	[dreg:$0x4] =	wrdreg s19  }
0xcd: {  	[dreg:$0x5] =	wrdreg s20  }
0xce: {  	[dreg:$0x6] =	wrdreg s21  }
0xcf: {  	[dreg:$0x7] =	wrdreg s18  }
0xd0: {  	[dreg:$0x8] =	wrdreg $0x9  }
0xd1: {  	_ =	task [dreg:s16], $0x9FFFF  }
0xd2: {  	[dreg:$0x1] =	wrdreg $0xFFFFFFFF  }
0xd3: {  	[dreg:$0x0] =	wrdreg $0x60  }
0xd4: {  	[dreg:$0x2] =	wrdreg s2  }
0xd5: {  	[dreg:$0x3] =	wrdreg s3  }
0xd6: {  	[dreg:$0x4] =	wrdreg s4  }
0xd7: {  	[dreg:$0x5] =	wrdreg s5  }
0xd8: {  	[dreg:$0x6] =	wrdreg s6  }
0xd9: {  	[dreg:$0x7] =	wrdreg s7  }
0xda: {  	[dreg:$0x8] =	wrdreg s8  }
0xdb: {  	[dreg:$0x9] =	wrdreg s9  }
0xdc: {  	[dreg:$0xa] =	wrdreg s10  }
0xdd: {  	[dreg:$0xb] =	wrdreg s11  }
0xde: {  	[dreg:$0xc] =	wrdreg s12  }
0xdf: {  	[dreg:$0xd] =	wrdreg s13  }
0xe0: {  	[dreg:$0xe] =	wrdreg s14  }
0xe1: {  	[dreg:$0xf] =	wrdreg s15  }
0xe2: {  	_ =	task.clear_ibuf [dreg:s16], $0x10FFFF;
	_ =	strace $0x90000046  }
0xe3: {  	s29 =	simm.s32 $0x9;
	_ =	strace $0x80000048  }
0xe4: {  	_ =	swait.ge [sflag:s29], $0x1  }
0xe5: {  	[sflag:s29] =	ssyncadd.s32 $0xFFFFFFFF  }
0xe6: {  	_ =	strace $0x90000048  }
0xe7: {  	_ =	sfence  }
0xe8: {  	s30 =	sld [smem:$0x0];
	_ =	sdelay $0x2  }
0xe9: {  	s31 =	sshll.u32 s1, $0xD;
	s1 =	sshrl.u32 s1, $0x2  }
0xea: {  	s3 =	sand.u32 $0x4000, s31;
	s1 =	sadd.s32 s1, s30  }
0xeb: {  	s0 =	sor.u32 s3, s0;
	s1 =	sshll.u32 s1, $0x11  }
0xec: {  	s0 =	sor.u32 s1, s0  }
0xed: {  	s0 =	sadd.s32 $0x8F2B, s0  }
0xee: {  	[sflag:s0] =	ssyncadd.remote.s32 $0x1  }
0xef: {  	_ =	sfence.sel $0xFFFF  }
0xf0: {  	[dreg:$0x0] =	wrdreg $0xFFFFFFFF;
	(pc) =	sbr.abs _section_cstart, $3  }
0xf1: {  	[dreg:$0x1] =	wrdreg $0xFFFFFFFF  }
0xf2: {  	_ =	task.clear_ibuf [dreg:s16], $0x2FFFF;
	_ =	strace $0x9FFFFFFF  }
0xf3: {  	(tm) =	ssettm $0x7FFFFFFF  }
tec
_tile_task_arg_handler_lowered:
.L_overlay_start_1:
0x0: {  	(tag) =	ssettag $0x1  }
0x1: {  	s0 =	rddreg [dreg:$0x0]  }
0x2: {  	s1 =	rddreg [dreg:$0x1]  }
0x3: {  	s2 =	rddreg [dreg:$0x2]  }
0x4: {  	s3 =	rddreg [dreg:$0x3]  }
0x5: {  	s4 =	rddreg [dreg:$0x4]  }
0x6: {  	s5 =	rddreg [dreg:$0x5]  }
0x7: {  	s6 =	rddreg [dreg:$0x6]  }
0x8: {  	s7 =	rddreg [dreg:$0x7]  }
0x9: {  	s8 =	rddreg [dreg:$0x8]  }
0xa: {  	s9 =	rddreg [dreg:$0x9]  }
0xb: {  	s10 =	rddreg [dreg:$0xa]  }
0xc: {  	s11 =	rddreg [dreg:$0xb]  }
0xd: {  	s12 =	rddreg [dreg:$0xc]  }
0xe: {  	s13 =	rddreg [dreg:$0xd]  }
0xf: {  	[smem:s0] =	sst s1  }
0x10: {  	[smem:s0+$0x1] =	sst s2  }
0x11: {  	[smem:s0+$0x2] =	sst s3  }
0x12: {  	[smem:s0+$0x3] =	sst s4  }
0x13: {  	[smem:s0+$0x4] =	sst s5  }
0x14: {  	[smem:s0+$0x5] =	sst s6  }
0x15: {  	[smem:s0+$0x6] =	sst s7  }
0x16: {  	[smem:s0+$0x7] =	sst s8  }
0x17: {  	[smem:s0+$0x8] =	sst s9  }
0x18: {  	[smem:s0+$0x9] =	sst s10  }
0x19: {  	[smem:s0+$0xA] =	sst s11  }
0x1a: {  	[smem:s0+$0xB] =	sst s12  }
0x1b: {  	[smem:s0+$0xC] =	sst s13;
	_ =	shalt  }
.Lfunc_end2:
execute0_lowered:
.L_overlay_start_2:
0x1c: {  	(tag) =	ssettag $0x2  }
0x1d: {  	s15 =	rddreg [dreg:$0x0]  }
0x1e: {  	s0 =	rddreg [dreg:$0x1]  }
0x1f: {  	s1 =	rddreg [dreg:$0x2]  }
0x20: {  	s2 =	rddreg [dreg:$0x3]  }
0x21: {  	s3 =	rddreg [dreg:$0x4]  }
0x22: {  	s4 =	rddreg [dreg:$0x5]  }
0x23: {  	s5 =	rddreg [dreg:$0x6]  }
0x24: {  	s20 =	rddreg [dreg:$0x7]  }
0x25: {  	s18 =	rddreg [dreg:$0x8]  }
0x26: {  	s14 =	rddreg [dreg:$0x9]  }
0x27: {  	s10 =	rddreg [dreg:$0xa]  }
0x28: {  	s9 =	rddreg [dreg:$0xb]  }
0x29: {  	s8 =	rddreg [dreg:$0xc]  }
0x2a: {  	s6 =	rddreg [dreg:$0xd];
	s7 =	simm.s32 $0x0  }
0x2b: {  	s11 =	srdreg.scid;
	[smem:$0x7FF] =	sst s7  }
0x2c: {  	s12 =	stileid.u32;
	s13 =	sld [smem:$0x0]  }
0x2d: {  	s11 =	sand.u32 $0x1, s11;
	s17 =	sshll.u32 s12, $0x1;
	s12 =	sld [smem:$0x1]  }
0x2e: {  	s19 =	sor.u32 s11, s17;
	s16 =	sld [smem:$0x2]  }
0x2f: {  	s25 =	sld [smem:$0x5];
	s21 =	sshll.u32 s19, $0x5  }
0x30: {  	s22 =	sld [smem:$0x3];
	s17 =	sor.u32 s17, s21  }
0x31: {  	s23 =	sld [smem:$0x4];
	s17 =	sand.u32 $0x1F0, s17  }
0x32: {  	[smem:$0x7D8] =	sst s25;
	s26 =	sadd.s32 s15, s17  }
0x33: {  	_ =	strace $0x80000047;
	s15 =	sadd.s32 $0x4, s26;
	[smem:$0x7D9] =	sst s26  }
0x34: {  	s17 =	sadd.s32 $0x8, s26;
	[dreg:$0xe] =	wrdreg s15;
	s15 =	smul.u32 $0x3000, s19  }
0x35: {  	s21 =	sadd.s32 $0xC, s26;
	[dreg:$0xf] =	wrdreg s17  }
0x36: {  	[dreg:$0x10] =	wrdreg s21;
	s19 =	smul.u32 $0x18000, s19;
	s24 =	sadd.s32 s20, s15  }
0x37: {  	s25 =	sadd.s32 s23, s15;
	s17 =	sor.u32 $0xC00, s15;
	[dreg:$0x11] =	wrdreg s24  }
0x38: {  	s26 =	sshrl.u32 s19, $0x3;
	[dreg:$0x12] =	wrdreg s25;
	s24 =	sadd.s32 s20, s17  }
0x39: {  	s19 =	sadd.s32 $0x1800, s26;
	[dreg:$0x13] =	wrdreg s24;
	s24 =	sadd.s32 s23, s17  }
0x3a: {  	s25 =	sadd.s32 s20, s19;
	[dreg:$0x14] =	wrdreg s24  }
0x3b: {  	s21 =	sadd.s32 $0x2400, s26;
	s26 =	sadd.s32 s23, s19;
	[dreg:$0x15] =	wrdreg s25  }
0x3c: {  	s20 =	sadd.s32 s20, s21;
	[dreg:$0x16] =	wrdreg s26  }
0x3d: {  	s23 =	sadd.s32 s23, s21;
	[dreg:$0x17] =	wrdreg s20  }
0x3e: {  	[dreg:$0x18] =	wrdreg s23;
	s24 =	sadd.s32 s18, s15  }
0x3f: {  	s25 =	sadd.s32 s22, s15;
	[dreg:$0x19] =	wrdreg s24  }
0x40: {  	s26 =	sadd.s32 s18, s17;
	[dreg:$0x1a] =	wrdreg s25  }
0x41: {  	s23 =	sadd.s32 s22, s17;
	[dreg:$0x1b] =	wrdreg s26  }
0x42: {  	s20 =	sadd.s32 s14, s15;
	[dreg:$0x1c] =	wrdreg s23  }
0x43: {  	s24 =	sadd.s32 s18, s19;
	[smem:$0x7DB] =	sst s20  }
0x44: {  	s25 =	sadd.s32 s22, s19;
	[dreg:$0x1d] =	wrdreg s24  }
0x45: {  	s18 =	sadd.s32 s18, s21;
	[dreg:$0x1e] =	wrdreg s25  }
0x46: {  	s26 =	sadd.s32 s22, s21;
	[dreg:$0x1f] =	wrdreg s18  }
0x47: {  	s22 =	sadd.s32 s16, s15;
	[smem:$0x7DA] =	sst s26  }
0x48: {  	s23 =	sadd.s32 s14, s17;
	[smem:$0x7DC] =	sst s22  }
0x49: {  	s20 =	sadd.s32 s10, s15;
	[smem:$0x7DD] =	sst s23  }
0x4a: {  	s24 =	sadd.s32 s16, s17;
	[smem:$0x7E3] =	sst s20  }
0x4b: {  	s25 =	sadd.s32 s14, s19;
	[smem:$0x7DE] =	sst s24  }
0x4c: {  	s26 =	sadd.s32 s16, s19;
	[smem:$0x7DF] =	sst s25  }
0x4d: {  	s14 =	sadd.s32 s14, s21;
	[smem:$0x7E0] =	sst s26  }
0x4e: {  	s18 =	sadd.s32 s16, s21;
	[smem:$0x7E1] =	sst s14  }
0x4f: {  	s22 =	sadd.s32 s12, s15;
	[smem:$0x7E2] =	sst s18  }
0x50: {  	s23 =	sadd.s32 s10, s17;
	[smem:$0x7E4] =	sst s22  }
0x51: {  	s16 =	sadd.s32 s9, s15;
	[smem:$0x7E5] =	sst s23  }
0x52: {  	s20 =	sadd.s32 s9, s17;
	[smem:$0x7EB] =	sst s16  }
0x53: {  	s24 =	sadd.s32 s12, s17;
	[smem:$0x7ED] =	sst s20  }
0x54: {  	s25 =	sadd.s32 s10, s19;
	[smem:$0x7E6] =	sst s24  }
0x55: {  	s28 =	simm.s32 $0x6200;
	s26 =	sadd.s32 s12, s19;
	[smem:$0x7E7] =	sst s25  }
0x56: {  	s29 =	simm.s32 $0x1;
	s10 =	sadd.s32 s10, s21;
	[smem:$0x7E8] =	sst s26  }
0x57: {  	s30 =	simm.s32 $0x12200;
	s14 =	sadd.s32 s12, s21;
	[smem:$0x7E9] =	sst s10  }
0x58: {  	s31 =	simm.s32 $0x4;
	s18 =	sadd.s32 s13, s15;
	[smem:$0x7EA] =	sst s14  }
0x59: {  	s11 =	ssub.s32 $0x2, s11;
	s23 =	sadd.s32 s13, s17;
	[smem:$0x7EC] =	sst s18  }
0x5a: {  	s22 =	sshrl.u32 s11, $0x1;
	s20 =	sadd.s32 s8, s19;
	[smem:$0x7EE] =	sst s23  }
0x5b: {  	s12 =	sadd.s32 $0x100, s1;
	s24 =	sadd.s32 s9, s19;
	[smem:$0x7F7] =	sst s20  }
0x5c: {  	s22 =	ssub.s32 s11, s22;
	s25 =	sadd.s32 s13, s19;
	[smem:$0x7EF] =	sst s24  }
0x5d: {  	s10 =	sadd.s32 $0x100, s0;
	s9 =	sadd.s32 s9, s21;
	[smem:$0x7F0] =	sst s25  }
0x5e: {  	s11 =	sadd.s32 $0x200, s0;
	s26 =	sadd.s32 s13, s21;
	[smem:$0x7F1] =	sst s9  }
0x5f: {  	s13 =	sadd.s32 $0x200, s1;
	s0 =	sadd.s32 s8, s15;
	[smem:$0x7F2] =	sst s26  }
0x60: {  	s14 =	sadd.s32 $0x100, s2;
	s1 =	sadd.s32 s6, s15;
	[smem:$0x7F3] =	sst s0  }
0x61: {  	s15 =	sadd.s32 $0x200, s2;
	s2 =	sadd.s32 s8, s17;
	[smem:$0x7F4] =	sst s1  }
0x62: {  	s16 =	sadd.s32 $0x100, s3;
	s18 =	sadd.s32 s6, s17;
	[smem:$0x7F5] =	sst s2  }
0x63: {  	s17 =	sadd.s32 $0x200, s3;
	s23 =	sadd.s32 s6, s19;
	[smem:$0x7F6] =	sst s18  }
0x64: {  	s19 =	sadd.s32 $0x200, s4;
	s8 =	sadd.s32 s8, s21;
	[smem:$0x7F8] =	sst s23  }
0x65: {  	s20 =	sadd.s32 $0x100, s5;
	s6 =	sadd.s32 s6, s21;
	[smem:$0x7F9] =	sst s8  }
0x66: {  	s21 =	sadd.s32 $0x200, s5;
	s18 =	sadd.s32 $0x100, s4;
	[smem:$0x7FA] =	sst s6  }
0x67: {  	s24 =	simm.s32 $0x80;
	s0 =	smax.u32 s22, $0x1;
	s25 =	simm.s32 $0x100  }
0x68: {  	s26 =	simm.s32 $0x180;
	s6 =	simm.s32 $0xC200;
	[smem:$0x7FB] =	sst s24  }
0x69: {  	v2 =	vlaneseq.u32;
	s8 =	simm.s32 $0x2;
	s9 =	simm.s32 $0x5;
	[smem:$0x7FC] =	sst s25  }
0x6a: {  	vm0 =	vmmov $0xffff;
	v1 =	vshrl.u32 v2, $0x3;
	s23 =	simm.s32 $0x7;
	s22 =	simm.s32 $0x8;
	[smem:$0x7FD] =	sst s26  }
0x6b: {  	v0 =	vand.u32 $0x7, v2;
	v2 =	vor.u32 $0x8, v2;
	v1 =	vmul.u32 $0x8, v1;
	s24 =	simm.s32 $0x200;
	s25 =	simm.s32 $0x3;
	s26 =	simm.s32 $0x6  }
.LBB3_1:
0x6c: {  	s4 =	sld [smem:$0x7D9];
	_ =	sdelay $0x1  }
0x6d: {  	[smem:$0x7D7] =	sst s0;
	s2 =	simm.s32 $0x9  }
0x6e: {  	[tilespmem:s7], [sflag:$0x9] =	stream.linear.gather [hbm4b:s4+s7], $0x20, $0x38;
	[tilespmem:$0x18200] =	vst v63  }
0x6f: {  	_ =	swait.ge [sflag:s2], $0x20  }
0x70: {  	s1 =	sld [smem:$0x7FB]  }
0x71: {  	[sflag:s2] =	ssyncset.done $0x0  }
0x72: {  	s5 =	rddreg [dreg:$0xe];
	[sflag:s2] =	ssyncadd.s32 $0xFFFFFFE0  }
0x73: {  	[tilespmem:s1], [sflag:$0x9] =	stream.linear.gather [hbm4b:s5+s7], $0x20, $0x38;
	[tilespmem:$0x18200] =	vst v63  }
0x74: {  	_ =	swait.ge [sflag:s2], $0x20  }
0x75: {  	s3 =	sld [smem:$0x7FC]  }
0x76: {  	[sflag:s2] =	ssyncset.done $0x0  }
0x77: {  	s1 =	rddreg [dreg:$0xf];
	[sflag:s2] =	ssyncadd.s32 $0xFFFFFFE0  }
0x78: {  	[tilespmem:s3], [sflag:$0x9] =	stream.linear.gather [hbm4b:s1+s7], $0x20, $0x38;
	[tilespmem:$0x18200] =	vst v63  }
0x79: {  	_ =	swait.ge [sflag:s2], $0x20  }
0x7a: {  	s5 =	sld [smem:$0x7FD]  }
0x7b: {  	[sflag:s2] =	ssyncset.done $0x0  }
0x7c: {  	s4 =	rddreg [dreg:$0x10];
	[sflag:s2] =	ssyncadd.s32 $0xFFFFFFE0  }
0x7d: {  	[tilespmem:s5], [sflag:$0x9] =	stream.linear.gather [hbm4b:s4+s7], $0x20, $0x38;
	[tilespmem:$0x18200] =	vst v63  }
0x7e: {  	_ =	swait.ge [sflag:s2], $0x20  }
0x7f: {  	[sflag:s2] =	ssyncset.done $0x0  }
0x80: {  	[sflag:s2] =	ssyncadd.s32 $0xFFFFFFE0  }
0x81: {  	v3 =	vld [tilespmem:$0x0];
	_ =	sdelay $0x4  }
0x82: {  	v4 =	vshrl.u32 v3, $0x3  }
0x83: {  	v4 =	vmul.u32 $0x30, v4  }
0x84: {  	v3 =	vand.u32 $0x7, v3  }
0x85: {  	v3 =	vor.u32 v3, v4  }
0x86: {  	v4 =	vperm.xlane v3, v0;
	_ =	sdelay $0x1  }
0x87: {  	v4 =	vadd.s32 v1, v4;
	_ =	sdelay $0x3  }
0x88: {  	s2 =	rddreg [dreg:$0x1];
	v3 =	vperm.xlane v3, v2  }
0x89: {  	[tilespmem:s24], [sflag:$0x1] =	stream.indirect_vreg.gather [hbm4b:s2+s7], $0x80, v4, vm0, $0xb8;
	[tilespmem:$0x18200] =	vst v63  }
0x8a: {  	s3 =	simm.s32 $0xA00;
	v3 =	vadd.s32 v1, v3  }
0x8b: {  	[tilespmem:s3], [sflag:$0x1] =	stream.indirect_vreg.gather [hbm4b:s10+s7], $0x80, v4, vm0, $0xb8;
	[tilespmem:$0x18200] =	vst v63  }
0x8c: {  	s4 =	simm.s32 $0x1200  }
0x8d: {  	[tilespmem:s4], [sflag:$0x1] =	stream.indirect_vreg.gather [hbm4b:s11+s7], $0x80, v4, vm0, $0xb8;
	[tilespmem:$0x18200] =	vst v63  }
0x8e: {  	s5 =	simm.s32 $0x1A00  }
0x8f: {  	[tilespmem:s5], [sflag:$0x1] =	stream.indirect_vreg.gather [hbm4b:s2+s7], $0x80, v3, vm0, $0xb8;
	[tilespmem:$0x18200] =	vst v63  }
0x90: {  	s1 =	simm.s32 $0x2200  }
0x91: {  	[tilespmem:s1], [sflag:$0x1] =	stream.indirect_vreg.gather [hbm4b:s10+s7], $0x80, v3, vm0, $0xb8;
	[tilespmem:$0x18200] =	vst v63  }
0x92: {  	s3 =	simm.s32 $0x2A00  }
0x93: {  	[tilespmem:s3], [sflag:$0x1] =	stream.indirect_vreg.gather [hbm4b:s11+s7], $0x80, v3, vm0, $0xb8;
	[tilespmem:$0x18200] =	vst v63  }
0x94: {  	v3 =	vld [tilespmem:$0x10];
	_ =	sdelay $0x4  }
0x95: {  	v17 =	vshrl.u32 v3, $0x3  }
0x96: {  	v4 =	vmul.u32 $0x30, v17  }
0x97: {  	v3 =	vand.u32 $0x7, v3  }
0x98: {  	v3 =	vor.u32 v3, v4  }
0x99: {  	v4 =	vperm.xlane v3, v0;
	_ =	sdelay $0x1  }
0x9a: {  	v4 =	vadd.s32 v1, v4;
	_ =	sdelay $0x3  }
0x9b: {  	s4 =	simm.s32 $0x3200;
	v3 =	vperm.xlane v3, v2  }
0x9c: {  	[tilespmem:s4], [sflag:$0x1] =	stream.indirect_vreg.gather [hbm4b:s2+s7], $0x80, v4, vm0, $0xb8;
	[tilespmem:$0x18200] =	vst v63  }
0x9d: {  	s5 =	simm.s32 $0x3A00;
	v3 =	vadd.s32 v1, v3  }
0x9e: {  	[tilespmem:s5], [sflag:$0x1] =	stream.indirect_vreg.gather [hbm4b:s10+s7], $0x80, v4, vm0, $0xb8;
	[tilespmem:$0x18200] =	vst v63  }
0x9f: {  	s1 =	simm.s32 $0x4200  }
0xa0: {  	[tilespmem:s1], [sflag:$0x1] =	stream.indirect_vreg.gather [hbm4b:s11+s7], $0x80, v4, vm0, $0xb8;
	[tilespmem:$0x18200] =	vst v63  }
0xa1: {  	s5 =	simm.s32 $0x4A00  }
0xa2: {  	[tilespmem:s5], [sflag:$0x1] =	stream.indirect_vreg.gather [hbm4b:s2+s7], $0x80, v3, vm0, $0xb8;
	[tilespmem:$0x18200] =	vst v63  }
0xa3: {  	s1 =	simm.s32 $0x5200  }
0xa4: {  	[tilespmem:s1], [sflag:$0x1] =	stream.indirect_vreg.gather [hbm4b:s10+s7], $0x80, v3, vm0, $0xb8;
	[tilespmem:$0x18200] =	vst v63  }
0xa5: {  	s5 =	simm.s32 $0x5A00  }
0xa6: {  	[tilespmem:s5], [sflag:$0x1] =	stream.indirect_vreg.gather [hbm4b:s11+s7], $0x80, v3, vm0, $0xb8;
	[tilespmem:$0x18200] =	vst v63  }
0xa7: {  	v3 =	vld [tilespmem:$0x80];
	_ =	sdelay $0x4  }
0xa8: {  	v18 =	vshrl.u32 v3, $0x3  }
0xa9: {  	v4 =	vmul.u32 $0x30, v18  }
0xaa: {  	v3 =	vand.u32 $0x7, v3  }
0xab: {  	v3 =	vor.u32 v3, v4  }
0xac: {  	v4 =	vperm.xlane v3, v0;
	_ =	sdelay $0x1  }
0xad: {  	v4 =	vadd.s32 v1, v4;
	_ =	sdelay $0x3  }
0xae: {  	v3 =	vperm.xlane v3, v2  }
0xaf: {  	[tilespmem:s28], [sflag:$0x2] =	stream.indirect_vreg.gather [hbm4b:s2+s7], $0x80, v4, vm0, $0xb8;
	[tilespmem:$0x18200] =	vst v63  }
0xb0: {  	s1 =	simm.s32 $0x6A00;
	v3 =	vadd.s32 v1, v3  }
0xb1: {  	[tilespmem:s1], [sflag:$0x2] =	stream.indirect_vreg.gather [hbm4b:s10+s7], $0x80, v4, vm0, $0xb8;
	[tilespmem:$0x18200] =	vst v63  }
0xb2: {  	s1 =	simm.s32 $0x7200  }
0xb3: {  	[tilespmem:s1], [sflag:$0x2] =	stream.indirect_vreg.gather [hbm4b:s11+s7], $0x80, v4, vm0, $0xb8;
	[tilespmem:$0x18200] =	vst v63  }
0xb4: {  	s1 =	simm.s32 $0x7A00  }
0xb5: {  	[tilespmem:s1], [sflag:$0x2] =	stream.indirect_vreg.gather [hbm4b:s2+s7], $0x80, v3, vm0, $0xb8;
	[tilespmem:$0x18200] =	vst v63  }
0xb6: {  	s1 =	simm.s32 $0x8200  }
0xb7: {  	[tilespmem:s1], [sflag:$0x2] =	stream.indirect_vreg.gather [hbm4b:s10+s7], $0x80, v3, vm0, $0xb8;
	[tilespmem:$0x18200] =	vst v63  }
0xb8: {  	s1 =	simm.s32 $0x8A00  }
0xb9: {  	[tilespmem:s1], [sflag:$0x2] =	stream.indirect_vreg.gather [hbm4b:s11+s7], $0x80, v3, vm0, $0xb8;
	[tilespmem:$0x18200] =	vst v63  }
0xba: {  	v3 =	vld [tilespmem:$0x90];
	_ =	sdelay $0x4  }
0xbb: {  	v19 =	vshrl.u32 v3, $0x3  }
0xbc: {  	v4 =	vmul.u32 $0x30, v19  }
0xbd: {  	v3 =	vand.u32 $0x7, v3  }
0xbe: {  	v3 =	vor.u32 v3, v4  }
0xbf: {  	v4 =	vperm.xlane v3, v0;
	_ =	sdelay $0x1  }
0xc0: {  	v4 =	vadd.s32 v1, v4;
	_ =	sdelay $0x3  }
0xc1: {  	s1 =	simm.s32 $0x9200;
	v3 =	vperm.xlane v3, v2  }
0xc2: {  	[tilespmem:s1], [sflag:$0x2] =	stream.indirect_vreg.gather [hbm4b:s2+s7], $0x80, v4, vm0, $0xb8;
	[tilespmem:$0x18200] =	vst v63  }
0xc3: {  	v3 =	vadd.s32 v1, v3;
	s1 =	simm.s32 $0x9A00  }
0xc4: {  	[tilespmem:s1], [sflag:$0x2] =	stream.indirect_vreg.gather [hbm4b:s10+s7], $0x80, v4, vm0, $0xb8;
	[tilespmem:$0x18200] =	vst v63  }
0xc5: {  	s1 =	simm.s32 $0xA200  }
0xc6: {  	[tilespmem:s1], [sflag:$0x2] =	stream.indirect_vreg.gather [hbm4b:s11+s7], $0x80, v4, vm0, $0xb8;
	[tilespmem:$0x18200] =	vst v63  }
0xc7: {  	s1 =	simm.s32 $0xAA00  }
0xc8: {  	[tilespmem:s1], [sflag:$0x2] =	stream.indirect_vreg.gather [hbm4b:s2+s7], $0x80, v3, vm0, $0xb8;
	[tilespmem:$0x18200] =	vst v63  }
0xc9: {  	s1 =	simm.s32 $0xB200  }
0xca: {  	[tilespmem:s1], [sflag:$0x2] =	stream.indirect_vreg.gather [hbm4b:s10+s7], $0x80, v3, vm0, $0xb8;
	[tilespmem:$0x18200] =	vst v63  }
0xcb: {  	s1 =	simm.s32 $0xBA00  }
0xcc: {  	[tilespmem:s1], [sflag:$0x2] =	stream.indirect_vreg.gather [hbm4b:s11+s7], $0x80, v3, vm0, $0xb8;
	[tilespmem:$0x18200] =	vst v63  }
0xcd: {  	v3 =	vld [tilespmem:$0x100];
	_ =	sdelay $0x4  }
0xce: {  	v20 =	vshrl.u32 v3, $0x3  }
0xcf: {  	v4 =	vmul.u32 $0x30, v20  }
0xd0: {  	v3 =	vand.u32 $0x7, v3  }
0xd1: {  	v3 =	vor.u32 v3, v4  }
0xd2: {  	v4 =	vperm.xlane v3, v0;
	_ =	sdelay $0x1  }
0xd3: {  	v4 =	vadd.s32 v1, v4;
	_ =	sdelay $0x3  }
0xd4: {  	v3 =	vperm.xlane v3, v2  }
0xd5: {  	[tilespmem:s6], [sflag:$0x3] =	stream.indirect_vreg.gather [hbm4b:s2+s7], $0x80, v4, vm0, $0xb8;
	[tilespmem:$0x18200] =	vst v63  }
0xd6: {  	s1 =	simm.s32 $0xCA00;
	v3 =	vadd.s32 v1, v3  }
0xd7: {  	[tilespmem:s1], [sflag:$0x3] =	stream.indirect_vreg.gather [hbm4b:s10+s7], $0x80, v4, vm0, $0xb8;
	[tilespmem:$0x18200] =	vst v63  }
0xd8: {  	s1 =	simm.s32 $0xD200  }
0xd9: {  	[tilespmem:s1], [sflag:$0x3] =	stream.indirect_vreg.gather [hbm4b:s11+s7], $0x80, v4, vm0, $0xb8;
	[tilespmem:$0x18200] =	vst v63  }
0xda: {  	s1 =	simm.s32 $0xDA00  }
0xdb: {  	[tilespmem:s1], [sflag:$0x3] =	stream.indirect_vreg.gather [hbm4b:s2+s7], $0x80, v3, vm0, $0xb8;
	[tilespmem:$0x18200] =	vst v63  }
0xdc: {  	s1 =	simm.s32 $0xE200  }
0xdd: {  	[tilespmem:s1], [sflag:$0x3] =	stream.indirect_vreg.gather [hbm4b:s10+s7], $0x80, v3, vm0, $0xb8;
	[tilespmem:$0x18200] =	vst v63  }
0xde: {  	s1 =	simm.s32 $0xEA00  }
0xdf: {  	[tilespmem:s1], [sflag:$0x3] =	stream.indirect_vreg.gather [hbm4b:s11+s7], $0x80, v3, vm0, $0xb8;
	[tilespmem:$0x18200] =	vst v63  }
0xe0: {  	v3 =	vld [tilespmem:$0x110];
	_ =	sdelay $0x4  }
0xe1: {  	v21 =	vshrl.u32 v3, $0x3  }
0xe2: {  	v4 =	vmul.u32 $0x30, v21  }
0xe3: {  	v3 =	vand.u32 $0x7, v3  }
0xe4: {  	v3 =	vor.u32 v3, v4  }
0xe5: {  	v4 =	vperm.xlane v3, v0;
	_ =	sdelay $0x1  }
0xe6: {  	v4 =	vadd.s32 v1, v4;
	_ =	sdelay $0x3  }
0xe7: {  	s1 =	simm.s32 $0xF200;
	v3 =	vperm.xlane v3, v2  }
0xe8: {  	[tilespmem:s1], [sflag:$0x3] =	stream.indirect_vreg.gather [hbm4b:s2+s7], $0x80, v4, vm0, $0xb8;
	[tilespmem:$0x18200] =	vst v63  }
0xe9: {  	v3 =	vadd.s32 v1, v3;
	s1 =	simm.s32 $0xFA00  }
0xea: {  	[tilespmem:s1], [sflag:$0x3] =	stream.indirect_vreg.gather [hbm4b:s10+s7], $0x80, v4, vm0, $0xb8;
	[tilespmem:$0x18200] =	vst v63  }
0xeb: {  	s1 =	simm.s32 $0x10200  }
0xec: {  	[tilespmem:s1], [sflag:$0x3] =	stream.indirect_vreg.gather [hbm4b:s11+s7], $0x80, v4, vm0, $0xb8;
	[tilespmem:$0x18200] =	vst v63  }
0xed: {  	s1 =	simm.s32 $0x10A00  }
0xee: {  	[tilespmem:s1], [sflag:$0x3] =	stream.indirect_vreg.gather [hbm4b:s2+s7], $0x80, v3, vm0, $0xb8;
	[tilespmem:$0x18200] =	vst v63  }
0xef: {  	s1 =	simm.s32 $0x11200  }
0xf0: {  	[tilespmem:s1], [sflag:$0x3] =	stream.indirect_vreg.gather [hbm4b:s10+s7], $0x80, v3, vm0, $0xb8;
	[tilespmem:$0x18200] =	vst v63  }
0xf1: {  	s1 =	simm.s32 $0x11A00  }
0xf2: {  	[tilespmem:s1], [sflag:$0x3] =	stream.indirect_vreg.gather [hbm4b:s11+s7], $0x80, v3, vm0, $0xb8;
	[tilespmem:$0x18200] =	vst v63  }
0xf3: {  	_ =	swait.ge [sflag:s29], $0x6000  }
0xf4: {  	[sflag:s29] =	ssyncset.done $0x0  }
0xf5: {  	s0 =	rddreg [dreg:$0x11];
	[sflag:s29] =	ssyncadd.s32 $0xFFFFA000  }
0xf6: {  	[hbm4b:s0+s7] =	stream.linear.scatter [tilespmem:s24], [sflag:$0x5], $0x6000, $0x38;
	[tilespmem:$0x18200] =	vst v63  }
0xf7: {  	s1 =	rddreg [dreg:$0x12]  }
0xf8: {  	[hbm4b:s1+s7] =	stream.linear.scatter [tilespmem:s24], [sflag:$0x5], $0x6000, $0x38;
	[tilespmem:$0x18200] =	vst v63  }
0xf9: {  	v3 =	vld [tilespmem:$0x180];
	_ =	sdelay $0x4  }
0xfa: {  	v22 =	vshrl.u32 v3, $0x3  }
0xfb: {  	v4 =	vmul.u32 $0x30, v22  }
0xfc: {  	v3 =	vand.u32 $0x7, v3  }
0xfd: {  	v3 =	vor.u32 v3, v4  }
0xfe: {  	v4 =	vperm.xlane v3, v0;
	_ =	sdelay $0x1  }
0xff: {  	v4 =	vadd.s32 v1, v4;
	_ =	sdelay $0x3  }
0x100: {  	v3 =	vperm.xlane v3, v2  }
0x101: {  	[tilespmem:s30], [sflag:$0x4] =	stream.indirect_vreg.gather [hbm4b:s2+s7], $0x80, v4, vm0, $0xb8;
	[tilespmem:$0x18200] =	vst v63  }
0x102: {  	s1 =	simm.s32 $0x12A00;
	v3 =	vadd.s32 v1, v3  }
0x103: {  	[tilespmem:s1], [sflag:$0x4] =	stream.indirect_vreg.gather [hbm4b:s10+s7], $0x80, v4, vm0, $0xb8;
	[tilespmem:$0x18200] =	vst v63  }
0x104: {  	s1 =	simm.s32 $0x13200  }
0x105: {  	[tilespmem:s1], [sflag:$0x4] =	stream.indirect_vreg.gather [hbm4b:s11+s7], $0x80, v4, vm0, $0xb8;
	[tilespmem:$0x18200] =	vst v63  }
0x106: {  	s1 =	simm.s32 $0x13A00  }
0x107: {  	[tilespmem:s1], [sflag:$0x4] =	stream.indirect_vreg.gather [hbm4b:s2+s7], $0x80, v3, vm0, $0xb8;
	[tilespmem:$0x18200] =	vst v63  }
0x108: {  	s1 =	simm.s32 $0x14200  }
0x109: {  	[tilespmem:s1], [sflag:$0x4] =	stream.indirect_vreg.gather [hbm4b:s10+s7], $0x80, v3, vm0, $0xb8;
	[tilespmem:$0x18200] =	vst v63  }
0x10a: {  	s1 =	simm.s32 $0x14A00  }
0x10b: {  	[tilespmem:s1], [sflag:$0x4] =	stream.indirect_vreg.gather [hbm4b:s11+s7], $0x80, v3, vm0, $0xb8;
	[tilespmem:$0x18200] =	vst v63  }
0x10c: {  	v3 =	vld [tilespmem:$0x190];
	_ =	sdelay $0x4  }
0x10d: {  	v23 =	vshrl.u32 v3, $0x3  }
0x10e: {  	v4 =	vmul.u32 $0x30, v23  }
0x10f: {  	v3 =	vand.u32 $0x7, v3  }
0x110: {  	v3 =	vor.u32 v3, v4  }
0x111: {  	v4 =	vperm.xlane v3, v0;
	_ =	sdelay $0x1  }
0x112: {  	v4 =	vadd.s32 v1, v4;
	_ =	sdelay $0x3  }
0x113: {  	s1 =	simm.s32 $0x15200;
	v3 =	vperm.xlane v3, v2  }
0x114: {  	[tilespmem:s1], [sflag:$0x4] =	stream.indirect_vreg.gather [hbm4b:s2+s7], $0x80, v4, vm0, $0xb8;
	[tilespmem:$0x18200] =	vst v63  }
0x115: {  	v3 =	vadd.s32 v1, v3;
	s1 =	simm.s32 $0x15A00  }
0x116: {  	[tilespmem:s1], [sflag:$0x4] =	stream.indirect_vreg.gather [hbm4b:s10+s7], $0x80, v4, vm0, $0xb8;
	[tilespmem:$0x18200] =	vst v63  }
0x117: {  	s1 =	simm.s32 $0x16200  }
0x118: {  	[tilespmem:s1], [sflag:$0x4] =	stream.indirect_vreg.gather [hbm4b:s11+s7], $0x80, v4, vm0, $0xb8;
	[tilespmem:$0x18200] =	vst v63  }
0x119: {  	s1 =	simm.s32 $0x16A00  }
0x11a: {  	[tilespmem:s1], [sflag:$0x4] =	stream.indirect_vreg.gather [hbm4b:s2+s7], $0x80, v3, vm0, $0xb8;
	[tilespmem:$0x18200] =	vst v63  }
0x11b: {  	s1 =	simm.s32 $0x17200  }
0x11c: {  	[tilespmem:s1], [sflag:$0x4] =	stream.indirect_vreg.gather [hbm4b:s10+s7], $0x80, v3, vm0, $0xb8;
	[tilespmem:$0x18200] =	vst v63  }
0x11d: {  	s2 =	simm.s32 $0x17A00  }
0x11e: {  	[tilespmem:s2], [sflag:$0x4] =	stream.indirect_vreg.gather [hbm4b:s11+s7], $0x80, v3, vm0, $0xb8;
	[tilespmem:$0x18200] =	vst v63  }
0x11f: {  	_ =	swait.ge [sflag:s8], $0x6000  }
0x120: {  	[sflag:s8] =	ssyncset.done $0x0  }
0x121: {  	s1 =	rddreg [dreg:$0x13];
	[sflag:s8] =	ssyncadd.s32 $0xFFFFA000  }
0x122: {  	[hbm4b:s1+s7] =	stream.linear.scatter [tilespmem:s28], [sflag:$0x6], $0x6000, $0x38;
	[tilespmem:$0x18200] =	vst v63  }
0x123: {  	s2 =	rddreg [dreg:$0x14]  }
0x124: {  	[hbm4b:s2+s7] =	stream.linear.scatter [tilespmem:s28], [sflag:$0x6], $0x6000, $0x38;
	[tilespmem:$0x18200] =	vst v63  }
0x125: {  	_ =	swait.ge [sflag:s9], $0x6000  }
0x126: {  	[sflag:s9] =	ssyncset.done $0x0  }
0x127: {  	[sflag:s9] =	ssyncadd.s32 $0xFFFFA000  }
0x128: {  	_ =	swait.ge [sflag:s9], $0x6000  }
0x129: {  	[sflag:s9] =	ssyncset.done $0x0  }
0x12a: {  	[sflag:s9] =	ssyncadd.s32 $0xFFFFA000  }
0x12b: {  	v3 =	vld [tilespmem:$0x0];
	_ =	sdelay $0x4  }
0x12c: {  	v24 =	vshrl.u32 v3, $0x3  }
0x12d: {  	v4 =	vmul.u32 $0x30, v24  }
0x12e: {  	v3 =	vand.u32 $0x7, v3  }
0x12f: {  	v3 =	vor.u32 v3, v4  }
0x130: {  	v4 =	vperm.xlane v3, v0;
	_ =	sdelay $0x1  }
0x131: {  	v4 =	vadd.s32 v1, v4;
	_ =	sdelay $0x3  }
0x132: {  	s2 =	rddreg [dreg:$0x2];
	v3 =	vperm.xlane v3, v2  }
0x133: {  	[tilespmem:s24], [sflag:$0x1] =	stream.indirect_vreg.gather [hbm4b:s2+s7], $0x80, v4, vm0, $0xb8;
	[tilespmem:$0x18200] =	vst v63  }
0x134: {  	s1 =	simm.s32 $0xA00;
	v3 =	vadd.s32 v1, v3  }
0x135: {  	[tilespmem:s1], [sflag:$0x1] =	stream.indirect_vreg.gather [hbm4b:s12+s7], $0x80, v4, vm0, $0xb8;
	[tilespmem:$0x18200] =	vst v63  }
0x136: {  	s1 =	simm.s32 $0x1200  }
0x137: {  	[tilespmem:s1], [sflag:$0x1] =	stream.indirect_vreg.gather [hbm4b:s13+s7], $0x80, v4, vm0, $0xb8;
	[tilespmem:$0x18200] =	vst v63  }
0x138: {  	s1 =	simm.s32 $0x1A00  }
0x139: {  	[tilespmem:s1], [sflag:$0x1] =	stream.indirect_vreg.gather [hbm4b:s2+s7], $0x80, v3, vm0, $0xb8;
	[tilespmem:$0x18200] =	vst v63  }
0x13a: {  	s1 =	simm.s32 $0x2200  }
0x13b: {  	[tilespmem:s1], [sflag:$0x1] =	stream.indirect_vreg.gather [hbm4b:s12+s7], $0x80, v3, vm0, $0xb8;
	[tilespmem:$0x18200] =	vst v63  }
0x13c: {  	s3 =	simm.s32 $0x2A00  }
0x13d: {  	[tilespmem:s3], [sflag:$0x1] =	stream.indirect_vreg.gather [hbm4b:s13+s7], $0x80, v3, vm0, $0xb8;
	[tilespmem:$0x18200] =	vst v63  }
0x13e: {  	v3 =	vld [tilespmem:$0x10];
	_ =	sdelay $0x4  }
0x13f: {  	v25 =	vshrl.u32 v3, $0x3  }
0x140: {  	v4 =	vmul.u32 $0x30, v25  }
0x141: {  	v3 =	vand.u32 $0x7, v3  }
0x142: {  	v3 =	vor.u32 v3, v4  }
0x143: {  	v4 =	vperm.xlane v3, v0;
	_ =	sdelay $0x1  }
0x144: {  	v4 =	vadd.s32 v1, v4;
	_ =	sdelay $0x3  }
0x145: {  	s4 =	simm.s32 $0x3200;
	v3 =	vperm.xlane v3, v2  }
0x146: {  	[tilespmem:s4], [sflag:$0x1] =	stream.indirect_vreg.gather [hbm4b:s2+s7], $0x80, v4, vm0, $0xb8;
	[tilespmem:$0x18200] =	vst v63  }
0x147: {  	s1 =	simm.s32 $0x3A00;
	v3 =	vadd.s32 v1, v3  }
0x148: {  	[tilespmem:s1], [sflag:$0x1] =	stream.indirect_vreg.gather [hbm4b:s12+s7], $0x80, v4, vm0, $0xb8;
	[tilespmem:$0x18200] =	vst v63  }
0x149: {  	s4 =	simm.s32 $0x4200  }
0x14a: {  	[tilespmem:s4], [sflag:$0x1] =	stream.indirect_vreg.gather [hbm4b:s13+s7], $0x80, v4, vm0, $0xb8;
	[tilespmem:$0x18200] =	vst v63  }
0x14b: {  	s1 =	simm.s32 $0x4A00  }
0x14c: {  	[tilespmem:s1], [sflag:$0x1] =	stream.indirect_vreg.gather [hbm4b:s2+s7], $0x80, v3, vm0, $0xb8;
	[tilespmem:$0x18200] =	vst v63  }
0x14d: {  	s4 =	simm.s32 $0x5200  }
0x14e: {  	[tilespmem:s4], [sflag:$0x1] =	stream.indirect_vreg.gather [hbm4b:s12+s7], $0x80, v3, vm0, $0xb8;
	[tilespmem:$0x18200] =	vst v63  }
0x14f: {  	s5 =	simm.s32 $0x5A00  }
0x150: {  	[tilespmem:s5], [sflag:$0x1] =	stream.indirect_vreg.gather [hbm4b:s13+s7], $0x80, v3, vm0, $0xb8;
	[tilespmem:$0x18200] =	vst v63  }
0x151: {  	_ =	swait.ge [sflag:s25], $0x6000  }
0x152: {  	[sflag:s25] =	ssyncset.done $0x0  }
0x153: {  	s1 =	rddreg [dreg:$0x15];
	[sflag:s25] =	ssyncadd.s32 $0xFFFFA000  }
0x154: {  	[hbm4b:s1+s7] =	stream.linear.scatter [tilespmem:s6], [sflag:$0x7], $0x6000, $0x38;
	[tilespmem:$0x18200] =	vst v63  }
0x155: {  	s4 =	rddreg [dreg:$0x16]  }
0x156: {  	[hbm4b:s4+s7] =	stream.linear.scatter [tilespmem:s6], [sflag:$0x7], $0x6000, $0x38;
	[tilespmem:$0x18200] =	vst v63  }
0x157: {  	_ =	swait.ge [sflag:s26], $0x6000  }
0x158: {  	[sflag:s26] =	ssyncset.done $0x0  }
0x159: {  	[sflag:s26] =	ssyncadd.s32 $0xFFFFA000  }
0x15a: {  	_ =	swait.ge [sflag:s26], $0x6000  }
0x15b: {  	[sflag:s26] =	ssyncset.done $0x0  }
0x15c: {  	[sflag:s26] =	ssyncadd.s32 $0xFFFFA000  }
0x15d: {  	v3 =	vld [tilespmem:$0x80];
	_ =	sdelay $0x4  }
0x15e: {  	v26 =	vshrl.u32 v3, $0x3  }
0x15f: {  	v4 =	vmul.u32 $0x30, v26  }
0x160: {  	v3 =	vand.u32 $0x7, v3  }
0x161: {  	v3 =	vor.u32 v3, v4  }
0x162: {  	v4 =	vperm.xlane v3, v0;
	_ =	sdelay $0x1  }
0x163: {  	v4 =	vadd.s32 v1, v4;
	_ =	sdelay $0x3  }
0x164: {  	v3 =	vperm.xlane v3, v2  }
0x165: {  	[tilespmem:s28], [sflag:$0x2] =	stream.indirect_vreg.gather [hbm4b:s2+s7], $0x80, v4, vm0, $0xb8;
	[tilespmem:$0x18200] =	vst v63  }
0x166: {  	s5 =	simm.s32 $0x6A00;
	v3 =	vadd.s32 v1, v3  }
0x167: {  	[tilespmem:s5], [sflag:$0x2] =	stream.indirect_vreg.gather [hbm4b:s12+s7], $0x80, v4, vm0, $0xb8;
	[tilespmem:$0x18200] =	vst v63  }
0x168: {  	s1 =	simm.s32 $0x7200  }
0x169: {  	[tilespmem:s1], [sflag:$0x2] =	stream.indirect_vreg.gather [hbm4b:s13+s7], $0x80, v4, vm0, $0xb8;
	[tilespmem:$0x18200] =	vst v63  }
0x16a: {  	s4 =	simm.s32 $0x7A00  }
0x16b: {  	[tilespmem:s4], [sflag:$0x2] =	stream.indirect_vreg.gather [hbm4b:s2+s7], $0x80, v3, vm0, $0xb8;
	[tilespmem:$0x18200] =	vst v63  }
0x16c: {  	s5 =	simm.s32 $0x8200  }
0x16d: {  	[tilespmem:s5], [sflag:$0x2] =	stream.indirect_vreg.gather [hbm4b:s12+s7], $0x80, v3, vm0, $0xb8;
	[tilespmem:$0x18200] =	vst v63  }
0x16e: {  	s1 =	simm.s32 $0x8A00  }
0x16f: {  	[tilespmem:s1], [sflag:$0x2] =	stream.indirect_vreg.gather [hbm4b:s13+s7], $0x80, v3, vm0, $0xb8;
	[tilespmem:$0x18200] =	vst v63  }
0x170: {  	v3 =	vld [tilespmem:$0x90];
	_ =	sdelay $0x4  }
0x171: {  	v27 =	vshrl.u32 v3, $0x3  }
0x172: {  	v4 =	vmul.u32 $0x30, v27  }
0x173: {  	v3 =	vand.u32 $0x7, v3  }
0x174: {  	v3 =	vor.u32 v3, v4  }
0x175: {  	v4 =	vperm.xlane v3, v0;
	_ =	sdelay $0x1  }
0x176: {  	v4 =	vadd.s32 v1, v4;
	_ =	sdelay $0x3  }
0x177: {  	s4 =	simm.s32 $0x9200;
	v3 =	vperm.xlane v3, v2  }
0x178: {  	[tilespmem:s4], [sflag:$0x2] =	stream.indirect_vreg.gather [hbm4b:s2+s7], $0x80, v4, vm0, $0xb8;
	[tilespmem:$0x18200] =	vst v63  }
0x179: {  	s5 =	simm.s32 $0x9A00;
	v3 =	vadd.s32 v1, v3  }
0x17a: {  	[tilespmem:s5], [sflag:$0x2] =	stream.indirect_vreg.gather [hbm4b:s12+s7], $0x80, v4, vm0, $0xb8;
	[tilespmem:$0x18200] =	vst v63  }
0x17b: {  	s1 =	simm.s32 $0xA200  }
0x17c: {  	[tilespmem:s1], [sflag:$0x2] =	stream.indirect_vreg.gather [hbm4b:s13+s7], $0x80, v4, vm0, $0xb8;
	[tilespmem:$0x18200] =	vst v63  }
0x17d: {  	s4 =	simm.s32 $0xAA00  }
0x17e: {  	[tilespmem:s4], [sflag:$0x2] =	stream.indirect_vreg.gather [hbm4b:s2+s7], $0x80, v3, vm0, $0xb8;
	[tilespmem:$0x18200] =	vst v63  }
0x17f: {  	s5 =	simm.s32 $0xB200  }
0x180: {  	[tilespmem:s5], [sflag:$0x2] =	stream.indirect_vreg.gather [hbm4b:s12+s7], $0x80, v3, vm0, $0xb8;
	[tilespmem:$0x18200] =	vst v63  }
0x181: {  	s1 =	simm.s32 $0xBA00  }
0x182: {  	[tilespmem:s1], [sflag:$0x2] =	stream.indirect_vreg.gather [hbm4b:s13+s7], $0x80, v3, vm0, $0xb8;
	[tilespmem:$0x18200] =	vst v63  }
0x183: {  	_ =	swait.ge [sflag:s31], $0x6000  }
0x184: {  	[sflag:s31] =	ssyncset.done $0x0  }
0x185: {  	s4 =	rddreg [dreg:$0x17];
	[sflag:s31] =	ssyncadd.s32 $0xFFFFA000  }
0x186: {  	[hbm4b:s4+s7] =	stream.linear.scatter [tilespmem:s30], [sflag:$0x8], $0x6000, $0x38;
	[tilespmem:$0x18200] =	vst v63  }
0x187: {  	s5 =	rddreg [dreg:$0x18]  }
0x188: {  	[hbm4b:s5+s7] =	stream.linear.scatter [tilespmem:s30], [sflag:$0x8], $0x6000, $0x38;
	[tilespmem:$0x18200] =	vst v63  }
0x189: {  	_ =	swait.ge [sflag:s23], $0x6000  }
0x18a: {  	[sflag:s23] =	ssyncset.done $0x0  }
0x18b: {  	[sflag:s23] =	ssyncadd.s32 $0xFFFFA000  }
0x18c: {  	_ =	swait.ge [sflag:s23], $0x6000  }
0x18d: {  	[sflag:s23] =	ssyncset.done $0x0  }
0x18e: {  	[sflag:s23] =	ssyncadd.s32 $0xFFFFA000  }
0x18f: {  	v3 =	vld [tilespmem:$0x100];
	_ =	sdelay $0x4  }
0x190: {  	v28 =	vshrl.u32 v3, $0x3  }
0x191: {  	v4 =	vmul.u32 $0x30, v28  }
0x192: {  	v3 =	vand.u32 $0x7, v3  }
0x193: {  	v3 =	vor.u32 v3, v4  }
0x194: {  	v4 =	vperm.xlane v3, v0;
	_ =	sdelay $0x1  }
0x195: {  	v4 =	vadd.s32 v1, v4;
	_ =	sdelay $0x3  }
0x196: {  	v3 =	vperm.xlane v3, v2  }
0x197: {  	[tilespmem:s6], [sflag:$0x3] =	stream.indirect_vreg.gather [hbm4b:s2+s7], $0x80, v4, vm0, $0xb8;
	[tilespmem:$0x18200] =	vst v63  }
0x198: {  	s4 =	simm.s32 $0xCA00;
	v3 =	vadd.s32 v1, v3  }
0x199: {  	[tilespmem:s4], [sflag:$0x3] =	stream.indirect_vreg.gather [hbm4b:s12+s7], $0x80, v4, vm0, $0xb8;
	[tilespmem:$0x18200] =	vst v63  }
0x19a: {  	s5 =	simm.s32 $0xD200  }
0x19b: {  	[tilespmem:s5], [sflag:$0x3] =	stream.indirect_vreg.gather [hbm4b:s13+s7], $0x80, v4, vm0, $0xb8;
	[tilespmem:$0x18200] =	vst v63  }
0x19c: {  	s1 =	simm.s32 $0xDA00  }
0x19d: {  	[tilespmem:s1], [sflag:$0x3] =	stream.indirect_vreg.gather [hbm4b:s2+s7], $0x80, v3, vm0, $0xb8;
	[tilespmem:$0x18200] =	vst v63  }
0x19e: {  	s4 =	simm.s32 $0xE200  }
0x19f: {  	[tilespmem:s4], [sflag:$0x3] =	stream.indirect_vreg.gather [hbm4b:s12+s7], $0x80, v3, vm0, $0xb8;
	[tilespmem:$0x18200] =	vst v63  }
0x1a0: {  	s5 =	simm.s32 $0xEA00  }
0x1a1: {  	[tilespmem:s5], [sflag:$0x3] =	stream.indirect_vreg.gather [hbm4b:s13+s7], $0x80, v3, vm0, $0xb8;
	[tilespmem:$0x18200] =	vst v63  }
0x1a2: {  	v3 =	vld [tilespmem:$0x110];
	_ =	sdelay $0x4  }
0x1a3: {  	v29 =	vshrl.u32 v3, $0x3  }
0x1a4: {  	v4 =	vmul.u32 $0x30, v29  }
0x1a5: {  	v3 =	vand.u32 $0x7, v3  }
0x1a6: {  	v3 =	vor.u32 v3, v4  }
0x1a7: {  	v4 =	vperm.xlane v3, v0;
	_ =	sdelay $0x1  }
0x1a8: {  	v4 =	vadd.s32 v1, v4;
	_ =	sdelay $0x3  }
0x1a9: {  	s1 =	simm.s32 $0xF200;
	v3 =	vperm.xlane v3, v2  }
0x1aa: {  	[tilespmem:s1], [sflag:$0x3] =	stream.indirect_vreg.gather [hbm4b:s2+s7], $0x80, v4, vm0, $0xb8;
	[tilespmem:$0x18200] =	vst v63  }
0x1ab: {  	s4 =	simm.s32 $0xFA00;
	v3 =	vadd.s32 v1, v3  }
0x1ac: {  	[tilespmem:s4], [sflag:$0x3] =	stream.indirect_vreg.gather [hbm4b:s12+s7], $0x80, v4, vm0, $0xb8;
	[tilespmem:$0x18200] =	vst v63  }
0x1ad: {  	s5 =	simm.s32 $0x10200  }
0x1ae: {  	[tilespmem:s5], [sflag:$0x3] =	stream.indirect_vreg.gather [hbm4b:s13+s7], $0x80, v4, vm0, $0xb8;
	[tilespmem:$0x18200] =	vst v63  }
0x1af: {  	s1 =	simm.s32 $0x10A00  }
0x1b0: {  	[tilespmem:s1], [sflag:$0x3] =	stream.indirect_vreg.gather [hbm4b:s2+s7], $0x80, v3, vm0, $0xb8;
	[tilespmem:$0x18200] =	vst v63  }
0x1b1: {  	s4 =	simm.s32 $0x11200  }
0x1b2: {  	[tilespmem:s4], [sflag:$0x3] =	stream.indirect_vreg.gather [hbm4b:s12+s7], $0x80, v3, vm0, $0xb8;
	[tilespmem:$0x18200] =	vst v63  }
0x1b3: {  	s5 =	simm.s32 $0x11A00  }
0x1b4: {  	[tilespmem:s5], [sflag:$0x3] =	stream.indirect_vreg.gather [hbm4b:s13+s7], $0x80, v3, vm0, $0xb8;
	[tilespmem:$0x18200] =	vst v63  }
0x1b5: {  	_ =	swait.ge [sflag:s29], $0x6000  }
0x1b6: {  	[sflag:s29] =	ssyncset.done $0x0  }
0x1b7: {  	s1 =	rddreg [dreg:$0x19];
	[sflag:s29] =	ssyncadd.s32 $0xFFFFA000  }
0x1b8: {  	[hbm4b:s1+s7] =	stream.linear.scatter [tilespmem:s24], [sflag:$0x5], $0x6000, $0x38;
	[tilespmem:$0x18200] =	vst v63  }
0x1b9: {  	s4 =	rddreg [dreg:$0x1a]  }
0x1ba: {  	[hbm4b:s4+s7] =	stream.linear.scatter [tilespmem:s24], [sflag:$0x5], $0x6000, $0x38;
	[tilespmem:$0x18200] =	vst v63  }
0x1bb: {  	_ =	swait.ge [sflag:s22], $0x6000  }
0x1bc: {  	[sflag:s22] =	ssyncset.done $0x0  }
0x1bd: {  	[sflag:s22] =	ssyncadd.s32 $0xFFFFA000  }
0x1be: {  	_ =	swait.ge [sflag:s22], $0x6000  }
0x1bf: {  	[sflag:s22] =	ssyncset.done $0x0  }
0x1c0: {  	[sflag:s22] =	ssyncadd.s32 $0xFFFFA000  }
0x1c1: {  	v3 =	vld [tilespmem:$0x180];
	_ =	sdelay $0x4  }
0x1c2: {  	v30 =	vshrl.u32 v3, $0x3  }
0x1c3: {  	v4 =	vmul.u32 $0x30, v30  }
0x1c4: {  	v3 =	vand.u32 $0x7, v3  }
0x1c5: {  	v3 =	vor.u32 v3, v4  }
0x1c6: {  	v4 =	vperm.xlane v3, v0;
	_ =	sdelay $0x1  }
0x1c7: {  	v4 =	vadd.s32 v1, v4;
	_ =	sdelay $0x3  }
0x1c8: {  	v3 =	vperm.xlane v3, v2  }
0x1c9: {  	[tilespmem:s30], [sflag:$0x4] =	stream.indirect_vreg.gather [hbm4b:s2+s7], $0x80, v4, vm0, $0xb8;
	[tilespmem:$0x18200] =	vst v63  }
0x1ca: {  	s5 =	simm.s32 $0x12A00;
	v3 =	vadd.s32 v1, v3  }
0x1cb: {  	[tilespmem:s5], [sflag:$0x4] =	stream.indirect_vreg.gather [hbm4b:s12+s7], $0x80, v4, vm0, $0xb8;
	[tilespmem:$0x18200] =	vst v63  }
0x1cc: {  	s1 =	simm.s32 $0x13200  }
0x1cd: {  	[tilespmem:s1], [sflag:$0x4] =	stream.indirect_vreg.gather [hbm4b:s13+s7], $0x80, v4, vm0, $0xb8;
	[tilespmem:$0x18200] =	vst v63  }
0x1ce: {  	s4 =	simm.s32 $0x13A00  }
0x1cf: {  	[tilespmem:s4], [sflag:$0x4] =	stream.indirect_vreg.gather [hbm4b:s2+s7], $0x80, v3, vm0, $0xb8;
	[tilespmem:$0x18200] =	vst v63  }
0x1d0: {  	s5 =	simm.s32 $0x14200  }
0x1d1: {  	[tilespmem:s5], [sflag:$0x4] =	stream.indirect_vreg.gather [hbm4b:s12+s7], $0x80, v3, vm0, $0xb8;
	[tilespmem:$0x18200] =	vst v63  }
0x1d2: {  	s1 =	simm.s32 $0x14A00  }
0x1d3: {  	[tilespmem:s1], [sflag:$0x4] =	stream.indirect_vreg.gather [hbm4b:s13+s7], $0x80, v3, vm0, $0xb8;
	[tilespmem:$0x18200] =	vst v63  }
0x1d4: {  	v3 =	vld [tilespmem:$0x190];
	_ =	sdelay $0x4  }
0x1d5: {  	v31 =	vshrl.u32 v3, $0x3  }
0x1d6: {  	v4 =	vmul.u32 $0x30, v31  }
0x1d7: {  	v3 =	vand.u32 $0x7, v3  }
0x1d8: {  	v3 =	vor.u32 v3, v4  }
0x1d9: {  	v4 =	vperm.xlane v3, v0;
	_ =	sdelay $0x1  }
0x1da: {  	v4 =	vadd.s32 v1, v4;
	_ =	sdelay $0x3  }
0x1db: {  	s1 =	simm.s32 $0x15200;
	v3 =	vperm.xlane v3, v2  }
0x1dc: {  	[tilespmem:s1], [sflag:$0x4] =	stream.indirect_vreg.gather [hbm4b:s2+s7], $0x80, v4, vm0, $0xb8;
	[tilespmem:$0x18200] =	vst v63  }
0x1dd: {  	v3 =	vadd.s32 v1, v3;
	s1 =	simm.s32 $0x15A00  }
0x1de: {  	[tilespmem:s1], [sflag:$0x4] =	stream.indirect_vreg.gather [hbm4b:s12+s7], $0x80, v4, vm0, $0xb8;
	[tilespmem:$0x18200] =	vst v63  }
0x1df: {  	s1 =	simm.s32 $0x16200  }
0x1e0: {  	[tilespmem:s1], [sflag:$0x4] =	stream.indirect_vreg.gather [hbm4b:s13+s7], $0x80, v4, vm0, $0xb8;
	[tilespmem:$0x18200] =	vst v63  }
0x1e1: {  	s1 =	simm.s32 $0x16A00  }
0x1e2: {  	[tilespmem:s1], [sflag:$0x4] =	stream.indirect_vreg.gather [hbm4b:s2+s7], $0x80, v3, vm0, $0xb8;
	[tilespmem:$0x18200] =	vst v63  }
0x1e3: {  	s1 =	simm.s32 $0x17200  }
0x1e4: {  	[tilespmem:s1], [sflag:$0x4] =	stream.indirect_vreg.gather [hbm4b:s12+s7], $0x80, v3, vm0, $0xb8;
	[tilespmem:$0x18200] =	vst v63  }
0x1e5: {  	s2 =	simm.s32 $0x17A00  }
0x1e6: {  	[tilespmem:s2], [sflag:$0x4] =	stream.indirect_vreg.gather [hbm4b:s13+s7], $0x80, v3, vm0, $0xb8;
	[tilespmem:$0x18200] =	vst v63  }
0x1e7: {  	_ =	swait.ge [sflag:s8], $0x6000  }
0x1e8: {  	[sflag:s8] =	ssyncset.done $0x0  }
0x1e9: {  	s1 =	rddreg [dreg:$0x1b];
	[sflag:s8] =	ssyncadd.s32 $0xFFFFA000  }
0x1ea: {  	[hbm4b:s1+s7] =	stream.linear.scatter [tilespmem:s28], [sflag:$0x6], $0x6000, $0x38;
	[tilespmem:$0x18200] =	vst v63  }
0x1eb: {  	s2 =	rddreg [dreg:$0x1c]  }
0x1ec: {  	[hbm4b:s2+s7] =	stream.linear.scatter [tilespmem:s28], [sflag:$0x6], $0x6000, $0x38;
	[tilespmem:$0x18200] =	vst v63  }
0x1ed: {  	_ =	swait.ge [sflag:s9], $0x6000  }
0x1ee: {  	[sflag:s9] =	ssyncset.done $0x0  }
0x1ef: {  	[sflag:s9] =	ssyncadd.s32 $0xFFFFA000  }
0x1f0: {  	_ =	swait.ge [sflag:s9], $0x6000  }
0x1f1: {  	[sflag:s9] =	ssyncset.done $0x0  }
0x1f2: {  	[sflag:s9] =	ssyncadd.s32 $0xFFFFA000  }
0x1f3: {  	v3 =	vld [tilespmem:$0x0];
	_ =	sdelay $0x4  }
0x1f4: {  	v32 =	vshrl.u32 v3, $0x3  }
0x1f5: {  	v4 =	vmul.u32 $0x30, v32  }
0x1f6: {  	v3 =	vand.u32 $0x7, v3  }
0x1f7: {  	v3 =	vor.u32 v3, v4  }
0x1f8: {  	v4 =	vperm.xlane v3, v0;
	_ =	sdelay $0x1  }
0x1f9: {  	v4 =	vadd.s32 v1, v4;
	_ =	sdelay $0x3  }
0x1fa: {  	s2 =	rddreg [dreg:$0x3];
	v3 =	vperm.xlane v3, v2  }
0x1fb: {  	[tilespmem:s24], [sflag:$0x1] =	stream.indirect_vreg.gather [hbm4b:s2+s7], $0x80, v4, vm0, $0xb8;
	[tilespmem:$0x18200] =	vst v63  }
0x1fc: {  	s1 =	simm.s32 $0xA00;
	v3 =	vadd.s32 v1, v3  }
0x1fd: {  	[tilespmem:s1], [sflag:$0x1] =	stream.indirect_vreg.gather [hbm4b:s14+s7], $0x80, v4, vm0, $0xb8;
	[tilespmem:$0x18200] =	vst v63  }
0x1fe: {  	s1 =	simm.s32 $0x1200  }
0x1ff: {  	[tilespmem:s1], [sflag:$0x1] =	stream.indirect_vreg.gather [hbm4b:s15+s7], $0x80, v4, vm0, $0xb8;
	[tilespmem:$0x18200] =	vst v63  }
0x200: {  	s1 =	simm.s32 $0x1A00  }
0x201: {  	[tilespmem:s1], [sflag:$0x1] =	stream.indirect_vreg.gather [hbm4b:s2+s7], $0x80, v3, vm0, $0xb8;
	[tilespmem:$0x18200] =	vst v63  }
0x202: {  	s1 =	simm.s32 $0x2200  }
0x203: {  	[tilespmem:s1], [sflag:$0x1] =	stream.indirect_vreg.gather [hbm4b:s14+s7], $0x80, v3, vm0, $0xb8;
	[tilespmem:$0x18200] =	vst v63  }
0x204: {  	s1 =	simm.s32 $0x2A00  }
0x205: {  	[tilespmem:s1], [sflag:$0x1] =	stream.indirect_vreg.gather [hbm4b:s15+s7], $0x80, v3, vm0, $0xb8;
	[tilespmem:$0x18200] =	vst v63  }
0x206: {  	v3 =	vld [tilespmem:$0x10];
	_ =	sdelay $0x4  }
0x207: {  	v33 =	vshrl.u32 v3, $0x3  }
0x208: {  	v4 =	vmul.u32 $0x30, v33  }
0x209: {  	v3 =	vand.u32 $0x7, v3  }
0x20a: {  	v3 =	vor.u32 v3, v4  }
0x20b: {  	v4 =	vperm.xlane v3, v0;
	_ =	sdelay $0x1  }
0x20c: {  	v4 =	vadd.s32 v1, v4;
	_ =	sdelay $0x3  }
0x20d: {  	s3 =	simm.s32 $0x3200;
	v3 =	vperm.xlane v3, v2  }
0x20e: {  	[tilespmem:s3], [sflag:$0x1] =	stream.indirect_vreg.gather [hbm4b:s2+s7], $0x80, v4, vm0, $0xb8;
	[tilespmem:$0x18200] =	vst v63  }
0x20f: {  	v3 =	vadd.s32 v1, v3;
	s3 =	simm.s32 $0x3A00  }
0x210: {  	[tilespmem:s3], [sflag:$0x1] =	stream.indirect_vreg.gather [hbm4b:s14+s7], $0x80, v4, vm0, $0xb8;
	[tilespmem:$0x18200] =	vst v63  }
0x211: {  	s1 =	simm.s32 $0x4200  }
0x212: {  	[tilespmem:s1], [sflag:$0x1] =	stream.indirect_vreg.gather [hbm4b:s15+s7], $0x80, v4, vm0, $0xb8;
	[tilespmem:$0x18200] =	vst v63  }
0x213: {  	s3 =	simm.s32 $0x4A00  }
0x214: {  	[tilespmem:s3], [sflag:$0x1] =	stream.indirect_vreg.gather [hbm4b:s2+s7], $0x80, v3, vm0, $0xb8;
	[tilespmem:$0x18200] =	vst v63  }
0x215: {  	s1 =	simm.s32 $0x5200  }
0x216: {  	[tilespmem:s1], [sflag:$0x1] =	stream.indirect_vreg.gather [hbm4b:s14+s7], $0x80, v3, vm0, $0xb8;
	[tilespmem:$0x18200] =	vst v63  }
0x217: {  	s3 =	simm.s32 $0x5A00  }
0x218: {  	[tilespmem:s3], [sflag:$0x1] =	stream.indirect_vreg.gather [hbm4b:s15+s7], $0x80, v3, vm0, $0xb8;
	[tilespmem:$0x18200] =	vst v63  }
0x219: {  	_ =	swait.ge [sflag:s25], $0x6000  }
0x21a: {  	[sflag:s25] =	ssyncset.done $0x0  }
0x21b: {  	s1 =	rddreg [dreg:$0x1d];
	[sflag:s25] =	ssyncadd.s32 $0xFFFFA000  }
0x21c: {  	[hbm4b:s1+s7] =	stream.linear.scatter [tilespmem:s6], [sflag:$0x7], $0x6000, $0x38;
	[tilespmem:$0x18200] =	vst v63  }
0x21d: {  	s3 =	rddreg [dreg:$0x1e]  }
0x21e: {  	[hbm4b:s3+s7] =	stream.linear.scatter [tilespmem:s6], [sflag:$0x7], $0x6000, $0x38;
	[tilespmem:$0x18200] =	vst v63  }
0x21f: {  	_ =	swait.ge [sflag:s26], $0x6000  }
0x220: {  	[sflag:s26] =	ssyncset.done $0x0  }
0x221: {  	[sflag:s26] =	ssyncadd.s32 $0xFFFFA000  }
0x222: {  	_ =	swait.ge [sflag:s26], $0x6000  }
0x223: {  	[sflag:s26] =	ssyncset.done $0x0  }
0x224: {  	[sflag:s26] =	ssyncadd.s32 $0xFFFFA000  }
0x225: {  	v3 =	vld [tilespmem:$0x80];
	_ =	sdelay $0x4  }
0x226: {  	v34 =	vshrl.u32 v3, $0x3  }
0x227: {  	v4 =	vmul.u32 $0x30, v34  }
0x228: {  	v3 =	vand.u32 $0x7, v3  }
0x229: {  	v3 =	vor.u32 v3, v4  }
0x22a: {  	v4 =	vperm.xlane v3, v0;
	_ =	sdelay $0x1  }
0x22b: {  	v4 =	vadd.s32 v1, v4;
	_ =	sdelay $0x3  }
0x22c: {  	v3 =	vperm.xlane v3, v2  }
0x22d: {  	[tilespmem:s28], [sflag:$0x2] =	stream.indirect_vreg.gather [hbm4b:s2+s7], $0x80, v4, vm0, $0xb8;
	[tilespmem:$0x18200] =	vst v63  }
0x22e: {  	s3 =	simm.s32 $0x6A00;
	v3 =	vadd.s32 v1, v3  }
0x22f: {  	[tilespmem:s3], [sflag:$0x2] =	stream.indirect_vreg.gather [hbm4b:s14+s7], $0x80, v4, vm0, $0xb8;
	[tilespmem:$0x18200] =	vst v63  }
0x230: {  	s1 =	simm.s32 $0x7200  }
0x231: {  	[tilespmem:s1], [sflag:$0x2] =	stream.indirect_vreg.gather [hbm4b:s15+s7], $0x80, v4, vm0, $0xb8;
	[tilespmem:$0x18200] =	vst v63  }
0x232: {  	s3 =	simm.s32 $0x7A00  }
0x233: {  	[tilespmem:s3], [sflag:$0x2] =	stream.indirect_vreg.gather [hbm4b:s2+s7], $0x80, v3, vm0, $0xb8;
	[tilespmem:$0x18200] =	vst v63  }
0x234: {  	s1 =	simm.s32 $0x8200  }
0x235: {  	[tilespmem:s1], [sflag:$0x2] =	stream.indirect_vreg.gather [hbm4b:s14+s7], $0x80, v3, vm0, $0xb8;
	[tilespmem:$0x18200] =	vst v63  }
0x236: {  	s3 =	simm.s32 $0x8A00  }
0x237: {  	[tilespmem:s3], [sflag:$0x2] =	stream.indirect_vreg.gather [hbm4b:s15+s7], $0x80, v3, vm0, $0xb8;
	[tilespmem:$0x18200] =	vst v63  }
0x238: {  	v3 =	vld [tilespmem:$0x90];
	_ =	sdelay $0x4  }
0x239: {  	v35 =	vshrl.u32 v3, $0x3  }
0x23a: {  	v4 =	vmul.u32 $0x30, v35  }
0x23b: {  	v3 =	vand.u32 $0x7, v3  }
0x23c: {  	v3 =	vor.u32 v3, v4  }
0x23d: {  	v4 =	vperm.xlane v3, v0;
	_ =	sdelay $0x1  }
0x23e: {  	v4 =	vadd.s32 v1, v4;
	_ =	sdelay $0x3  }
0x23f: {  	s1 =	simm.s32 $0x9200;
	v3 =	vperm.xlane v3, v2  }
0x240: {  	[tilespmem:s1], [sflag:$0x2] =	stream.indirect_vreg.gather [hbm4b:s2+s7], $0x80, v4, vm0, $0xb8;
	[tilespmem:$0x18200] =	vst v63  }
0x241: {  	s3 =	simm.s32 $0x9A00;
	v3 =	vadd.s32 v1, v3  }
0x242: {  	[tilespmem:s3], [sflag:$0x2] =	stream.indirect_vreg.gather [hbm4b:s14+s7], $0x80, v4, vm0, $0xb8;
	[tilespmem:$0x18200] =	vst v63  }
0x243: {  	s1 =	simm.s32 $0xA200  }
0x244: {  	[tilespmem:s1], [sflag:$0x2] =	stream.indirect_vreg.gather [hbm4b:s15+s7], $0x80, v4, vm0, $0xb8;
	[tilespmem:$0x18200] =	vst v63  }
0x245: {  	s3 =	simm.s32 $0xAA00  }
0x246: {  	[tilespmem:s3], [sflag:$0x2] =	stream.indirect_vreg.gather [hbm4b:s2+s7], $0x80, v3, vm0, $0xb8;
	[tilespmem:$0x18200] =	vst v63  }
0x247: {  	s1 =	simm.s32 $0xB200  }
0x248: {  	[tilespmem:s1], [sflag:$0x2] =	stream.indirect_vreg.gather [hbm4b:s14+s7], $0x80, v3, vm0, $0xb8;
	[tilespmem:$0x18200] =	vst v63  }
0x249: {  	s3 =	simm.s32 $0xBA00  }
0x24a: {  	[tilespmem:s3], [sflag:$0x2] =	stream.indirect_vreg.gather [hbm4b:s15+s7], $0x80, v3, vm0, $0xb8;
	[tilespmem:$0x18200] =	vst v63  }
0x24b: {  	_ =	swait.ge [sflag:s31], $0x6000  }
0x24c: {  	s1 =	rddreg [dreg:$0x1f];
	[sflag:s31] =	ssyncset.done $0x0  }
0x24d: {  	s3 =	sld [smem:$0x7DA];
	[sflag:s31] =	ssyncadd.s32 $0xFFFFA000  }
0x24e: {  	[hbm4b:s1+s7] =	stream.linear.scatter [tilespmem:s30], [sflag:$0x8], $0x6000, $0x38;
	[tilespmem:$0x18200] =	vst v63  }
0x24f: {  	_ = 	snop  }
0x250: {  	[hbm4b:s3+s7] =	stream.linear.scatter [tilespmem:s30], [sflag:$0x8], $0x6000, $0x38;
	[tilespmem:$0x18200] =	vst v63  }
0x251: {  	_ =	swait.ge [sflag:s23], $0x6000  }
0x252: {  	[sflag:s23] =	ssyncset.done $0x0  }
0x253: {  	[sflag:s23] =	ssyncadd.s32 $0xFFFFA000  }
0x254: {  	_ =	swait.ge [sflag:s23], $0x6000  }
0x255: {  	[sflag:s23] =	ssyncset.done $0x0  }
0x256: {  	[sflag:s23] =	ssyncadd.s32 $0xFFFFA000  }
0x257: {  	v3 =	vld [tilespmem:$0x100];
	_ =	sdelay $0x4  }
0x258: {  	v36 =	vshrl.u32 v3, $0x3  }
0x259: {  	v4 =	vmul.u32 $0x30, v36  }
0x25a: {  	v3 =	vand.u32 $0x7, v3  }
0x25b: {  	v3 =	vor.u32 v3, v4  }
0x25c: {  	v4 =	vperm.xlane v3, v0;
	_ =	sdelay $0x1  }
0x25d: {  	v4 =	vadd.s32 v1, v4;
	_ =	sdelay $0x3  }
0x25e: {  	v3 =	vperm.xlane v3, v2  }
0x25f: {  	[tilespmem:s6], [sflag:$0x3] =	stream.indirect_vreg.gather [hbm4b:s2+s7], $0x80, v4, vm0, $0xb8;
	[tilespmem:$0x18200] =	vst v63  }
0x260: {  	s3 =	simm.s32 $0xCA00;
	v3 =	vadd.s32 v1, v3  }
0x261: {  	[tilespmem:s3], [sflag:$0x3] =	stream.indirect_vreg.gather [hbm4b:s14+s7], $0x80, v4, vm0, $0xb8;
	[tilespmem:$0x18200] =	vst v63  }
0x262: {  	s1 =	simm.s32 $0xD200  }
0x263: {  	[tilespmem:s1], [sflag:$0x3] =	stream.indirect_vreg.gather [hbm4b:s15+s7], $0x80, v4, vm0, $0xb8;
	[tilespmem:$0x18200] =	vst v63  }
0x264: {  	s3 =	simm.s32 $0xDA00  }
0x265: {  	[tilespmem:s3], [sflag:$0x3] =	stream.indirect_vreg.gather [hbm4b:s2+s7], $0x80, v3, vm0, $0xb8;
	[tilespmem:$0x18200] =	vst v63  }
0x266: {  	s1 =	simm.s32 $0xE200  }
0x267: {  	[tilespmem:s1], [sflag:$0x3] =	stream.indirect_vreg.gather [hbm4b:s14+s7], $0x80, v3, vm0, $0xb8;
	[tilespmem:$0x18200] =	vst v63  }
0x268: {  	s3 =	simm.s32 $0xEA00  }
0x269: {  	[tilespmem:s3], [sflag:$0x3] =	stream.indirect_vreg.gather [hbm4b:s15+s7], $0x80, v3, vm0, $0xb8;
	[tilespmem:$0x18200] =	vst v63  }
0x26a: {  	v3 =	vld [tilespmem:$0x110];
	_ =	sdelay $0x4  }
0x26b: {  	v37 =	vshrl.u32 v3, $0x3  }
0x26c: {  	v4 =	vmul.u32 $0x30, v37  }
0x26d: {  	v3 =	vand.u32 $0x7, v3  }
0x26e: {  	v3 =	vor.u32 v3, v4  }
0x26f: {  	v4 =	vperm.xlane v3, v0;
	_ =	sdelay $0x1  }
0x270: {  	v4 =	vadd.s32 v1, v4;
	_ =	sdelay $0x3  }
0x271: {  	s1 =	simm.s32 $0xF200;
	v3 =	vperm.xlane v3, v2  }
0x272: {  	[tilespmem:s1], [sflag:$0x3] =	stream.indirect_vreg.gather [hbm4b:s2+s7], $0x80, v4, vm0, $0xb8;
	[tilespmem:$0x18200] =	vst v63  }
0x273: {  	s3 =	simm.s32 $0xFA00;
	v3 =	vadd.s32 v1, v3  }
0x274: {  	[tilespmem:s3], [sflag:$0x3] =	stream.indirect_vreg.gather [hbm4b:s14+s7], $0x80, v4, vm0, $0xb8;
	[tilespmem:$0x18200] =	vst v63  }
0x275: {  	s1 =	simm.s32 $0x10200  }
0x276: {  	[tilespmem:s1], [sflag:$0x3] =	stream.indirect_vreg.gather [hbm4b:s15+s7], $0x80, v4, vm0, $0xb8;
	[tilespmem:$0x18200] =	vst v63  }
0x277: {  	s3 =	simm.s32 $0x10A00  }
0x278: {  	[tilespmem:s3], [sflag:$0x3] =	stream.indirect_vreg.gather [hbm4b:s2+s7], $0x80, v3, vm0, $0xb8;
	[tilespmem:$0x18200] =	vst v63  }
0x279: {  	s1 =	simm.s32 $0x11200  }
0x27a: {  	[tilespmem:s1], [sflag:$0x3] =	stream.indirect_vreg.gather [hbm4b:s14+s7], $0x80, v3, vm0, $0xb8;
	[tilespmem:$0x18200] =	vst v63  }
0x27b: {  	s3 =	simm.s32 $0x11A00  }
0x27c: {  	[tilespmem:s3], [sflag:$0x3] =	stream.indirect_vreg.gather [hbm4b:s15+s7], $0x80, v3, vm0, $0xb8;
	[tilespmem:$0x18200] =	vst v63  }
0x27d: {  	_ =	swait.ge [sflag:s29], $0x6000  }
0x27e: {  	s1 =	sld [smem:$0x7DB]  }
0x27f: {  	[sflag:s29] =	ssyncset.done $0x0  }
0x280: {  	s3 =	sld [smem:$0x7DC];
	[sflag:s29] =	ssyncadd.s32 $0xFFFFA000  }
0x281: {  	[hbm4b:s1+s7] =	stream.linear.scatter [tilespmem:s24], [sflag:$0x5], $0x6000, $0x38;
	[tilespmem:$0x18200] =	vst v63  }
0x282: {  	_ = 	snop  }
0x283: {  	[hbm4b:s3+s7] =	stream.linear.scatter [tilespmem:s24], [sflag:$0x5], $0x6000, $0x38;
	[tilespmem:$0x18200] =	vst v63  }
0x284: {  	_ =	swait.ge [sflag:s22], $0x6000  }
0x285: {  	[sflag:s22] =	ssyncset.done $0x0  }
0x286: {  	[sflag:s22] =	ssyncadd.s32 $0xFFFFA000  }
0x287: {  	_ =	swait.ge [sflag:s22], $0x6000  }
0x288: {  	[sflag:s22] =	ssyncset.done $0x0  }
0x289: {  	[sflag:s22] =	ssyncadd.s32 $0xFFFFA000  }
0x28a: {  	v3 =	vld [tilespmem:$0x180];
	_ =	sdelay $0x4  }
0x28b: {  	v38 =	vshrl.u32 v3, $0x3  }
0x28c: {  	v4 =	vmul.u32 $0x30, v38  }
0x28d: {  	v3 =	vand.u32 $0x7, v3  }
0x28e: {  	v3 =	vor.u32 v3, v4  }
0x28f: {  	v4 =	vperm.xlane v3, v0;
	_ =	sdelay $0x1  }
0x290: {  	v4 =	vadd.s32 v1, v4;
	_ =	sdelay $0x3  }
0x291: {  	v3 =	vperm.xlane v3, v2  }
0x292: {  	[tilespmem:s30], [sflag:$0x4] =	stream.indirect_vreg.gather [hbm4b:s2+s7], $0x80, v4, vm0, $0xb8;
	[tilespmem:$0x18200] =	vst v63  }
0x293: {  	s1 =	simm.s32 $0x12A00;
	v3 =	vadd.s32 v1, v3  }
0x294: {  	[tilespmem:s1], [sflag:$0x4] =	stream.indirect_vreg.gather [hbm4b:s14+s7], $0x80, v4, vm0, $0xb8;
	[tilespmem:$0x18200] =	vst v63  }
0x295: {  	s3 =	simm.s32 $0x13200  }
0x296: {  	[tilespmem:s3], [sflag:$0x4] =	stream.indirect_vreg.gather [hbm4b:s15+s7], $0x80, v4, vm0, $0xb8;
	[tilespmem:$0x18200] =	vst v63  }
0x297: {  	s4 =	simm.s32 $0x13A00  }
0x298: {  	[tilespmem:s4], [sflag:$0x4] =	stream.indirect_vreg.gather [hbm4b:s2+s7], $0x80, v3, vm0, $0xb8;
	[tilespmem:$0x18200] =	vst v63  }
0x299: {  	s5 =	simm.s32 $0x14200  }
0x29a: {  	[tilespmem:s5], [sflag:$0x4] =	stream.indirect_vreg.gather [hbm4b:s14+s7], $0x80, v3, vm0, $0xb8;
	[tilespmem:$0x18200] =	vst v63  }
0x29b: {  	s4 =	simm.s32 $0x14A00  }
0x29c: {  	[tilespmem:s4], [sflag:$0x4] =	stream.indirect_vreg.gather [hbm4b:s15+s7], $0x80, v3, vm0, $0xb8;
	[tilespmem:$0x18200] =	vst v63  }
0x29d: {  	v3 =	vld [tilespmem:$0x190];
	_ =	sdelay $0x4  }
0x29e: {  	v39 =	vshrl.u32 v3, $0x3  }
0x29f: {  	v4 =	vmul.u32 $0x30, v39  }
0x2a0: {  	v3 =	vand.u32 $0x7, v3  }
0x2a1: {  	v3 =	vor.u32 v3, v4  }
0x2a2: {  	v4 =	vperm.xlane v3, v0;
	_ =	sdelay $0x1  }
0x2a3: {  	v4 =	vadd.s32 v1, v4;
	_ =	sdelay $0x3  }
0x2a4: {  	s1 =	simm.s32 $0x15200;
	v3 =	vperm.xlane v3, v2  }
0x2a5: {  	[tilespmem:s1], [sflag:$0x4] =	stream.indirect_vreg.gather [hbm4b:s2+s7], $0x80, v4, vm0, $0xb8;
	[tilespmem:$0x18200] =	vst v63  }
0x2a6: {  	s3 =	simm.s32 $0x15A00;
	v3 =	vadd.s32 v1, v3  }
0x2a7: {  	[tilespmem:s3], [sflag:$0x4] =	stream.indirect_vreg.gather [hbm4b:s14+s7], $0x80, v4, vm0, $0xb8;
	[tilespmem:$0x18200] =	vst v63  }
0x2a8: {  	s4 =	simm.s32 $0x16200  }
0x2a9: {  	[tilespmem:s4], [sflag:$0x4] =	stream.indirect_vreg.gather [hbm4b:s15+s7], $0x80, v4, vm0, $0xb8;
	[tilespmem:$0x18200] =	vst v63  }
0x2aa: {  	s1 =	simm.s32 $0x16A00  }
0x2ab: {  	[tilespmem:s1], [sflag:$0x4] =	stream.indirect_vreg.gather [hbm4b:s2+s7], $0x80, v3, vm0, $0xb8;
	[tilespmem:$0x18200] =	vst v63  }
0x2ac: {  	s3 =	simm.s32 $0x17200  }
0x2ad: {  	[tilespmem:s3], [sflag:$0x4] =	stream.indirect_vreg.gather [hbm4b:s14+s7], $0x80, v3, vm0, $0xb8;
	[tilespmem:$0x18200] =	vst v63  }
0x2ae: {  	s4 =	simm.s32 $0x17A00  }
0x2af: {  	[tilespmem:s4], [sflag:$0x4] =	stream.indirect_vreg.gather [hbm4b:s15+s7], $0x80, v3, vm0, $0xb8;
	[tilespmem:$0x18200] =	vst v63  }
0x2b0: {  	_ =	swait.ge [sflag:s8], $0x6000  }
0x2b1: {  	s1 =	sld [smem:$0x7DD]  }
0x2b2: {  	[sflag:s8] =	ssyncset.done $0x0  }
0x2b3: {  	s2 =	sld [smem:$0x7DE];
	[sflag:s8] =	ssyncadd.s32 $0xFFFFA000  }
0x2b4: {  	[hbm4b:s1+s7] =	stream.linear.scatter [tilespmem:s28], [sflag:$0x6], $0x6000, $0x38;
	[tilespmem:$0x18200] =	vst v63  }
0x2b5: {  	_ = 	snop  }
0x2b6: {  	[hbm4b:s2+s7] =	stream.linear.scatter [tilespmem:s28], [sflag:$0x6], $0x6000, $0x38;
	[tilespmem:$0x18200] =	vst v63  }
0x2b7: {  	_ =	swait.ge [sflag:s9], $0x6000  }
0x2b8: {  	[sflag:s9] =	ssyncset.done $0x0  }
0x2b9: {  	[sflag:s9] =	ssyncadd.s32 $0xFFFFA000  }
0x2ba: {  	_ =	swait.ge [sflag:s9], $0x6000  }
0x2bb: {  	[sflag:s9] =	ssyncset.done $0x0  }
0x2bc: {  	[sflag:s9] =	ssyncadd.s32 $0xFFFFA000  }
0x2bd: {  	v3 =	vld [tilespmem:$0x0];
	_ =	sdelay $0x4  }
0x2be: {  	v40 =	vshrl.u32 v3, $0x3  }
0x2bf: {  	v4 =	vmul.u32 $0x30, v40  }
0x2c0: {  	v3 =	vand.u32 $0x7, v3  }
0x2c1: {  	v3 =	vor.u32 v3, v4  }
0x2c2: {  	v4 =	vperm.xlane v3, v0;
	_ =	sdelay $0x1  }
0x2c3: {  	v4 =	vadd.s32 v1, v4;
	_ =	sdelay $0x3  }
0x2c4: {  	s4 =	rddreg [dreg:$0x4];
	v3 =	vperm.xlane v3, v2  }
0x2c5: {  	[tilespmem:s24], [sflag:$0x1] =	stream.indirect_vreg.gather [hbm4b:s4+s7], $0x80, v4, vm0, $0xb8;
	[tilespmem:$0x18200] =	vst v63  }
0x2c6: {  	s3 =	simm.s32 $0xA00;
	v3 =	vadd.s32 v1, v3  }
0x2c7: {  	[tilespmem:s3], [sflag:$0x1] =	stream.indirect_vreg.gather [hbm4b:s16+s7], $0x80, v4, vm0, $0xb8;
	[tilespmem:$0x18200] =	vst v63  }
0x2c8: {  	s1 =	simm.s32 $0x1200  }
0x2c9: {  	[tilespmem:s1], [sflag:$0x1] =	stream.indirect_vreg.gather [hbm4b:s17+s7], $0x80, v4, vm0, $0xb8;
	[tilespmem:$0x18200] =	vst v63  }
0x2ca: {  	s2 =	simm.s32 $0x1A00  }
0x2cb: {  	[tilespmem:s2], [sflag:$0x1] =	stream.indirect_vreg.gather [hbm4b:s4+s7], $0x80, v3, vm0, $0xb8;
	[tilespmem:$0x18200] =	vst v63  }
0x2cc: {  	s3 =	simm.s32 $0x2200  }
0x2cd: {  	[tilespmem:s3], [sflag:$0x1] =	stream.indirect_vreg.gather [hbm4b:s16+s7], $0x80, v3, vm0, $0xb8;
	[tilespmem:$0x18200] =	vst v63  }
0x2ce: {  	s1 =	simm.s32 $0x2A00  }
0x2cf: {  	[tilespmem:s1], [sflag:$0x1] =	stream.indirect_vreg.gather [hbm4b:s17+s7], $0x80, v3, vm0, $0xb8;
	[tilespmem:$0x18200] =	vst v63  }
0x2d0: {  	v3 =	vld [tilespmem:$0x10];
	_ =	sdelay $0x4  }
0x2d1: {  	v41 =	vshrl.u32 v3, $0x3  }
0x2d2: {  	v4 =	vmul.u32 $0x30, v41  }
0x2d3: {  	v3 =	vand.u32 $0x7, v3  }
0x2d4: {  	v3 =	vor.u32 v3, v4  }
0x2d5: {  	v4 =	vperm.xlane v3, v0;
	_ =	sdelay $0x1  }
0x2d6: {  	v4 =	vadd.s32 v1, v4;
	_ =	sdelay $0x3  }
0x2d7: {  	s2 =	simm.s32 $0x3200;
	v3 =	vperm.xlane v3, v2  }
0x2d8: {  	[tilespmem:s2], [sflag:$0x1] =	stream.indirect_vreg.gather [hbm4b:s4+s7], $0x80, v4, vm0, $0xb8;
	[tilespmem:$0x18200] =	vst v63  }
0x2d9: {  	s3 =	simm.s32 $0x3A00;
	v3 =	vadd.s32 v1, v3  }
0x2da: {  	[tilespmem:s3], [sflag:$0x1] =	stream.indirect_vreg.gather [hbm4b:s16+s7], $0x80, v4, vm0, $0xb8;
	[tilespmem:$0x18200] =	vst v63  }
0x2db: {  	s1 =	simm.s32 $0x4200  }
0x2dc: {  	[tilespmem:s1], [sflag:$0x1] =	stream.indirect_vreg.gather [hbm4b:s17+s7], $0x80, v4, vm0, $0xb8;
	[tilespmem:$0x18200] =	vst v63  }
0x2dd: {  	s2 =	simm.s32 $0x4A00  }
0x2de: {  	[tilespmem:s2], [sflag:$0x1] =	stream.indirect_vreg.gather [hbm4b:s4+s7], $0x80, v3, vm0, $0xb8;
	[tilespmem:$0x18200] =	vst v63  }
0x2df: {  	s3 =	simm.s32 $0x5200  }
0x2e0: {  	[tilespmem:s3], [sflag:$0x1] =	stream.indirect_vreg.gather [hbm4b:s16+s7], $0x80, v3, vm0, $0xb8;
	[tilespmem:$0x18200] =	vst v63  }
0x2e1: {  	s1 =	simm.s32 $0x5A00  }
0x2e2: {  	[tilespmem:s1], [sflag:$0x1] =	stream.indirect_vreg.gather [hbm4b:s17+s7], $0x80, v3, vm0, $0xb8;
	[tilespmem:$0x18200] =	vst v63  }
0x2e3: {  	_ =	swait.ge [sflag:s25], $0x6000  }
0x2e4: {  	s2 =	sld [smem:$0x7DF]  }
0x2e5: {  	[sflag:s25] =	ssyncset.done $0x0  }
0x2e6: {  	s3 =	sld [smem:$0x7E0];
	[sflag:s25] =	ssyncadd.s32 $0xFFFFA000  }
0x2e7: {  	[hbm4b:s2+s7] =	stream.linear.scatter [tilespmem:s6], [sflag:$0x7], $0x6000, $0x38;
	[tilespmem:$0x18200] =	vst v63  }
0x2e8: {  	_ = 	snop  }
0x2e9: {  	[hbm4b:s3+s7] =	stream.linear.scatter [tilespmem:s6], [sflag:$0x7], $0x6000, $0x38;
	[tilespmem:$0x18200] =	vst v63  }
0x2ea: {  	_ =	swait.ge [sflag:s26], $0x6000  }
0x2eb: {  	[sflag:s26] =	ssyncset.done $0x0  }
0x2ec: {  	[sflag:s26] =	ssyncadd.s32 $0xFFFFA000  }
0x2ed: {  	_ =	swait.ge [sflag:s26], $0x6000  }
0x2ee: {  	[sflag:s26] =	ssyncset.done $0x0  }
0x2ef: {  	[sflag:s26] =	ssyncadd.s32 $0xFFFFA000  }
0x2f0: {  	v3 =	vld [tilespmem:$0x80];
	_ =	sdelay $0x4  }
0x2f1: {  	v42 =	vshrl.u32 v3, $0x3  }
0x2f2: {  	v4 =	vmul.u32 $0x30, v42  }
0x2f3: {  	v3 =	vand.u32 $0x7, v3  }
0x2f4: {  	v3 =	vor.u32 v3, v4  }
0x2f5: {  	v4 =	vperm.xlane v3, v0;
	_ =	sdelay $0x1  }
0x2f6: {  	v4 =	vadd.s32 v1, v4;
	_ =	sdelay $0x3  }
0x2f7: {  	v3 =	vperm.xlane v3, v2  }
0x2f8: {  	[tilespmem:s28], [sflag:$0x2] =	stream.indirect_vreg.gather [hbm4b:s4+s7], $0x80, v4, vm0, $0xb8;
	[tilespmem:$0x18200] =	vst v63  }
0x2f9: {  	s2 =	simm.s32 $0x6A00;
	v3 =	vadd.s32 v1, v3  }
0x2fa: {  	[tilespmem:s2], [sflag:$0x2] =	stream.indirect_vreg.gather [hbm4b:s16+s7], $0x80, v4, vm0, $0xb8;
	[tilespmem:$0x18200] =	vst v63  }
0x2fb: {  	s3 =	simm.s32 $0x7200  }
0x2fc: {  	[tilespmem:s3], [sflag:$0x2] =	stream.indirect_vreg.gather [hbm4b:s17+s7], $0x80, v4, vm0, $0xb8;
	[tilespmem:$0x18200] =	vst v63  }
0x2fd: {  	s1 =	simm.s32 $0x7A00  }
0x2fe: {  	[tilespmem:s1], [sflag:$0x2] =	stream.indirect_vreg.gather [hbm4b:s4+s7], $0x80, v3, vm0, $0xb8;
	[tilespmem:$0x18200] =	vst v63  }
0x2ff: {  	s2 =	simm.s32 $0x8200  }
0x300: {  	[tilespmem:s2], [sflag:$0x2] =	stream.indirect_vreg.gather [hbm4b:s16+s7], $0x80, v3, vm0, $0xb8;
	[tilespmem:$0x18200] =	vst v63  }
0x301: {  	s3 =	simm.s32 $0x8A00  }
0x302: {  	[tilespmem:s3], [sflag:$0x2] =	stream.indirect_vreg.gather [hbm4b:s17+s7], $0x80, v3, vm0, $0xb8;
	[tilespmem:$0x18200] =	vst v63  }
0x303: {  	v3 =	vld [tilespmem:$0x90];
	_ =	sdelay $0x4  }
0x304: {  	v43 =	vshrl.u32 v3, $0x3  }
0x305: {  	v4 =	vmul.u32 $0x30, v43  }
0x306: {  	v3 =	vand.u32 $0x7, v3  }
0x307: {  	v3 =	vor.u32 v3, v4  }
0x308: {  	v4 =	vperm.xlane v3, v0;
	_ =	sdelay $0x1  }
0x309: {  	v4 =	vadd.s32 v1, v4;
	_ =	sdelay $0x3  }
0x30a: {  	s1 =	simm.s32 $0x9200;
	v3 =	vperm.xlane v3, v2  }
0x30b: {  	[tilespmem:s1], [sflag:$0x2] =	stream.indirect_vreg.gather [hbm4b:s4+s7], $0x80, v4, vm0, $0xb8;
	[tilespmem:$0x18200] =	vst v63  }
0x30c: {  	s2 =	simm.s32 $0x9A00;
	v3 =	vadd.s32 v1, v3  }
0x30d: {  	[tilespmem:s2], [sflag:$0x2] =	stream.indirect_vreg.gather [hbm4b:s16+s7], $0x80, v4, vm0, $0xb8;
	[tilespmem:$0x18200] =	vst v63  }
0x30e: {  	s3 =	simm.s32 $0xA200  }
0x30f: {  	[tilespmem:s3], [sflag:$0x2] =	stream.indirect_vreg.gather [hbm4b:s17+s7], $0x80, v4, vm0, $0xb8;
	[tilespmem:$0x18200] =	vst v63  }
0x310: {  	s1 =	simm.s32 $0xAA00  }
0x311: {  	[tilespmem:s1], [sflag:$0x2] =	stream.indirect_vreg.gather [hbm4b:s4+s7], $0x80, v3, vm0, $0xb8;
	[tilespmem:$0x18200] =	vst v63  }
0x312: {  	s2 =	simm.s32 $0xB200  }
0x313: {  	[tilespmem:s2], [sflag:$0x2] =	stream.indirect_vreg.gather [hbm4b:s16+s7], $0x80, v3, vm0, $0xb8;
	[tilespmem:$0x18200] =	vst v63  }
0x314: {  	s3 =	simm.s32 $0xBA00  }
0x315: {  	[tilespmem:s3], [sflag:$0x2] =	stream.indirect_vreg.gather [hbm4b:s17+s7], $0x80, v3, vm0, $0xb8;
	[tilespmem:$0x18200] =	vst v63  }
0x316: {  	_ =	swait.ge [sflag:s31], $0x6000  }
0x317: {  	s1 =	sld [smem:$0x7E1]  }
0x318: {  	[sflag:s31] =	ssyncset.done $0x0  }
0x319: {  	s2 =	sld [smem:$0x7E2];
	[sflag:s31] =	ssyncadd.s32 $0xFFFFA000  }
0x31a: {  	[hbm4b:s1+s7] =	stream.linear.scatter [tilespmem:s30], [sflag:$0x8], $0x6000, $0x38;
	[tilespmem:$0x18200] =	vst v63  }
0x31b: {  	_ = 	snop  }
0x31c: {  	[hbm4b:s2+s7] =	stream.linear.scatter [tilespmem:s30], [sflag:$0x8], $0x6000, $0x38;
	[tilespmem:$0x18200] =	vst v63  }
0x31d: {  	_ =	swait.ge [sflag:s23], $0x6000  }
0x31e: {  	[sflag:s23] =	ssyncset.done $0x0  }
0x31f: {  	[sflag:s23] =	ssyncadd.s32 $0xFFFFA000  }
0x320: {  	_ =	swait.ge [sflag:s23], $0x6000  }
0x321: {  	[sflag:s23] =	ssyncset.done $0x0  }
0x322: {  	[sflag:s23] =	ssyncadd.s32 $0xFFFFA000  }
0x323: {  	v3 =	vld [tilespmem:$0x100];
	_ =	sdelay $0x4  }
0x324: {  	v44 =	vshrl.u32 v3, $0x3  }
0x325: {  	v4 =	vmul.u32 $0x30, v44  }
0x326: {  	v3 =	vand.u32 $0x7, v3  }
0x327: {  	v3 =	vor.u32 v3, v4  }
0x328: {  	v4 =	vperm.xlane v3, v0;
	_ =	sdelay $0x1  }
0x329: {  	v4 =	vadd.s32 v1, v4;
	_ =	sdelay $0x3  }
0x32a: {  	v3 =	vperm.xlane v3, v2  }
0x32b: {  	[tilespmem:s6], [sflag:$0x3] =	stream.indirect_vreg.gather [hbm4b:s4+s7], $0x80, v4, vm0, $0xb8;
	[tilespmem:$0x18200] =	vst v63  }
0x32c: {  	s3 =	simm.s32 $0xCA00;
	v3 =	vadd.s32 v1, v3  }
0x32d: {  	[tilespmem:s3], [sflag:$0x3] =	stream.indirect_vreg.gather [hbm4b:s16+s7], $0x80, v4, vm0, $0xb8;
	[tilespmem:$0x18200] =	vst v63  }
0x32e: {  	s1 =	simm.s32 $0xD200  }
0x32f: {  	[tilespmem:s1], [sflag:$0x3] =	stream.indirect_vreg.gather [hbm4b:s17+s7], $0x80, v4, vm0, $0xb8;
	[tilespmem:$0x18200] =	vst v63  }
0x330: {  	s2 =	simm.s32 $0xDA00  }
0x331: {  	[tilespmem:s2], [sflag:$0x3] =	stream.indirect_vreg.gather [hbm4b:s4+s7], $0x80, v3, vm0, $0xb8;
	[tilespmem:$0x18200] =	vst v63  }
0x332: {  	s3 =	simm.s32 $0xE200  }
0x333: {  	[tilespmem:s3], [sflag:$0x3] =	stream.indirect_vreg.gather [hbm4b:s16+s7], $0x80, v3, vm0, $0xb8;
	[tilespmem:$0x18200] =	vst v63  }
0x334: {  	s1 =	simm.s32 $0xEA00  }
0x335: {  	[tilespmem:s1], [sflag:$0x3] =	stream.indirect_vreg.gather [hbm4b:s17+s7], $0x80, v3, vm0, $0xb8;
	[tilespmem:$0x18200] =	vst v63  }
0x336: {  	v3 =	vld [tilespmem:$0x110];
	_ =	sdelay $0x4  }
0x337: {  	v45 =	vshrl.u32 v3, $0x3  }
0x338: {  	v4 =	vmul.u32 $0x30, v45  }
0x339: {  	v3 =	vand.u32 $0x7, v3  }
0x33a: {  	v3 =	vor.u32 v3, v4  }
0x33b: {  	v4 =	vperm.xlane v3, v0;
	_ =	sdelay $0x1  }
0x33c: {  	v4 =	vadd.s32 v1, v4;
	_ =	sdelay $0x3  }
0x33d: {  	s2 =	simm.s32 $0xF200;
	v3 =	vperm.xlane v3, v2  }
0x33e: {  	[tilespmem:s2], [sflag:$0x3] =	stream.indirect_vreg.gather [hbm4b:s4+s7], $0x80, v4, vm0, $0xb8;
	[tilespmem:$0x18200] =	vst v63  }
0x33f: {  	s3 =	simm.s32 $0xFA00;
	v3 =	vadd.s32 v1, v3  }
0x340: {  	[tilespmem:s3], [sflag:$0x3] =	stream.indirect_vreg.gather [hbm4b:s16+s7], $0x80, v4, vm0, $0xb8;
	[tilespmem:$0x18200] =	vst v63  }
0x341: {  	s1 =	simm.s32 $0x10200  }
0x342: {  	[tilespmem:s1], [sflag:$0x3] =	stream.indirect_vreg.gather [hbm4b:s17+s7], $0x80, v4, vm0, $0xb8;
	[tilespmem:$0x18200] =	vst v63  }
0x343: {  	s2 =	simm.s32 $0x10A00  }
0x344: {  	[tilespmem:s2], [sflag:$0x3] =	stream.indirect_vreg.gather [hbm4b:s4+s7], $0x80, v3, vm0, $0xb8;
	[tilespmem:$0x18200] =	vst v63  }
0x345: {  	s3 =	simm.s32 $0x11200  }
0x346: {  	[tilespmem:s3], [sflag:$0x3] =	stream.indirect_vreg.gather [hbm4b:s16+s7], $0x80, v3, vm0, $0xb8;
	[tilespmem:$0x18200] =	vst v63  }
0x347: {  	s1 =	simm.s32 $0x11A00  }
0x348: {  	[tilespmem:s1], [sflag:$0x3] =	stream.indirect_vreg.gather [hbm4b:s17+s7], $0x80, v3, vm0, $0xb8;
	[tilespmem:$0x18200] =	vst v63  }
0x349: {  	_ =	swait.ge [sflag:s29], $0x6000  }
0x34a: {  	s2 =	sld [smem:$0x7E3]  }
0x34b: {  	[sflag:s29] =	ssyncset.done $0x0  }
0x34c: {  	s3 =	sld [smem:$0x7E4];
	[sflag:s29] =	ssyncadd.s32 $0xFFFFA000  }
0x34d: {  	[hbm4b:s2+s7] =	stream.linear.scatter [tilespmem:s24], [sflag:$0x5], $0x6000, $0x38;
	[tilespmem:$0x18200] =	vst v63  }
0x34e: {  	_ = 	snop  }
0x34f: {  	[hbm4b:s3+s7] =	stream.linear.scatter [tilespmem:s24], [sflag:$0x5], $0x6000, $0x38;
	[tilespmem:$0x18200] =	vst v63  }
0x350: {  	_ =	swait.ge [sflag:s22], $0x6000  }
0x351: {  	[sflag:s22] =	ssyncset.done $0x0  }
0x352: {  	[sflag:s22] =	ssyncadd.s32 $0xFFFFA000  }
0x353: {  	_ =	swait.ge [sflag:s22], $0x6000  }
0x354: {  	[sflag:s22] =	ssyncset.done $0x0  }
0x355: {  	[sflag:s22] =	ssyncadd.s32 $0xFFFFA000  }
0x356: {  	v3 =	vld [tilespmem:$0x180];
	_ =	sdelay $0x4  }
0x357: {  	v46 =	vshrl.u32 v3, $0x3  }
0x358: {  	v4 =	vmul.u32 $0x30, v46  }
0x359: {  	v3 =	vand.u32 $0x7, v3  }
0x35a: {  	v3 =	vor.u32 v3, v4  }
0x35b: {  	v4 =	vperm.xlane v3, v0;
	_ =	sdelay $0x1  }
0x35c: {  	v4 =	vadd.s32 v1, v4;
	_ =	sdelay $0x3  }
0x35d: {  	v3 =	vperm.xlane v3, v2  }
0x35e: {  	[tilespmem:s30], [sflag:$0x4] =	stream.indirect_vreg.gather [hbm4b:s4+s7], $0x80, v4, vm0, $0xb8;
	[tilespmem:$0x18200] =	vst v63  }
0x35f: {  	s1 =	simm.s32 $0x12A00;
	v3 =	vadd.s32 v1, v3  }
0x360: {  	[tilespmem:s1], [sflag:$0x4] =	stream.indirect_vreg.gather [hbm4b:s16+s7], $0x80, v4, vm0, $0xb8;
	[tilespmem:$0x18200] =	vst v63  }
0x361: {  	s3 =	simm.s32 $0x13200  }
0x362: {  	[tilespmem:s3], [sflag:$0x4] =	stream.indirect_vreg.gather [hbm4b:s17+s7], $0x80, v4, vm0, $0xb8;
	[tilespmem:$0x18200] =	vst v63  }
0x363: {  	s2 =	simm.s32 $0x13A00  }
0x364: {  	[tilespmem:s2], [sflag:$0x4] =	stream.indirect_vreg.gather [hbm4b:s4+s7], $0x80, v3, vm0, $0xb8;
	[tilespmem:$0x18200] =	vst v63  }
0x365: {  	s5 =	simm.s32 $0x14200  }
0x366: {  	[tilespmem:s5], [sflag:$0x4] =	stream.indirect_vreg.gather [hbm4b:s16+s7], $0x80, v3, vm0, $0xb8;
	[tilespmem:$0x18200] =	vst v63  }
0x367: {  	s5 =	simm.s32 $0x14A00  }
0x368: {  	[tilespmem:s5], [sflag:$0x4] =	stream.indirect_vreg.gather [hbm4b:s17+s7], $0x80, v3, vm0, $0xb8;
	[tilespmem:$0x18200] =	vst v63  }
0x369: {  	v3 =	vld [tilespmem:$0x190];
	_ =	sdelay $0x4  }
0x36a: {  	v47 =	vshrl.u32 v3, $0x3  }
0x36b: {  	v4 =	vmul.u32 $0x30, v47  }
0x36c: {  	v3 =	vand.u32 $0x7, v3  }
0x36d: {  	v3 =	vor.u32 v3, v4  }
0x36e: {  	v4 =	vperm.xlane v3, v0;
	_ =	sdelay $0x1  }
0x36f: {  	v4 =	vadd.s32 v1, v4;
	_ =	sdelay $0x3  }
0x370: {  	s1 =	simm.s32 $0x15200;
	v3 =	vperm.xlane v3, v2  }
0x371: {  	[tilespmem:s1], [sflag:$0x4] =	stream.indirect_vreg.gather [hbm4b:s4+s7], $0x80, v4, vm0, $0xb8;
	[tilespmem:$0x18200] =	vst v63  }
0x372: {  	s5 =	simm.s32 $0x15A00;
	v3 =	vadd.s32 v1, v3  }
0x373: {  	[tilespmem:s5], [sflag:$0x4] =	stream.indirect_vreg.gather [hbm4b:s16+s7], $0x80, v4, vm0, $0xb8;
	[tilespmem:$0x18200] =	vst v63  }
0x374: {  	s2 =	simm.s32 $0x16200  }
0x375: {  	[tilespmem:s2], [sflag:$0x4] =	stream.indirect_vreg.gather [hbm4b:s17+s7], $0x80, v4, vm0, $0xb8;
	[tilespmem:$0x18200] =	vst v63  }
0x376: {  	s2 =	simm.s32 $0x16A00  }
0x377: {  	[tilespmem:s2], [sflag:$0x4] =	stream.indirect_vreg.gather [hbm4b:s4+s7], $0x80, v3, vm0, $0xb8;
	[tilespmem:$0x18200] =	vst v63  }
0x378: {  	s1 =	simm.s32 $0x17200  }
0x379: {  	[tilespmem:s1], [sflag:$0x4] =	stream.indirect_vreg.gather [hbm4b:s16+s7], $0x80, v3, vm0, $0xb8;
	[tilespmem:$0x18200] =	vst v63  }
0x37a: {  	s4 =	simm.s32 $0x17A00  }
0x37b: {  	[tilespmem:s4], [sflag:$0x4] =	stream.indirect_vreg.gather [hbm4b:s17+s7], $0x80, v3, vm0, $0xb8;
	[tilespmem:$0x18200] =	vst v63  }
0x37c: {  	_ =	swait.ge [sflag:s8], $0x6000  }
0x37d: {  	s1 =	sld [smem:$0x7E5]  }
0x37e: {  	[sflag:s8] =	ssyncset.done $0x0  }
0x37f: {  	s4 =	sld [smem:$0x7E6];
	[sflag:s8] =	ssyncadd.s32 $0xFFFFA000  }
0x380: {  	[hbm4b:s1+s7] =	stream.linear.scatter [tilespmem:s28], [sflag:$0x6], $0x6000, $0x38;
	[tilespmem:$0x18200] =	vst v63  }
0x381: {  	_ = 	snop  }
0x382: {  	[hbm4b:s4+s7] =	stream.linear.scatter [tilespmem:s28], [sflag:$0x6], $0x6000, $0x38;
	[tilespmem:$0x18200] =	vst v63  }
0x383: {  	_ =	swait.ge [sflag:s9], $0x6000  }
0x384: {  	[sflag:s9] =	ssyncset.done $0x0  }
0x385: {  	[sflag:s9] =	ssyncadd.s32 $0xFFFFA000  }
0x386: {  	_ =	swait.ge [sflag:s9], $0x6000  }
0x387: {  	[sflag:s9] =	ssyncset.done $0x0  }
0x388: {  	[sflag:s9] =	ssyncadd.s32 $0xFFFFA000  }
0x389: {  	v3 =	vld [tilespmem:$0x0];
	_ =	sdelay $0x4  }
0x38a: {  	v48 =	vshrl.u32 v3, $0x3  }
0x38b: {  	v4 =	vmul.u32 $0x30, v48  }
0x38c: {  	v3 =	vand.u32 $0x7, v3  }
0x38d: {  	v3 =	vor.u32 v3, v4  }
0x38e: {  	v4 =	vperm.xlane v3, v0;
	_ =	sdelay $0x1  }
0x38f: {  	v4 =	vadd.s32 v1, v4;
	_ =	sdelay $0x3  }
0x390: {  	s4 =	rddreg [dreg:$0x5];
	v3 =	vperm.xlane v3, v2  }
0x391: {  	[tilespmem:s24], [sflag:$0x1] =	stream.indirect_vreg.gather [hbm4b:s4+s7], $0x80, v4, vm0, $0xb8;
	[tilespmem:$0x18200] =	vst v63  }
0x392: {  	s1 =	simm.s32 $0xA00;
	v3 =	vadd.s32 v1, v3  }
0x393: {  	[tilespmem:s1], [sflag:$0x1] =	stream.indirect_vreg.gather [hbm4b:s18+s7], $0x80, v4, vm0, $0xb8;
	[tilespmem:$0x18200] =	vst v63  }
0x394: {  	s1 =	simm.s32 $0x1200  }
0x395: {  	[tilespmem:s1], [sflag:$0x1] =	stream.indirect_vreg.gather [hbm4b:s19+s7], $0x80, v4, vm0, $0xb8;
	[tilespmem:$0x18200] =	vst v63  }
0x396: {  	s1 =	simm.s32 $0x1A00  }
0x397: {  	[tilespmem:s1], [sflag:$0x1] =	stream.indirect_vreg.gather [hbm4b:s4+s7], $0x80, v3, vm0, $0xb8;
	[tilespmem:$0x18200] =	vst v63  }
0x398: {  	s1 =	simm.s32 $0x2200  }
0x399: {  	[tilespmem:s1], [sflag:$0x1] =	stream.indirect_vreg.gather [hbm4b:s18+s7], $0x80, v3, vm0, $0xb8;
	[tilespmem:$0x18200] =	vst v63  }
0x39a: {  	s1 =	simm.s32 $0x2A00  }
0x39b: {  	[tilespmem:s1], [sflag:$0x1] =	stream.indirect_vreg.gather [hbm4b:s19+s7], $0x80, v3, vm0, $0xb8;
	[tilespmem:$0x18200] =	vst v63  }
0x39c: {  	v3 =	vld [tilespmem:$0x10];
	_ =	sdelay $0x4  }
0x39d: {  	v49 =	vshrl.u32 v3, $0x3  }
0x39e: {  	v4 =	vmul.u32 $0x30, v49  }
0x39f: {  	v3 =	vand.u32 $0x7, v3  }
0x3a0: {  	v3 =	vor.u32 v3, v4  }
0x3a1: {  	v4 =	vperm.xlane v3, v0;
	_ =	sdelay $0x1  }
0x3a2: {  	v4 =	vadd.s32 v1, v4;
	_ =	sdelay $0x3  }
0x3a3: {  	s1 =	simm.s32 $0x3200;
	v3 =	vperm.xlane v3, v2  }
0x3a4: {  	[tilespmem:s1], [sflag:$0x1] =	stream.indirect_vreg.gather [hbm4b:s4+s7], $0x80, v4, vm0, $0xb8;
	[tilespmem:$0x18200] =	vst v63  }
0x3a5: {  	v3 =	vadd.s32 v1, v3;
	s1 =	simm.s32 $0x3A00  }
0x3a6: {  	[tilespmem:s1], [sflag:$0x1] =	stream.indirect_vreg.gather [hbm4b:s18+s7], $0x80, v4, vm0, $0xb8;
	[tilespmem:$0x18200] =	vst v63  }
0x3a7: {  	s1 =	simm.s32 $0x4200  }
0x3a8: {  	[tilespmem:s1], [sflag:$0x1] =	stream.indirect_vreg.gather [hbm4b:s19+s7], $0x80, v4, vm0, $0xb8;
	[tilespmem:$0x18200] =	vst v63  }
0x3a9: {  	s1 =	simm.s32 $0x4A00  }
0x3aa: {  	[tilespmem:s1], [sflag:$0x1] =	stream.indirect_vreg.gather [hbm4b:s4+s7], $0x80, v3, vm0, $0xb8;
	[tilespmem:$0x18200] =	vst v63  }
0x3ab: {  	s1 =	simm.s32 $0x5200  }
0x3ac: {  	[tilespmem:s1], [sflag:$0x1] =	stream.indirect_vreg.gather [hbm4b:s18+s7], $0x80, v3, vm0, $0xb8;
	[tilespmem:$0x18200] =	vst v63  }
0x3ad: {  	s1 =	simm.s32 $0x5A00  }
0x3ae: {  	[tilespmem:s1], [sflag:$0x1] =	stream.indirect_vreg.gather [hbm4b:s19+s7], $0x80, v3, vm0, $0xb8;
	[tilespmem:$0x18200] =	vst v63  }
0x3af: {  	_ =	swait.ge [sflag:s25], $0x6000  }
0x3b0: {  	s0 =	sld [smem:$0x7E7]  }
0x3b1: {  	[sflag:s25] =	ssyncset.done $0x0  }
0x3b2: {  	s1 =	sld [smem:$0x7E8];
	[sflag:s25] =	ssyncadd.s32 $0xFFFFA000  }
0x3b3: {  	[hbm4b:s0+s7] =	stream.linear.scatter [tilespmem:s6], [sflag:$0x7], $0x6000, $0x38;
	[tilespmem:$0x18200] =	vst v63  }
0x3b4: {  	_ = 	snop  }
0x3b5: {  	[hbm4b:s1+s7] =	stream.linear.scatter [tilespmem:s6], [sflag:$0x7], $0x6000, $0x38;
	[tilespmem:$0x18200] =	vst v63  }
0x3b6: {  	_ =	swait.ge [sflag:s26], $0x6000  }
0x3b7: {  	[sflag:s26] =	ssyncset.done $0x0  }
0x3b8: {  	[sflag:s26] =	ssyncadd.s32 $0xFFFFA000  }
0x3b9: {  	_ =	swait.ge [sflag:s26], $0x6000  }
0x3ba: {  	[sflag:s26] =	ssyncset.done $0x0  }
0x3bb: {  	[sflag:s26] =	ssyncadd.s32 $0xFFFFA000  }
0x3bc: {  	v3 =	vld [tilespmem:$0x80];
	_ =	sdelay $0x4  }
0x3bd: {  	v50 =	vshrl.u32 v3, $0x3  }
0x3be: {  	v4 =	vmul.u32 $0x30, v50  }
0x3bf: {  	v3 =	vand.u32 $0x7, v3  }
0x3c0: {  	v3 =	vor.u32 v3, v4  }
0x3c1: {  	v4 =	vperm.xlane v3, v0;
	_ =	sdelay $0x1  }
0x3c2: {  	v4 =	vadd.s32 v1, v4;
	_ =	sdelay $0x3  }
0x3c3: {  	v3 =	vperm.xlane v3, v2  }
0x3c4: {  	[tilespmem:s28], [sflag:$0x2] =	stream.indirect_vreg.gather [hbm4b:s4+s7], $0x80, v4, vm0, $0xb8;
	[tilespmem:$0x18200] =	vst v63  }
0x3c5: {  	s1 =	simm.s32 $0x6A00;
	v3 =	vadd.s32 v1, v3  }
0x3c6: {  	[tilespmem:s1], [sflag:$0x2] =	stream.indirect_vreg.gather [hbm4b:s18+s7], $0x80, v4, vm0, $0xb8;
	[tilespmem:$0x18200] =	vst v63  }
0x3c7: {  	s1 =	simm.s32 $0x7200  }
0x3c8: {  	[tilespmem:s1], [sflag:$0x2] =	stream.indirect_vreg.gather [hbm4b:s19+s7], $0x80, v4, vm0, $0xb8;
	[tilespmem:$0x18200] =	vst v63  }
0x3c9: {  	s1 =	simm.s32 $0x7A00  }
0x3ca: {  	[tilespmem:s1], [sflag:$0x2] =	stream.indirect_vreg.gather [hbm4b:s4+s7], $0x80, v3, vm0, $0xb8;
	[tilespmem:$0x18200] =	vst v63  }
0x3cb: {  	s1 =	simm.s32 $0x8200  }
0x3cc: {  	[tilespmem:s1], [sflag:$0x2] =	stream.indirect_vreg.gather [hbm4b:s18+s7], $0x80, v3, vm0, $0xb8;
	[tilespmem:$0x18200] =	vst v63  }
0x3cd: {  	s1 =	simm.s32 $0x8A00  }
0x3ce: {  	[tilespmem:s1], [sflag:$0x2] =	stream.indirect_vreg.gather [hbm4b:s19+s7], $0x80, v3, vm0, $0xb8;
	[tilespmem:$0x18200] =	vst v63  }
0x3cf: {  	v3 =	vld [tilespmem:$0x90];
	_ =	sdelay $0x4  }
0x3d0: {  	v51 =	vshrl.u32 v3, $0x3  }
0x3d1: {  	v4 =	vmul.u32 $0x30, v51  }
0x3d2: {  	v3 =	vand.u32 $0x7, v3  }
0x3d3: {  	v3 =	vor.u32 v3, v4  }
0x3d4: {  	v4 =	vperm.xlane v3, v0;
	_ =	sdelay $0x1  }
0x3d5: {  	v4 =	vadd.s32 v1, v4;
	_ =	sdelay $0x3  }
0x3d6: {  	s1 =	simm.s32 $0x9200;
	v3 =	vperm.xlane v3, v2  }
0x3d7: {  	[tilespmem:s1], [sflag:$0x2] =	stream.indirect_vreg.gather [hbm4b:s4+s7], $0x80, v4, vm0, $0xb8;
	[tilespmem:$0x18200] =	vst v63  }
0x3d8: {  	v3 =	vadd.s32 v1, v3;
	s1 =	simm.s32 $0x9A00  }
0x3d9: {  	[tilespmem:s1], [sflag:$0x2] =	stream.indirect_vreg.gather [hbm4b:s18+s7], $0x80, v4, vm0, $0xb8;
	[tilespmem:$0x18200] =	vst v63  }
0x3da: {  	s1 =	simm.s32 $0xA200  }
0x3db: {  	[tilespmem:s1], [sflag:$0x2] =	stream.indirect_vreg.gather [hbm4b:s19+s7], $0x80, v4, vm0, $0xb8;
	[tilespmem:$0x18200] =	vst v63  }
0x3dc: {  	s1 =	simm.s32 $0xAA00  }
0x3dd: {  	[tilespmem:s1], [sflag:$0x2] =	stream.indirect_vreg.gather [hbm4b:s4+s7], $0x80, v3, vm0, $0xb8;
	[tilespmem:$0x18200] =	vst v63  }
0x3de: {  	s1 =	simm.s32 $0xB200  }
0x3df: {  	[tilespmem:s1], [sflag:$0x2] =	stream.indirect_vreg.gather [hbm4b:s18+s7], $0x80, v3, vm0, $0xb8;
	[tilespmem:$0x18200] =	vst v63  }
0x3e0: {  	s1 =	simm.s32 $0xBA00  }
0x3e1: {  	[tilespmem:s1], [sflag:$0x2] =	stream.indirect_vreg.gather [hbm4b:s19+s7], $0x80, v3, vm0, $0xb8;
	[tilespmem:$0x18200] =	vst v63  }
0x3e2: {  	_ =	swait.ge [sflag:s31], $0x6000  }
0x3e3: {  	s0 =	sld [smem:$0x7E9]  }
0x3e4: {  	[sflag:s31] =	ssyncset.done $0x0  }
0x3e5: {  	s1 =	sld [smem:$0x7EA];
	[sflag:s31] =	ssyncadd.s32 $0xFFFFA000  }
0x3e6: {  	[hbm4b:s0+s7] =	stream.linear.scatter [tilespmem:s30], [sflag:$0x8], $0x6000, $0x38;
	[tilespmem:$0x18200] =	vst v63  }
0x3e7: {  	_ = 	snop  }
0x3e8: {  	[hbm4b:s1+s7] =	stream.linear.scatter [tilespmem:s30], [sflag:$0x8], $0x6000, $0x38;
	[tilespmem:$0x18200] =	vst v63  }
0x3e9: {  	_ =	swait.ge [sflag:s23], $0x6000  }
0x3ea: {  	[sflag:s23] =	ssyncset.done $0x0  }
0x3eb: {  	[sflag:s23] =	ssyncadd.s32 $0xFFFFA000  }
0x3ec: {  	_ =	swait.ge [sflag:s23], $0x6000  }
0x3ed: {  	[sflag:s23] =	ssyncset.done $0x0  }
0x3ee: {  	[sflag:s23] =	ssyncadd.s32 $0xFFFFA000  }
0x3ef: {  	v3 =	vld [tilespmem:$0x100];
	_ =	sdelay $0x4  }
0x3f0: {  	v52 =	vshrl.u32 v3, $0x3  }
0x3f1: {  	v4 =	vmul.u32 $0x30, v52  }
0x3f2: {  	v3 =	vand.u32 $0x7, v3  }
0x3f3: {  	v3 =	vor.u32 v3, v4  }
0x3f4: {  	v4 =	vperm.xlane v3, v0;
	_ =	sdelay $0x1  }
0x3f5: {  	v4 =	vadd.s32 v1, v4;
	_ =	sdelay $0x3  }
0x3f6: {  	v3 =	vperm.xlane v3, v2  }
0x3f7: {  	[tilespmem:s6], [sflag:$0x3] =	stream.indirect_vreg.gather [hbm4b:s4+s7], $0x80, v4, vm0, $0xb8;
	[tilespmem:$0x18200] =	vst v63  }
0x3f8: {  	s1 =	simm.s32 $0xCA00;
	v3 =	vadd.s32 v1, v3  }
0x3f9: {  	[tilespmem:s1], [sflag:$0x3] =	stream.indirect_vreg.gather [hbm4b:s18+s7], $0x80, v4, vm0, $0xb8;
	[tilespmem:$0x18200] =	vst v63  }
0x3fa: {  	s1 =	simm.s32 $0xD200  }
0x3fb: {  	[tilespmem:s1], [sflag:$0x3] =	stream.indirect_vreg.gather [hbm4b:s19+s7], $0x80, v4, vm0, $0xb8;
	[tilespmem:$0x18200] =	vst v63  }
0x3fc: {  	s1 =	simm.s32 $0xDA00  }
0x3fd: {  	[tilespmem:s1], [sflag:$0x3] =	stream.indirect_vreg.gather [hbm4b:s4+s7], $0x80, v3, vm0, $0xb8;
	[tilespmem:$0x18200] =	vst v63  }
0x3fe: {  	s1 =	simm.s32 $0xE200  }
0x3ff: {  	[tilespmem:s1], [sflag:$0x3] =	stream.indirect_vreg.gather [hbm4b:s18+s7], $0x80, v3, vm0, $0xb8;
	[tilespmem:$0x18200] =	vst v63  }
0x400: {  	s1 =	simm.s32 $0xEA00  }
0x401: {  	[tilespmem:s1], [sflag:$0x3] =	stream.indirect_vreg.gather [hbm4b:s19+s7], $0x80, v3, vm0, $0xb8;
	[tilespmem:$0x18200] =	vst v63  }
0x402: {  	v3 =	vld [tilespmem:$0x110];
	_ =	sdelay $0x4  }
0x403: {  	v53 =	vshrl.u32 v3, $0x3  }
0x404: {  	v4 =	vmul.u32 $0x30, v53  }
0x405: {  	v3 =	vand.u32 $0x7, v3  }
0x406: {  	v3 =	vor.u32 v3, v4  }
0x407: {  	v4 =	vperm.xlane v3, v0;
	_ =	sdelay $0x1  }
0x408: {  	v4 =	vadd.s32 v1, v4;
	_ =	sdelay $0x3  }
0x409: {  	s1 =	simm.s32 $0xF200;
	v3 =	vperm.xlane v3, v2  }
0x40a: {  	[tilespmem:s1], [sflag:$0x3] =	stream.indirect_vreg.gather [hbm4b:s4+s7], $0x80, v4, vm0, $0xb8;
	[tilespmem:$0x18200] =	vst v63  }
0x40b: {  	v3 =	vadd.s32 v1, v3;
	s1 =	simm.s32 $0xFA00  }
0x40c: {  	[tilespmem:s1], [sflag:$0x3] =	stream.indirect_vreg.gather [hbm4b:s18+s7], $0x80, v4, vm0, $0xb8;
	[tilespmem:$0x18200] =	vst v63  }
0x40d: {  	s1 =	simm.s32 $0x10200  }
0x40e: {  	[tilespmem:s1], [sflag:$0x3] =	stream.indirect_vreg.gather [hbm4b:s19+s7], $0x80, v4, vm0, $0xb8;
	[tilespmem:$0x18200] =	vst v63  }
0x40f: {  	s1 =	simm.s32 $0x10A00  }
0x410: {  	[tilespmem:s1], [sflag:$0x3] =	stream.indirect_vreg.gather [hbm4b:s4+s7], $0x80, v3, vm0, $0xb8;
	[tilespmem:$0x18200] =	vst v63  }
0x411: {  	s1 =	simm.s32 $0x11200  }
0x412: {  	[tilespmem:s1], [sflag:$0x3] =	stream.indirect_vreg.gather [hbm4b:s18+s7], $0x80, v3, vm0, $0xb8;
	[tilespmem:$0x18200] =	vst v63  }
0x413: {  	s1 =	simm.s32 $0x11A00  }
0x414: {  	[tilespmem:s1], [sflag:$0x3] =	stream.indirect_vreg.gather [hbm4b:s19+s7], $0x80, v3, vm0, $0xb8;
	[tilespmem:$0x18200] =	vst v63  }
0x415: {  	_ =	swait.ge [sflag:s29], $0x6000  }
0x416: {  	s0 =	sld [smem:$0x7EB]  }
0x417: {  	[sflag:s29] =	ssyncset.done $0x0  }
0x418: {  	s1 =	sld [smem:$0x7EC];
	[sflag:s29] =	ssyncadd.s32 $0xFFFFA000  }
0x419: {  	[hbm4b:s0+s7] =	stream.linear.scatter [tilespmem:s24], [sflag:$0x5], $0x6000, $0x38;
	[tilespmem:$0x18200] =	vst v63  }
0x41a: {  	_ = 	snop  }
0x41b: {  	[hbm4b:s1+s7] =	stream.linear.scatter [tilespmem:s24], [sflag:$0x5], $0x6000, $0x38;
	[tilespmem:$0x18200] =	vst v63  }
0x41c: {  	_ =	swait.ge [sflag:s22], $0x6000  }
0x41d: {  	[sflag:s22] =	ssyncset.done $0x0  }
0x41e: {  	[sflag:s22] =	ssyncadd.s32 $0xFFFFA000  }
0x41f: {  	_ =	swait.ge [sflag:s22], $0x6000  }
0x420: {  	[sflag:s22] =	ssyncset.done $0x0  }
0x421: {  	[sflag:s22] =	ssyncadd.s32 $0xFFFFA000  }
0x422: {  	v3 =	vld [tilespmem:$0x180];
	_ =	sdelay $0x4  }
0x423: {  	v54 =	vshrl.u32 v3, $0x3  }
0x424: {  	v4 =	vmul.u32 $0x30, v54  }
0x425: {  	v3 =	vand.u32 $0x7, v3  }
0x426: {  	v3 =	vor.u32 v3, v4  }
0x427: {  	v4 =	vperm.xlane v3, v0;
	_ =	sdelay $0x1  }
0x428: {  	v4 =	vadd.s32 v1, v4;
	_ =	sdelay $0x3  }
0x429: {  	v3 =	vperm.xlane v3, v2  }
0x42a: {  	[tilespmem:s30], [sflag:$0x4] =	stream.indirect_vreg.gather [hbm4b:s4+s7], $0x80, v4, vm0, $0xb8;
	[tilespmem:$0x18200] =	vst v63  }
0x42b: {  	s1 =	simm.s32 $0x12A00;
	v3 =	vadd.s32 v1, v3  }
0x42c: {  	[tilespmem:s1], [sflag:$0x4] =	stream.indirect_vreg.gather [hbm4b:s18+s7], $0x80, v4, vm0, $0xb8;
	[tilespmem:$0x18200] =	vst v63  }
0x42d: {  	_ = 	snop  }
0x42e: {  	[tilespmem:s3], [sflag:$0x4] =	stream.indirect_vreg.gather [hbm4b:s19+s7], $0x80, v4, vm0, $0xb8;
	[tilespmem:$0x18200] =	vst v63  }
0x42f: {  	s1 =	simm.s32 $0x13A00  }
0x430: {  	[tilespmem:s1], [sflag:$0x4] =	stream.indirect_vreg.gather [hbm4b:s4+s7], $0x80, v3, vm0, $0xb8;
	[tilespmem:$0x18200] =	vst v63  }
0x431: {  	s1 =	simm.s32 $0x14200  }
0x432: {  	[tilespmem:s1], [sflag:$0x4] =	stream.indirect_vreg.gather [hbm4b:s18+s7], $0x80, v3, vm0, $0xb8;
	[tilespmem:$0x18200] =	vst v63  }
0x433: {  	s1 =	simm.s32 $0x14A00  }
0x434: {  	[tilespmem:s1], [sflag:$0x4] =	stream.indirect_vreg.gather [hbm4b:s19+s7], $0x80, v3, vm0, $0xb8;
	[tilespmem:$0x18200] =	vst v63  }
0x435: {  	v3 =	vld [tilespmem:$0x190];
	_ =	sdelay $0x4  }
0x436: {  	v55 =	vshrl.u32 v3, $0x3  }
0x437: {  	v4 =	vmul.u32 $0x30, v55  }
0x438: {  	v3 =	vand.u32 $0x7, v3  }
0x439: {  	v3 =	vor.u32 v3, v4  }
0x43a: {  	v4 =	vperm.xlane v3, v0;
	_ =	sdelay $0x1  }
0x43b: {  	v4 =	vadd.s32 v1, v4;
	_ =	sdelay $0x3  }
0x43c: {  	s1 =	simm.s32 $0x15200;
	v3 =	vperm.xlane v3, v2  }
0x43d: {  	[tilespmem:s1], [sflag:$0x4] =	stream.indirect_vreg.gather [hbm4b:s4+s7], $0x80, v4, vm0, $0xb8;
	[tilespmem:$0x18200] =	vst v63  }
0x43e: {  	v3 =	vadd.s32 v1, v3  }
0x43f: {  	[tilespmem:s5], [sflag:$0x4] =	stream.indirect_vreg.gather [hbm4b:s18+s7], $0x80, v4, vm0, $0xb8;
	[tilespmem:$0x18200] =	vst v63  }
0x440: {  	s1 =	simm.s32 $0x16200  }
0x441: {  	[tilespmem:s1], [sflag:$0x4] =	stream.indirect_vreg.gather [hbm4b:s19+s7], $0x80, v4, vm0, $0xb8;
	[tilespmem:$0x18200] =	vst v63  }
0x442: {  	_ = 	snop  }
0x443: {  	[tilespmem:s2], [sflag:$0x4] =	stream.indirect_vreg.gather [hbm4b:s4+s7], $0x80, v3, vm0, $0xb8;
	[tilespmem:$0x18200] =	vst v63  }
0x444: {  	s1 =	simm.s32 $0x17200  }
0x445: {  	[tilespmem:s1], [sflag:$0x4] =	stream.indirect_vreg.gather [hbm4b:s18+s7], $0x80, v3, vm0, $0xb8;
	[tilespmem:$0x18200] =	vst v63  }
0x446: {  	s4 =	simm.s32 $0x17A00  }
0x447: {  	[tilespmem:s4], [sflag:$0x4] =	stream.indirect_vreg.gather [hbm4b:s19+s7], $0x80, v3, vm0, $0xb8;
	[tilespmem:$0x18200] =	vst v63  }
0x448: {  	_ =	swait.ge [sflag:s8], $0x6000  }
0x449: {  	s1 =	sld [smem:$0x7ED]  }
0x44a: {  	[sflag:s8] =	ssyncset.done $0x0  }
0x44b: {  	s4 =	sld [smem:$0x7EE];
	[sflag:s8] =	ssyncadd.s32 $0xFFFFA000  }
0x44c: {  	[hbm4b:s1+s7] =	stream.linear.scatter [tilespmem:s28], [sflag:$0x6], $0x6000, $0x38;
	[tilespmem:$0x18200] =	vst v63  }
0x44d: {  	_ = 	snop  }
0x44e: {  	[hbm4b:s4+s7] =	stream.linear.scatter [tilespmem:s28], [sflag:$0x6], $0x6000, $0x38;
	[tilespmem:$0x18200] =	vst v63  }
0x44f: {  	_ =	swait.ge [sflag:s9], $0x6000  }
0x450: {  	[sflag:s9] =	ssyncset.done $0x0  }
0x451: {  	[sflag:s9] =	ssyncadd.s32 $0xFFFFA000  }
0x452: {  	_ =	swait.ge [sflag:s9], $0x6000  }
0x453: {  	[sflag:s9] =	ssyncset.done $0x0  }
0x454: {  	[sflag:s9] =	ssyncadd.s32 $0xFFFFA000  }
0x455: {  	v3 =	vld [tilespmem:$0x0];
	_ =	sdelay $0x4  }
0x456: {  	v56 =	vshrl.u32 v3, $0x3  }
0x457: {  	v4 =	vmul.u32 $0x30, v56  }
0x458: {  	v3 =	vand.u32 $0x7, v3  }
0x459: {  	v3 =	vor.u32 v3, v4  }
0x45a: {  	v4 =	vperm.xlane v3, v0;
	_ =	sdelay $0x1  }
0x45b: {  	v4 =	vadd.s32 v1, v4;
	_ =	sdelay $0x3  }
0x45c: {  	s4 =	rddreg [dreg:$0x6];
	v3 =	vperm.xlane v3, v2  }
0x45d: {  	[tilespmem:s24], [sflag:$0x1] =	stream.indirect_vreg.gather [hbm4b:s4+s7], $0x80, v4, vm0, $0xb8;
	[tilespmem:$0x18200] =	vst v63  }
0x45e: {  	s1 =	simm.s32 $0xA00;
	v3 =	vadd.s32 v1, v3  }
0x45f: {  	[tilespmem:s1], [sflag:$0x1] =	stream.indirect_vreg.gather [hbm4b:s20+s7], $0x80, v4, vm0, $0xb8;
	[tilespmem:$0x18200] =	vst v63  }
0x460: {  	s1 =	simm.s32 $0x1200  }
0x461: {  	[tilespmem:s1], [sflag:$0x1] =	stream.indirect_vreg.gather [hbm4b:s21+s7], $0x80, v4, vm0, $0xb8;
	[tilespmem:$0x18200] =	vst v63  }
0x462: {  	s1 =	simm.s32 $0x1A00  }
0x463: {  	[tilespmem:s1], [sflag:$0x1] =	stream.indirect_vreg.gather [hbm4b:s4+s7], $0x80, v3, vm0, $0xb8;
	[tilespmem:$0x18200] =	vst v63  }
0x464: {  	s1 =	simm.s32 $0x2200  }
0x465: {  	[tilespmem:s1], [sflag:$0x1] =	stream.indirect_vreg.gather [hbm4b:s20+s7], $0x80, v3, vm0, $0xb8;
	[tilespmem:$0x18200] =	vst v63  }
0x466: {  	s1 =	simm.s32 $0x2A00  }
0x467: {  	[tilespmem:s1], [sflag:$0x1] =	stream.indirect_vreg.gather [hbm4b:s21+s7], $0x80, v3, vm0, $0xb8;
	[tilespmem:$0x18200] =	vst v63  }
0x468: {  	v3 =	vld [tilespmem:$0x10];
	_ =	sdelay $0x4  }
0x469: {  	v57 =	vshrl.u32 v3, $0x3  }
0x46a: {  	v4 =	vmul.u32 $0x30, v57  }
0x46b: {  	v3 =	vand.u32 $0x7, v3  }
0x46c: {  	v3 =	vor.u32 v3, v4  }
0x46d: {  	v4 =	vperm.xlane v3, v0;
	_ =	sdelay $0x1  }
0x46e: {  	v4 =	vadd.s32 v1, v4;
	_ =	sdelay $0x3  }
0x46f: {  	s1 =	simm.s32 $0x3200;
	v3 =	vperm.xlane v3, v2  }
0x470: {  	[tilespmem:s1], [sflag:$0x1] =	stream.indirect_vreg.gather [hbm4b:s4+s7], $0x80, v4, vm0, $0xb8;
	[tilespmem:$0x18200] =	vst v63  }
0x471: {  	v3 =	vadd.s32 v1, v3;
	s1 =	simm.s32 $0x3A00  }
0x472: {  	[tilespmem:s1], [sflag:$0x1] =	stream.indirect_vreg.gather [hbm4b:s20+s7], $0x80, v4, vm0, $0xb8;
	[tilespmem:$0x18200] =	vst v63  }
0x473: {  	s1 =	simm.s32 $0x4200  }
0x474: {  	[tilespmem:s1], [sflag:$0x1] =	stream.indirect_vreg.gather [hbm4b:s21+s7], $0x80, v4, vm0, $0xb8;
	[tilespmem:$0x18200] =	vst v63  }
0x475: {  	s1 =	simm.s32 $0x4A00  }
0x476: {  	[tilespmem:s1], [sflag:$0x1] =	stream.indirect_vreg.gather [hbm4b:s4+s7], $0x80, v3, vm0, $0xb8;
	[tilespmem:$0x18200] =	vst v63  }
0x477: {  	s1 =	simm.s32 $0x5200  }
0x478: {  	[tilespmem:s1], [sflag:$0x1] =	stream.indirect_vreg.gather [hbm4b:s20+s7], $0x80, v3, vm0, $0xb8;
	[tilespmem:$0x18200] =	vst v63  }
0x479: {  	s1 =	simm.s32 $0x5A00  }
0x47a: {  	[tilespmem:s1], [sflag:$0x1] =	stream.indirect_vreg.gather [hbm4b:s21+s7], $0x80, v3, vm0, $0xb8;
	[tilespmem:$0x18200] =	vst v63  }
0x47b: {  	_ =	swait.ge [sflag:s25], $0x6000  }
0x47c: {  	s0 =	sld [smem:$0x7EF]  }
0x47d: {  	[sflag:s25] =	ssyncset.done $0x0  }
0x47e: {  	s1 =	sld [smem:$0x7F0];
	[sflag:s25] =	ssyncadd.s32 $0xFFFFA000  }
0x47f: {  	[hbm4b:s0+s7] =	stream.linear.scatter [tilespmem:s6], [sflag:$0x7], $0x6000, $0x38;
	[tilespmem:$0x18200] =	vst v63  }
0x480: {  	_ = 	snop  }
0x481: {  	[hbm4b:s1+s7] =	stream.linear.scatter [tilespmem:s6], [sflag:$0x7], $0x6000, $0x38;
	[tilespmem:$0x18200] =	vst v63  }
0x482: {  	_ =	swait.ge [sflag:s26], $0x6000  }
0x483: {  	[sflag:s26] =	ssyncset.done $0x0  }
0x484: {  	[sflag:s26] =	ssyncadd.s32 $0xFFFFA000  }
0x485: {  	_ =	swait.ge [sflag:s26], $0x6000  }
0x486: {  	[sflag:s26] =	ssyncset.done $0x0  }
0x487: {  	[sflag:s26] =	ssyncadd.s32 $0xFFFFA000  }
0x488: {  	v3 =	vld [tilespmem:$0x80];
	_ =	sdelay $0x4  }
0x489: {  	v58 =	vshrl.u32 v3, $0x3  }
0x48a: {  	v4 =	vmul.u32 $0x30, v58  }
0x48b: {  	v3 =	vand.u32 $0x7, v3  }
0x48c: {  	v3 =	vor.u32 v3, v4  }
0x48d: {  	v4 =	vperm.xlane v3, v0;
	_ =	sdelay $0x1  }
0x48e: {  	v4 =	vadd.s32 v1, v4;
	_ =	sdelay $0x3  }
0x48f: {  	v3 =	vperm.xlane v3, v2  }
0x490: {  	[tilespmem:s28], [sflag:$0x2] =	stream.indirect_vreg.gather [hbm4b:s4+s7], $0x80, v4, vm0, $0xb8;
	[tilespmem:$0x18200] =	vst v63  }
0x491: {  	s1 =	simm.s32 $0x6A00;
	v3 =	vadd.s32 v1, v3  }
0x492: {  	[tilespmem:s1], [sflag:$0x2] =	stream.indirect_vreg.gather [hbm4b:s20+s7], $0x80, v4, vm0, $0xb8;
	[tilespmem:$0x18200] =	vst v63  }
0x493: {  	s1 =	simm.s32 $0x7200  }
0x494: {  	[tilespmem:s1], [sflag:$0x2] =	stream.indirect_vreg.gather [hbm4b:s21+s7], $0x80, v4, vm0, $0xb8;
	[tilespmem:$0x18200] =	vst v63  }
0x495: {  	s1 =	simm.s32 $0x7A00  }
0x496: {  	[tilespmem:s1], [sflag:$0x2] =	stream.indirect_vreg.gather [hbm4b:s4+s7], $0x80, v3, vm0, $0xb8;
	[tilespmem:$0x18200] =	vst v63  }
0x497: {  	s1 =	simm.s32 $0x8200  }
0x498: {  	[tilespmem:s1], [sflag:$0x2] =	stream.indirect_vreg.gather [hbm4b:s20+s7], $0x80, v3, vm0, $0xb8;
	[tilespmem:$0x18200] =	vst v63  }
0x499: {  	s1 =	simm.s32 $0x8A00  }
0x49a: {  	[tilespmem:s1], [sflag:$0x2] =	stream.indirect_vreg.gather [hbm4b:s21+s7], $0x80, v3, vm0, $0xb8;
	[tilespmem:$0x18200] =	vst v63  }
0x49b: {  	v3 =	vld [tilespmem:$0x90];
	_ =	sdelay $0x4  }
0x49c: {  	v59 =	vshrl.u32 v3, $0x3  }
0x49d: {  	v4 =	vmul.u32 $0x30, v59  }
0x49e: {  	v3 =	vand.u32 $0x7, v3  }
0x49f: {  	v3 =	vor.u32 v3, v4  }
0x4a0: {  	v4 =	vperm.xlane v3, v0;
	_ =	sdelay $0x1  }
0x4a1: {  	v4 =	vadd.s32 v1, v4;
	_ =	sdelay $0x3  }
0x4a2: {  	s1 =	simm.s32 $0x9200;
	v3 =	vperm.xlane v3, v2  }
0x4a3: {  	[tilespmem:s1], [sflag:$0x2] =	stream.indirect_vreg.gather [hbm4b:s4+s7], $0x80, v4, vm0, $0xb8;
	[tilespmem:$0x18200] =	vst v63  }
0x4a4: {  	v3 =	vadd.s32 v1, v3;
	s1 =	simm.s32 $0x9A00  }
0x4a5: {  	[tilespmem:s1], [sflag:$0x2] =	stream.indirect_vreg.gather [hbm4b:s20+s7], $0x80, v4, vm0, $0xb8;
	[tilespmem:$0x18200] =	vst v63  }
0x4a6: {  	s1 =	simm.s32 $0xA200  }
0x4a7: {  	[tilespmem:s1], [sflag:$0x2] =	stream.indirect_vreg.gather [hbm4b:s21+s7], $0x80, v4, vm0, $0xb8;
	[tilespmem:$0x18200] =	vst v63  }
0x4a8: {  	s1 =	simm.s32 $0xAA00  }
0x4a9: {  	[tilespmem:s1], [sflag:$0x2] =	stream.indirect_vreg.gather [hbm4b:s4+s7], $0x80, v3, vm0, $0xb8;
	[tilespmem:$0x18200] =	vst v63  }
0x4aa: {  	s1 =	simm.s32 $0xB200  }
0x4ab: {  	[tilespmem:s1], [sflag:$0x2] =	stream.indirect_vreg.gather [hbm4b:s20+s7], $0x80, v3, vm0, $0xb8;
	[tilespmem:$0x18200] =	vst v63  }
0x4ac: {  	s1 =	simm.s32 $0xBA00  }
0x4ad: {  	[tilespmem:s1], [sflag:$0x2] =	stream.indirect_vreg.gather [hbm4b:s21+s7], $0x80, v3, vm0, $0xb8;
	[tilespmem:$0x18200] =	vst v63  }
0x4ae: {  	_ =	swait.ge [sflag:s31], $0x6000  }
0x4af: {  	s0 =	sld [smem:$0x7F1]  }
0x4b0: {  	[sflag:s31] =	ssyncset.done $0x0  }
0x4b1: {  	s1 =	sld [smem:$0x7F2];
	[sflag:s31] =	ssyncadd.s32 $0xFFFFA000  }
0x4b2: {  	[hbm4b:s0+s7] =	stream.linear.scatter [tilespmem:s30], [sflag:$0x8], $0x6000, $0x38;
	[tilespmem:$0x18200] =	vst v63  }
0x4b3: {  	_ = 	snop  }
0x4b4: {  	[hbm4b:s1+s7] =	stream.linear.scatter [tilespmem:s30], [sflag:$0x8], $0x6000, $0x38;
	[tilespmem:$0x18200] =	vst v63  }
0x4b5: {  	_ =	swait.ge [sflag:s23], $0x6000  }
0x4b6: {  	[sflag:s23] =	ssyncset.done $0x0  }
0x4b7: {  	[sflag:s23] =	ssyncadd.s32 $0xFFFFA000  }
0x4b8: {  	_ =	swait.ge [sflag:s23], $0x6000  }
0x4b9: {  	[sflag:s23] =	ssyncset.done $0x0  }
0x4ba: {  	[sflag:s23] =	ssyncadd.s32 $0xFFFFA000  }
0x4bb: {  	v3 =	vld [tilespmem:$0x100];
	_ =	sdelay $0x4  }
0x4bc: {  	v60 =	vshrl.u32 v3, $0x3  }
0x4bd: {  	v4 =	vmul.u32 $0x30, v60  }
0x4be: {  	v3 =	vand.u32 $0x7, v3  }
0x4bf: {  	v3 =	vor.u32 v3, v4  }
0x4c0: {  	v4 =	vperm.xlane v3, v0;
	_ =	sdelay $0x1  }
0x4c1: {  	v4 =	vadd.s32 v1, v4;
	_ =	sdelay $0x3  }
0x4c2: {  	v3 =	vperm.xlane v3, v2  }
0x4c3: {  	[tilespmem:s6], [sflag:$0x3] =	stream.indirect_vreg.gather [hbm4b:s4+s7], $0x80, v4, vm0, $0xb8;
	[tilespmem:$0x18200] =	vst v63  }
0x4c4: {  	s1 =	simm.s32 $0xCA00;
	v3 =	vadd.s32 v1, v3  }
0x4c5: {  	[tilespmem:s1], [sflag:$0x3] =	stream.indirect_vreg.gather [hbm4b:s20+s7], $0x80, v4, vm0, $0xb8;
	[tilespmem:$0x18200] =	vst v63  }
0x4c6: {  	s1 =	simm.s32 $0xD200  }
0x4c7: {  	[tilespmem:s1], [sflag:$0x3] =	stream.indirect_vreg.gather [hbm4b:s21+s7], $0x80, v4, vm0, $0xb8;
	[tilespmem:$0x18200] =	vst v63  }
0x4c8: {  	s1 =	simm.s32 $0xDA00  }
0x4c9: {  	[tilespmem:s1], [sflag:$0x3] =	stream.indirect_vreg.gather [hbm4b:s4+s7], $0x80, v3, vm0, $0xb8;
	[tilespmem:$0x18200] =	vst v63  }
0x4ca: {  	s1 =	simm.s32 $0xE200  }
0x4cb: {  	[tilespmem:s1], [sflag:$0x3] =	stream.indirect_vreg.gather [hbm4b:s20+s7], $0x80, v3, vm0, $0xb8;
	[tilespmem:$0x18200] =	vst v63  }
0x4cc: {  	s1 =	simm.s32 $0xEA00  }
0x4cd: {  	[tilespmem:s1], [sflag:$0x3] =	stream.indirect_vreg.gather [hbm4b:s21+s7], $0x80, v3, vm0, $0xb8;
	[tilespmem:$0x18200] =	vst v63  }
0x4ce: {  	v3 =	vld [tilespmem:$0x110];
	_ =	sdelay $0x4  }
0x4cf: {  	v61 =	vshrl.u32 v3, $0x3  }
0x4d0: {  	v4 =	vmul.u32 $0x30, v61  }
0x4d1: {  	v3 =	vand.u32 $0x7, v3  }
0x4d2: {  	v3 =	vor.u32 v3, v4  }
0x4d3: {  	v4 =	vperm.xlane v3, v0;
	_ =	sdelay $0x1  }
0x4d4: {  	v4 =	vadd.s32 v1, v4;
	_ =	sdelay $0x3  }
0x4d5: {  	s1 =	simm.s32 $0xF200;
	v3 =	vperm.xlane v3, v2  }
0x4d6: {  	[tilespmem:s1], [sflag:$0x3] =	stream.indirect_vreg.gather [hbm4b:s4+s7], $0x80, v4, vm0, $0xb8;
	[tilespmem:$0x18200] =	vst v63  }
0x4d7: {  	v3 =	vadd.s32 v1, v3;
	s1 =	simm.s32 $0xFA00  }
0x4d8: {  	[tilespmem:s1], [sflag:$0x3] =	stream.indirect_vreg.gather [hbm4b:s20+s7], $0x80, v4, vm0, $0xb8;
	[tilespmem:$0x18200] =	vst v63  }
0x4d9: {  	s1 =	simm.s32 $0x10200  }
0x4da: {  	[tilespmem:s1], [sflag:$0x3] =	stream.indirect_vreg.gather [hbm4b:s21+s7], $0x80, v4, vm0, $0xb8;
	[tilespmem:$0x18200] =	vst v63  }
0x4db: {  	s1 =	simm.s32 $0x10A00  }
0x4dc: {  	[tilespmem:s1], [sflag:$0x3] =	stream.indirect_vreg.gather [hbm4b:s4+s7], $0x80, v3, vm0, $0xb8;
	[tilespmem:$0x18200] =	vst v63  }
0x4dd: {  	s1 =	simm.s32 $0x11200  }
0x4de: {  	[tilespmem:s1], [sflag:$0x3] =	stream.indirect_vreg.gather [hbm4b:s20+s7], $0x80, v3, vm0, $0xb8;
	[tilespmem:$0x18200] =	vst v63  }
0x4df: {  	s1 =	simm.s32 $0x11A00  }
0x4e0: {  	[tilespmem:s1], [sflag:$0x3] =	stream.indirect_vreg.gather [hbm4b:s21+s7], $0x80, v3, vm0, $0xb8;
	[tilespmem:$0x18200] =	vst v63  }
0x4e1: {  	_ =	swait.ge [sflag:s29], $0x6000  }
0x4e2: {  	s0 =	sld [smem:$0x7F3]  }
0x4e3: {  	[sflag:s29] =	ssyncset.done $0x0  }
0x4e4: {  	s1 =	sld [smem:$0x7F4];
	[sflag:s29] =	ssyncadd.s32 $0xFFFFA000  }
0x4e5: {  	[hbm4b:s0+s7] =	stream.linear.scatter [tilespmem:s24], [sflag:$0x5], $0x6000, $0x38;
	[tilespmem:$0x18200] =	vst v63  }
0x4e6: {  	_ = 	snop  }
0x4e7: {  	[hbm4b:s1+s7] =	stream.linear.scatter [tilespmem:s24], [sflag:$0x5], $0x6000, $0x38;
	[tilespmem:$0x18200] =	vst v63  }
0x4e8: {  	_ =	swait.ge [sflag:s22], $0x6000  }
0x4e9: {  	[sflag:s22] =	ssyncset.done $0x0  }
0x4ea: {  	[sflag:s22] =	ssyncadd.s32 $0xFFFFA000  }
0x4eb: {  	_ =	swait.ge [sflag:s22], $0x6000  }
0x4ec: {  	[sflag:s22] =	ssyncset.done $0x0  }
0x4ed: {  	[sflag:s22] =	ssyncadd.s32 $0xFFFFA000  }
0x4ee: {  	v3 =	vld [tilespmem:$0x180];
	_ =	sdelay $0x4  }
0x4ef: {  	v62 =	vshrl.u32 v3, $0x3  }
0x4f0: {  	v4 =	vmul.u32 $0x30, v62  }
0x4f1: {  	v3 =	vand.u32 $0x7, v3  }
0x4f2: {  	v3 =	vor.u32 v3, v4  }
0x4f3: {  	v4 =	vperm.xlane v3, v0;
	_ =	sdelay $0x1  }
0x4f4: {  	v4 =	vadd.s32 v1, v4;
	_ =	sdelay $0x3  }
0x4f5: {  	v3 =	vperm.xlane v3, v2  }
0x4f6: {  	[tilespmem:s30], [sflag:$0x4] =	stream.indirect_vreg.gather [hbm4b:s4+s7], $0x80, v4, vm0, $0xb8;
	[tilespmem:$0x18200] =	vst v63  }
0x4f7: {  	s1 =	simm.s32 $0x12A00;
	v3 =	vadd.s32 v1, v3  }
0x4f8: {  	[tilespmem:s1], [sflag:$0x4] =	stream.indirect_vreg.gather [hbm4b:s20+s7], $0x80, v4, vm0, $0xb8;
	[tilespmem:$0x18200] =	vst v63  }
0x4f9: {  	s3 =	simm.s32 $0x13200  }
0x4fa: {  	[tilespmem:s3], [sflag:$0x4] =	stream.indirect_vreg.gather [hbm4b:s21+s7], $0x80, v4, vm0, $0xb8;
	[tilespmem:$0x18200] =	vst v63  }
0x4fb: {  	s1 =	simm.s32 $0x13A00  }
0x4fc: {  	[tilespmem:s1], [sflag:$0x4] =	stream.indirect_vreg.gather [hbm4b:s4+s7], $0x80, v3, vm0, $0xb8;
	[tilespmem:$0x18200] =	vst v63  }
0x4fd: {  	s3 =	simm.s32 $0x14200  }
0x4fe: {  	[tilespmem:s3], [sflag:$0x4] =	stream.indirect_vreg.gather [hbm4b:s20+s7], $0x80, v3, vm0, $0xb8;
	[tilespmem:$0x18200] =	vst v63  }
0x4ff: {  	s1 =	simm.s32 $0x14A00  }
0x500: {  	[tilespmem:s1], [sflag:$0x4] =	stream.indirect_vreg.gather [hbm4b:s21+s7], $0x80, v3, vm0, $0xb8;
	[tilespmem:$0x18200] =	vst v63  }
0x501: {  	v3 =	vld [tilespmem:$0x190];
	_ =	sdelay $0x4  }
0x502: {  	v63 =	vshrl.u32 v3, $0x3  }
0x503: {  	v4 =	vmul.u32 $0x30, v63  }
0x504: {  	v3 =	vand.u32 $0x7, v3  }
0x505: {  	v3 =	vor.u32 v3, v4  }
0x506: {  	v4 =	vperm.xlane v3, v0;
	_ =	sdelay $0x1  }
0x507: {  	v4 =	vadd.s32 v1, v4;
	_ =	sdelay $0x3  }
0x508: {  	s3 =	simm.s32 $0x15200;
	v3 =	vperm.xlane v3, v2  }
0x509: {  	[tilespmem:s3], [sflag:$0x4] =	stream.indirect_vreg.gather [hbm4b:s4+s7], $0x80, v4, vm0, $0xb8;
	[tilespmem:$0x18200] =	vst v63  }
0x50a: {  	s5 =	simm.s32 $0x15A00;
	v3 =	vadd.s32 v1, v3  }
0x50b: {  	[tilespmem:s5], [sflag:$0x4] =	stream.indirect_vreg.gather [hbm4b:s20+s7], $0x80, v4, vm0, $0xb8;
	[tilespmem:$0x18200] =	vst v63  }
0x50c: {  	s1 =	simm.s32 $0x16200  }
0x50d: {  	[tilespmem:s1], [sflag:$0x4] =	stream.indirect_vreg.gather [hbm4b:s21+s7], $0x80, v4, vm0, $0xb8;
	[tilespmem:$0x18200] =	vst v63  }
0x50e: {  	s2 =	simm.s32 $0x16A00  }
0x50f: {  	[tilespmem:s2], [sflag:$0x4] =	stream.indirect_vreg.gather [hbm4b:s4+s7], $0x80, v3, vm0, $0xb8;
	[tilespmem:$0x18200] =	vst v63  }
0x510: {  	s2 =	simm.s32 $0x17200  }
0x511: {  	[tilespmem:s2], [sflag:$0x4] =	stream.indirect_vreg.gather [hbm4b:s20+s7], $0x80, v3, vm0, $0xb8;
	[tilespmem:$0x18200] =	vst v63  }
0x512: {  	s3 =	simm.s32 $0x17A00  }
0x513: {  	[tilespmem:s3], [sflag:$0x4] =	stream.indirect_vreg.gather [hbm4b:s21+s7], $0x80, v3, vm0, $0xb8;
	[tilespmem:$0x18200] =	vst v63  }
0x514: {  	_ =	swait.ge [sflag:s8], $0x6000  }
0x515: {  	s4 =	sld [smem:$0x7F5]  }
0x516: {  	[sflag:s8] =	ssyncset.done $0x0  }
0x517: {  	s5 =	sld [smem:$0x7F6];
	[sflag:s8] =	ssyncadd.s32 $0xFFFFA000  }
0x518: {  	[hbm4b:s4+s7] =	stream.linear.scatter [tilespmem:s28], [sflag:$0x6], $0x6000, $0x38;
	[tilespmem:$0x18200] =	vst v63  }
0x519: {  	_ = 	snop  }
0x51a: {  	[hbm4b:s5+s7] =	stream.linear.scatter [tilespmem:s28], [sflag:$0x6], $0x6000, $0x38;
	[tilespmem:$0x18200] =	vst v63  }
0x51b: {  	_ =	swait.ge [sflag:s25], $0x6000  }
0x51c: {  	s1 =	sld [smem:$0x7F7]  }
0x51d: {  	[sflag:s25] =	ssyncset.done $0x0  }
0x51e: {  	s2 =	sld [smem:$0x7F8];
	[sflag:s25] =	ssyncadd.s32 $0xFFFFA000  }
0x51f: {  	[hbm4b:s1+s7] =	stream.linear.scatter [tilespmem:s6], [sflag:$0x7], $0x6000, $0x38;
	[tilespmem:$0x18200] =	vst v63  }
0x520: {  	_ = 	snop  }
0x521: {  	[hbm4b:s2+s7] =	stream.linear.scatter [tilespmem:s6], [sflag:$0x7], $0x6000, $0x38;
	[tilespmem:$0x18200] =	vst v63  }
0x522: {  	_ =	swait.ge [sflag:s31], $0x6000  }
0x523: {  	s3 =	sld [smem:$0x7F9]  }
0x524: {  	[sflag:s31] =	ssyncset.done $0x0  }
0x525: {  	s4 =	sld [smem:$0x7FA];
	[sflag:s31] =	ssyncadd.s32 $0xFFFFA000  }
0x526: {  	[hbm4b:s3+s7] =	stream.linear.scatter [tilespmem:s30], [sflag:$0x8], $0x6000, $0x38;
	[tilespmem:$0x18200] =	vst v63  }
0x527: {  	_ = 	snop  }
0x528: {  	[hbm4b:s4+s7] =	stream.linear.scatter [tilespmem:s30], [sflag:$0x8], $0x6000, $0x38;
	[tilespmem:$0x18200] =	vst v63  }
0x529: {  	s5 =	sld [smem:$0x7D7];
	_ =	swait.ge [sflag:s9], $0x6000  }
0x52a: {  	[sflag:s9] =	ssyncset.done $0x0  }
0x52b: {  	[sflag:s9] =	ssyncadd.s32 $0xFFFFA000  }
0x52c: {  	_ =	swait.ge [sflag:s9], $0x6000  }
0x52d: {  	[sflag:s9] =	ssyncset.done $0x0  }
0x52e: {  	[sflag:s9] =	ssyncadd.s32 $0xFFFFA000  }
0x52f: {  	_ =	swait.ge [sflag:s26], $0x6000  }
0x530: {  	[sflag:s26] =	ssyncset.done $0x0  }
0x531: {  	[sflag:s26] =	ssyncadd.s32 $0xFFFFA000  }
0x532: {  	_ =	swait.ge [sflag:s26], $0x6000  }
0x533: {  	[sflag:s26] =	ssyncset.done $0x0  }
0x534: {  	[sflag:s26] =	ssyncadd.s32 $0xFFFFA000  }
0x535: {  	_ =	swait.ge [sflag:s23], $0x6000  }
0x536: {  	[sflag:s23] =	ssyncset.done $0x0  }
0x537: {  	[sflag:s23] =	ssyncadd.s32 $0xFFFFA000  }
0x538: {  	_ =	swait.ge [sflag:s23], $0x6000  }
0x539: {  	[sflag:s23] =	ssyncset.done $0x0  }
0x53a: {  	[sflag:s23] =	ssyncadd.s32 $0xFFFFA000  }
0x53b: {  	p0 =	sne.s32 s5, $0x1;
	_ =	swait.ge [sflag:s22], $0x6000  }
.Ltmp0:
0x53c: {  	[sflag:s22] =	ssyncset.done $0x0;
	(pc) =	sbr.rel @p0 .LBB3_1-.Ltmp0, $4  }
0x53d: {  	[sflag:s22] =	ssyncadd.s32 $0xFFFFA000  }
0x53e: {  	_ =	swait.ge [sflag:s22], $0x6000  }
0x53f: {  	[sflag:s22] =	ssyncset.done $0x0  }
0x540: {  	s0 =	sadd.s32 $0xFFFFFFFF, s5;
	[sflag:s22] =	ssyncadd.s32 $0xFFFFA000  }
0x541: {  	_ =	sfence.sel $0x180000  }
0x542: {  	[bflag:$0x0] =	sbarrier.arrive $0xFFFF  }
0x543: {  	_ =	strace $0x90000047  }
0x544: {  	s0 =	stileid.u32;
	[bflag:$0x2] =	sbarrier.arrive $0xFFFF  }
0x545: {  	p0 =	sne.s32 s0, $0x0;
	s0 =	sld [smem:$0x7D8];
	_ =	sdelay $0x2  }
0x546: {  	s0 =	sadd.s32 @!p0 $0x100000, s0  }
0x547: {  	[sflag:s0] =	ssyncadd.tile.s32 @!p0 $0x1;
	_ =	shalt  }
.Lfunc_end3:
_tile_overlayer_lowered:
.L_overlay_start_3:
0x548: {  	(tag) =	ssettag $0x3  }
0x549: {  	s0 =	rddreg [dreg:$0x0];
	s2 =	stileid.u32  }
0x54a: {  	s1 =	rddreg [dreg:$0x1];
	p0 =	sne.s32 s2, $0x0  }
0x54b: {  	s3 =	rddreg [dreg:$0x2];
	[bflag:$0x3] =	sbarrier.arrive $0xFFFF;
	s2 =	simm.s32 @!p0 $0x1C09  }
0x54c: {  	[timem:s3], [sflag:s2] =	dma.local @!p0 [hbm:s0], s1  }
0x54d: {  	s0 =	simm.s32 @!p0 $0x9  }
0x54e: {  	_ =	swait.ge @!p0 [sflag:s0], s1  }
0x54f: {  	s1 =	ssub.s32 @!p0 $0x0, s1;
	[sflag:s0] =	ssyncset.done @!p0 $0x0  }
0x550: {  	[sflag:s0] =	ssyncadd.s32 @!p0 s1  }
0x551: {  	[bflag:$0x3] =	sbarrier.arrive $0xFFFF  }
0x552: {  	_ =	shalt  }

</sc_bundles>
